<compile_context>
chip_gen: v7x
topology: tpu7x:2x2x1
jax: 0.10.2.dev20260603
libtpu: 0.0.44.dev20260713+nightly
codegen_flags: <defaults>
</compile_context>

<pallas_src>
import functools

import jax
import jax.numpy as jnp
from jax import lax
from jax.experimental import pallas as pl
from jax.experimental.pallas import tpu as pltpu
from jax.experimental.pallas import tpu_sc as plsc

N_TABLES = 26
TABLE_SIZE = 100000
EMBED_DIM = 32
BATCH = 16384
NUM_WORKERS = 32
B_PER_W = BATCH // NUM_WORKERS
NBUF = 3
CB = 32
NUM_CHUNKS = B_PER_W // CB

_mesh = plsc.VectorSubcoreMesh(core_axis_name="c", subcore_axis_name="s")


@functools.partial(
    pl.kernel,
    mesh=_mesh,
    out_type=jax.ShapeDtypeStruct((BATCH * N_TABLES, EMBED_DIM), jnp.bfloat16),
    scratch_types=[
        pltpu.VMEM((B_PER_W, 32), jnp.int32),
        pltpu.VMEM((1, B_PER_W * N_TABLES), jnp.int32),
        pltpu.VMEM((NBUF, CB * N_TABLES, EMBED_DIM), jnp.bfloat16),
        pltpu.SemaphoreType.DMA((NBUF,)),
        pltpu.SemaphoreType.DMA((NBUF,)),
    ],
    compiler_params=pltpu.CompilerParams(use_tc_tiling_on_sc=False),
)
def _embed(idx_hbm, table_hbm, out_hbm, idx_v, idx_f, rows_v, gsem, wsem):
    wid = lax.axis_index("s") * 2 + lax.axis_index("c")
    b0 = wid * B_PER_W

    pltpu.sync_copy(idx_hbm.at[pl.ds(b0, B_PER_W)], idx_v)

    i16 = lax.broadcasted_iota(jnp.int32, (16,), 0)
    off_a = i16 * TABLE_SIZE
    off_b = (i16 + 10) * TABLE_SIZE

    def row_body(r, _):
        idx_f[0, pl.ds(r * N_TABLES, 16)] = idx_v[r, pl.ds(0, 16)] + off_a
        idx_f[0, pl.ds(r * N_TABLES + 10, 16)] = (
            idx_v[r, pl.ds(10, 16)] + off_b
        )
        return 0

    lax.fori_loop(0, B_PER_W, row_body, 0)

    CHUNK = CB * N_TABLES
    out_flat = out_hbm
    row0 = b0 * N_TABLES

    def start_gather(c):
        b = c % NBUF
        pltpu.async_copy(
            table_hbm.at[idx_f.at[0, pl.ds(c * CHUNK, CHUNK)]],
            rows_v.at[b],
            gsem.at[b],
        )

    def wait_gather(c):
        b = c % NBUF
        pltpu.make_async_copy(
            table_hbm.at[idx_f.at[0, pl.ds(c * CHUNK, CHUNK)]],
            rows_v.at[b],
            gsem.at[b],
        ).wait()

    def start_writeback(c):
        b = c % NBUF
        pltpu.async_copy(
            rows_v.at[b],
            out_flat.at[pl.ds(row0 + c * CHUNK, CHUNK)],
            wsem.at[b],
        )

    def wait_writeback(c):
        b = c % NBUF
        pltpu.make_async_copy(
            rows_v.at[b],
            out_flat.at[pl.ds(row0 + c * CHUNK, CHUNK)],
            wsem.at[b],
        ).wait()

    for c in range(NBUF - 1):
        start_gather(c)
    for c in range(NUM_CHUNKS):
        wait_gather(c)
        start_writeback(c)
        nxt = c + NBUF - 1
        if nxt < NUM_CHUNKS:
            if c >= 1:
                wait_writeback(nxt - NBUF)
            start_gather(nxt)
    for c in range(NUM_CHUNKS - NBUF, NUM_CHUNKS):
        wait_writeback(c)


def kernel(indices, embedding_table):
    idx_padded = jnp.pad(indices, ((0, 0), (0, 32 - N_TABLES)))
    table_bf16 = embedding_table.astype(jnp.bfloat16)
    out = _embed(idx_padded, table_bf16)
    return out.astype(jnp.float32).reshape(BATCH, N_TABLES, EMBED_DIM)

# --- scband reference (transcript-rebuilt; emitter-appended) ---
"""Pipeline reference for scband-joint-embedding-28355374088886 (READ-ONLY COPY).

The authoritative reference and input builder live on the scoring server;
editing this copy changes nothing except your own understanding.
"""

import jax, jax.numpy as jnp
import numpy as np
import math

TABLE_SIZES = [100000] * 26
EMBED_DIM = 32
BATCH = 16384


def _build_table(key):
    # JointEmbeddingInitializer: concat of per-table EmbeddingInitializer
    # uniform(-1/sqrt(table_size), 1/sqrt(table_size)) for each subtable.
    subtables = []
    for i, ts in enumerate(TABLE_SIZES):
        k = jax.random.fold_in(key, i)
        maxval = math.sqrt(1.0 / ts)
        sub = jax.random.uniform(k, (ts, EMBED_DIM), minval=-maxval, maxval=maxval, dtype=jnp.float32)
        subtables.append(sub)
    return jnp.concatenate(subtables, axis=0)


def setup_inputs(seed: int = 0) -> dict:
    key = jax.random.key(seed)
    k_idx, k_tab = jax.random.split(key)
    indices = jax.random.randint(k_idx, (BATCH, len(TABLE_SIZES)), 0, 100000, dtype=jnp.int32)
    embedding_table = _build_table(k_tab)
    return {"indices": indices, "embedding_table": embedding_table}


def reference(indices, embedding_table):
    offsets = jnp.cumsum(jnp.array([0] + TABLE_SIZES, dtype=jnp.int32))
    # indices: [B, n_tables]; shift each column into the joint table's row space
    ids = indices + offsets[:-1]
    # tf.nn.embedding_lookup -> gather rows
    out = jnp.take(embedding_table, ids, axis=0)
    return out

if __name__ == "__main__":
    import jax
    _d = setup_inputs()
    print(jax.jit(kernel)(*tuple(_d.values())))

</pallas_src>

<mosaic_0001>
#map = affine_map<(d0, d1) -> (0, 0)>
module attributes {stable_mosaic.version = 14 : i64} {
  func.func @_embed(%arg0: i32, %arg1: i32, %arg2: memref<16384x32xi32, #tpu.memory_space<hbm>>, %arg3: memref<2600000x32xbf16, #tpu.memory_space<hbm>>, %arg4: memref<425984x32xbf16, #tpu.memory_space<hbm>>, %arg5: memref<512x32xi32, #tpu.memory_space<vmem>>, %arg6: memref<1x13312xi32, #tpu.memory_space<vmem>>, %arg7: memref<3x832x32xbf16, #tpu.memory_space<vmem>>, %arg8: memref<3x!tpu.dma_semaphore, #tpu.memory_space<semaphore_mem>>, %arg9: memref<3x!tpu.dma_semaphore, #tpu.memory_space<semaphore_mem>>) attributes {dimension_semantics = [#tpu.dimension_semantics<core_parallel>, #tpu.dimension_semantics<subcore_parallel>], iteration_bounds = array<i64: 2, 16>, scalar_prefetch = 0 : i64, scratch_operands = 5 : i64, tpu.core_type = #tpu.core_type<sc_vector_subcore>, window_params = [{transform_indices = #map}, {transform_indices = #map}, {transform_indices = #map}]} {
    %mul3A = arith.constant 2 : i32
    %mul3A_0 = arith.muli %arg1, %mul3A : i32
    %add3A = arith.addi %mul3A_0, %arg0 : i32
    %mul3A_1 = arith.constant 512 : i32
    %mul3A_2 = arith.muli %add3A, %mul3A_1 : i32
    "tpu.region"() ({
      %run_scoped3A = tpu.sem_alloc : memref<!tpu.dma_semaphore, #tpu.memory_space<semaphore_mem>>
      %dma_start3A_1074 = arith.constant 0 : i32
      %dma_start3A_1075 = tpu.memref_slice %arg2[%mul3A_2, %dma_start3A_1074] : memref<16384x32xi32, #tpu.memory_space<hbm>> -> memref<512x32xi32, #tpu.memory_space<hbm>>
      %dma_start3A_1076 = arith.constant 0 : i32
      %dma_start3A_1077 = tpu.memref_slice %arg2[%mul3A_2, %dma_start3A_1076] : memref<16384x32xi32, #tpu.memory_space<hbm>> -> memref<512x32xi32, #tpu.memory_space<hbm>>
      tpu.enqueue_dma source(%dma_start3A_1077 : memref<512x32xi32, #tpu.memory_space<hbm>>) target(%arg5 : memref<512x32xi32, #tpu.memory_space<vmem>>) target_semaphore(%run_scoped3A : memref<!tpu.dma_semaphore, #tpu.memory_space<semaphore_mem>>)
      %dma_wait3A_1078 = arith.constant 0 : i32
      %dma_wait3A_1079 = tpu.memref_slice %arg2[%mul3A_2, %dma_wait3A_1078] : memref<16384x32xi32, #tpu.memory_space<hbm>> -> memref<512x32xi32, #tpu.memory_space<hbm>>
      %dma_wait3A_1080 = arith.constant 0 : i32
      %dma_wait3A_1081 = tpu.memref_slice %arg2[%mul3A_2, %dma_wait3A_1080] : memref<16384x32xi32, #tpu.memory_space<hbm>> -> memref<512x32xi32, #tpu.memory_space<hbm>>
      tpu.wait_dma2 semaphore(%run_scoped3A : memref<!tpu.dma_semaphore, #tpu.memory_space<semaphore_mem>>) src(%dma_wait3A_1081 : memref<512x32xi32, #tpu.memory_space<hbm>>) dst(%arg5 : memref<512x32xi32, #tpu.memory_space<vmem>>)
      tpu.yield
    }) : () -> ()
    %iota3A = tpu.iota {dimensions = array<i32: 0>} : vector<16xi32>
    %mul3A_3 = arith.constant 100000 : i32
    %mul3A_4 = vector.broadcast %mul3A_3 : i32 to vector<16xi32>
    %mul3A_5 = arith.muli %iota3A, %mul3A_4 : vector<16xi32>
    %add3A_6 = arith.constant 10 : i32
    %add3A_7 = vector.broadcast %add3A_6 : i32 to vector<16xi32>
    %add3A_8 = arith.addi %iota3A, %add3A_7 : vector<16xi32>
    %mul3A_9 = arith.constant 100000 : i32
    %mul3A_10 = vector.broadcast %mul3A_9 : i32 to vector<16xi32>
    %mul3A_11 = arith.muli %add3A_8, %mul3A_10 : vector<16xi32>
    %scan3A = arith.constant 0 : i32
    %scan3A_12 = arith.constant 0 : i32
    %scan3A_13 = arith.constant 512 : i32
    %scan3A_14 = arith.addi %scan3A_12, %scan3A_13 : i32
    %scan3A_15 = arith.constant 1 : i32
    %scan3A_16 = scf.for %scan3A_1074 = %scan3A_12 to %scan3A_14 step %scan3A_15 iter_args(%scan3A_1075 = %scan3A) -> (i32)  : i32 {
      %get3A = arith.index_cast %scan3A_1074 : i32 to index
      %get3A_1076 = arith.constant 0 : index
      %get3A_1077 = tpu.vector_load %arg5[%get3A, %get3A_1076] {strides = array<i32>} : memref<512x32xi32, #tpu.memory_space<vmem>>, vector<1x16xi32>,
      %get3A_1078 = vector.shape_cast %get3A_1077 : vector<1x16xi32> to vector<16xi32>
      %add3A_1079 = arith.addi %get3A_1078, %mul3A_5 : vector<16xi32>
      %mul3A_1080 = arith.constant 26 : i32
      %mul3A_1081 = arith.muli %scan3A_1074, %mul3A_1080 : i32
      %swap3A = arith.constant 0 : i32
      %swap3A_1082 = arith.index_cast %swap3A : i32 to index
      %swap3A_1083 = arith.index_cast %mul3A_1081 : i32 to index
      %swap3A_1084 = tpu.vector_load %arg6[%swap3A_1082, %swap3A_1083] {strides = array<i32>} : memref<1x13312xi32, #tpu.memory_space<vmem>>, vector<1x16xi32>,
      %swap3A_1085 = vector.shape_cast %swap3A_1084 : vector<1x16xi32> to vector<16xi32>
      %swap3A_1086 = vector.shape_cast %add3A_1079 : vector<16xi32> to vector<1x16xi32>
      tpu.vector_store %arg6[%swap3A_1082, %swap3A_1083], %swap3A_1086 {strides = array<i32>} : memref<1x13312xi32, #tpu.memory_space<vmem>>, vector<1x16xi32>,
      %get3A_1087 = arith.index_cast %scan3A_1074 : i32 to index
      %get3A_1088 = arith.constant 10 : index
      %get3A_1089 = tpu.vector_load %arg5[%get3A_1087, %get3A_1088] {strides = array<i32>} : memref<512x32xi32, #tpu.memory_space<vmem>>, vector<1x16xi32>,
      %get3A_1090 = vector.shape_cast %get3A_1089 : vector<1x16xi32> to vector<16xi32>
      %add3A_1091 = arith.addi %get3A_1090, %mul3A_11 : vector<16xi32>
      %mul3A_1092 = arith.constant 26 : i32
      %mul3A_1093 = arith.muli %scan3A_1074, %mul3A_1092 : i32
      %add3A_1094 = arith.constant 10 : i32
      %add3A_1095 = arith.addi %mul3A_1093, %add3A_1094 : i32
      %swap3A_1096 = arith.constant 0 : i32
      %swap3A_1097 = arith.index_cast %swap3A_1096 : i32 to index
      %swap3A_1098 = arith.index_cast %add3A_1095 : i32 to index
      %swap3A_1099 = tpu.vector_load %arg6[%swap3A_1097, %swap3A_1098] {strides = array<i32>} : memref<1x13312xi32, #tpu.memory_space<vmem>>, vector<1x16xi32>,
      %swap3A_1100 = vector.shape_cast %swap3A_1099 : vector<1x16xi32> to vector<16xi32>
      %swap3A_1101 = vector.shape_cast %add3A_1091 : vector<16xi32> to vector<1x16xi32>
      tpu.vector_store %arg6[%swap3A_1097, %swap3A_1098], %swap3A_1101 {strides = array<i32>} : memref<1x13312xi32, #tpu.memory_space<vmem>>, vector<1x16xi32>,
      %scan3A_1102 = arith.constant 0 : i32
      scf.yield %scan3A_1102 : i32
    }
    %scan3A_17 = arith.constant 512 : i32
    %mul3A_18 = arith.constant 26 : i32
    %mul3A_19 = arith.muli %mul3A_2, %mul3A_18 : i32
    %dma_start3A = arith.constant 0 : i32
    %dma_start3A_20 = arith.constant 0 : i32
    %dma_start3A_21 = arith.constant 0 : i32
    %dma_start3A_22 = arith.constant 0 : i32
    %dma_start3A_23 = arith.constant 0 : i32
    %dma_start3A_24 = tpu.memref_slice %arg7[%dma_start3A_20, %dma_start3A_22, %dma_start3A_23] : memref<3x832x32xbf16, #tpu.memory_space<vmem>> -> memref<1x832x32xbf16, #tpu.memory_space<vmem>>
    %dma_start3A_25 = tpu.memref_squeeze %dma_start3A_24 : memref<1x832x32xbf16, #tpu.memory_space<vmem>> -> memref<832x32xbf16, #tpu.memory_space<vmem>>
    %dma_start3A_26 = arith.constant 0 : i32
    %dma_start3A_27 = tpu.memref_slice %arg6[%dma_start3A, %dma_start3A_26] : memref<1x13312xi32, #tpu.memory_space<vmem>> -> memref<1x832xi32, #tpu.memory_space<vmem>>
    %dma_start3A_28 = tpu.memref_squeeze %dma_start3A_27 : memref<1x832xi32, #tpu.memory_space<vmem>> -> memref<832xi32, #tpu.memory_space<vmem>>
    %dma_start3A_29 = arith.constant 0 : i32
    %dma_start3A_30 = arith.constant 0 : i32
    %dma_start3A_31 = tpu.memref_slice %arg3[%dma_start3A_29, %dma_start3A_30] : memref<2600000x32xbf16, #tpu.memory_space<hbm>> -> memref<2600000x32xbf16, #tpu.memory_space<hbm>>
    %dma_start3A_32 = tpu.memref_slice %arg8[%dma_start3A_21] : memref<3x!tpu.dma_semaphore, #tpu.memory_space<semaphore_mem>> -> memref<1x!tpu.dma_semaphore, #tpu.memory_space<semaphore_mem>>
    %dma_start3A_33 = tpu.memref_squeeze %dma_start3A_32 : memref<1x!tpu.dma_semaphore, #tpu.memory_space<semaphore_mem>> -> memref<!tpu.dma_semaphore, #tpu.memory_space<semaphore_mem>>
    tpu.enqueue_indirect_dma source(%dma_start3A_31 : memref<2600000x32xbf16, #tpu.memory_space<hbm>>) target(%dma_start3A_25 : memref<832x32xbf16, #tpu.memory_space<vmem>>) offsets(%dma_start3A_28 : memref<832xi32, #tpu.memory_space<vmem>>) semaphore(%dma_start3A_33 : memref<!tpu.dma_semaphore, #tpu.memory_space<semaphore_mem>>)
    %dma_start3A_34 = arith.constant 0 : i32
    %dma_start3A_35 = arith.constant 1 : i32
    %dma_start3A_36 = arith.constant 1 : i32
    %dma_start3A_37 = arith.constant 0 : i32
    %dma_start3A_38 = arith.constant 0 : i32
    %dma_start3A_39 = tpu.memref_slice %arg7[%dma_start3A_35, %dma_start3A_37, %dma_start3A_38] : memref<3x832x32xbf16, #tpu.memory_space<vmem>> -> memref<1x832x32xbf16, #tpu.memory_space<vmem>>
    %dma_start3A_40 = tpu.memref_squeeze %dma_start3A_39 : memref<1x832x32xbf16, #tpu.memory_space<vmem>> -> memref<832x32xbf16, #tpu.memory_space<vmem>>
    %dma_start3A_41 = arith.constant 832 : i32
    %dma_start3A_42 = tpu.memref_slice %arg6[%dma_start3A_34, %dma_start3A_41] : memref<1x13312xi32, #tpu.memory_space<vmem>> -> memref<1x832xi32, #tpu.memory_space<vmem>>
    %dma_start3A_43 = tpu.memref_squeeze %dma_start3A_42 : memref<1x832xi32, #tpu.memory_space<vmem>> -> memref<832xi32, #tpu.memory_space<vmem>>
    %dma_start3A_44 = arith.constant 0 : i32
    %dma_start3A_45 = arith.constant 0 : i32
    %dma_start3A_46 = tpu.memref_slice %arg3[%dma_start3A_44, %dma_start3A_45] : memref<2600000x32xbf16, #tpu.memory_space<hbm>> -> memref<2600000x32xbf16, #tpu.memory_space<hbm>>
    %dma_start3A_47 = tpu.memref_slice %arg8[%dma_start3A_36] : memref<3x!tpu.dma_semaphore, #tpu.memory_space<semaphore_mem>> -> memref<1x!tpu.dma_semaphore, #tpu.memory_space<semaphore_mem>>
    %dma_start3A_48 = tpu.memref_squeeze %dma_start3A_47 : memref<1x!tpu.dma_semaphore, #tpu.memory_space<semaphore_mem>> -> memref<!tpu.dma_semaphore, #tpu.memory_space<semaphore_mem>>
    tpu.enqueue_indirect_dma source(%dma_start3A_46 : memref<2600000x32xbf16, #tpu.memory_space<hbm>>) target(%dma_start3A_40 : memref<832x32xbf16, #tpu.memory_space<vmem>>) offsets(%dma_start3A_43 : memref<832xi32, #tpu.memory_space<vmem>>) semaphore(%dma_start3A_48 : memref<!tpu.dma_semaphore, #tpu.memory_space<semaphore_mem>>)
    %dma_wait3A = arith.constant 0 : i32
    %dma_wait3A_49 = arith.constant 0 : i32
    %dma_wait3A_50 = arith.constant 0 : i32
    %dma_wait3A_51 = arith.constant 0 : i32
    %dma_wait3A_52 = arith.constant 0 : i32
    %dma_wait3A_53 = tpu.memref_slice %arg7[%dma_wait3A_49, %dma_wait3A_51, %dma_wait3A_52] : memref<3x832x32xbf16, #tpu.memory_space<vmem>> -> memref<1x832x32xbf16, #tpu.memory_space<vmem>>
    %dma_wait3A_54 = tpu.memref_squeeze %dma_wait3A_53 : memref<1x832x32xbf16, #tpu.memory_space<vmem>> -> memref<832x32xbf16, #tpu.memory_space<vmem>>
    %dma_wait3A_55 = arith.constant 0 : i32
    %dma_wait3A_56 = tpu.memref_slice %arg6[%dma_wait3A, %dma_wait3A_55] : memref<1x13312xi32, #tpu.memory_space<vmem>> -> memref<1x832xi32, #tpu.memory_space<vmem>>
    %dma_wait3A_57 = tpu.memref_squeeze %dma_wait3A_56 : memref<1x832xi32, #tpu.memory_space<vmem>> -> memref<832xi32, #tpu.memory_space<vmem>>
    %dma_wait3A_58 = arith.constant 0 : i32
    %dma_wait3A_59 = arith.constant 0 : i32
    %dma_wait3A_60 = tpu.memref_slice %arg3[%dma_wait3A_58, %dma_wait3A_59] : memref<2600000x32xbf16, #tpu.memory_space<hbm>> -> memref<2600000x32xbf16, #tpu.memory_space<hbm>>
    %dma_wait3A_61 = tpu.memref_slice %arg8[%dma_wait3A_50] : memref<3x!tpu.dma_semaphore, #tpu.memory_space<semaphore_mem>> -> memref<1x!tpu.dma_semaphore, #tpu.memory_space<semaphore_mem>>
    %dma_wait3A_62 = tpu.memref_squeeze %dma_wait3A_61 : memref<1x!tpu.dma_semaphore, #tpu.memory_space<semaphore_mem>> -> memref<!tpu.dma_semaphore, #tpu.memory_space<semaphore_mem>>
    tpu.wait_indirect_dma semaphore(%dma_wait3A_62 : memref<!tpu.dma_semaphore, #tpu.memory_space<semaphore_mem>>) src(%dma_wait3A_60 : memref<2600000x32xbf16, #tpu.memory_space<hbm>>) dst(%dma_wait3A_54 : memref<832x32xbf16, #tpu.memory_space<vmem>>)
    %add3A_63 = arith.constant 0 : i32
    %add3A_64 = arith.addi %mul3A_19, %add3A_63 : i32
    %dma_start3A_65 = arith.constant 0 : i32
    %dma_start3A_66 = arith.constant 0 : i32
    %dma_start3A_67 = arith.constant 0 : i32
    %dma_start3A_68 = arith.constant 0 : i32
    %dma_start3A_69 = tpu.memref_slice %arg7[%dma_start3A_65, %dma_start3A_67, %dma_start3A_68] : memref<3x832x32xbf16, #tpu.memory_space<vmem>> -> memref<1x832x32xbf16, #tpu.memory_space<vmem>>
    %dma_start3A_70 = tpu.memref_squeeze %dma_start3A_69 : memref<1x832x32xbf16, #tpu.memory_space<vmem>> -> memref<832x32xbf16, #tpu.memory_space<vmem>>
    %dma_start3A_71 = arith.constant 0 : i32
    %dma_start3A_72 = tpu.memref_slice %arg4[%add3A_64, %dma_start3A_71] : memref<425984x32xbf16, #tpu.memory_space<hbm>> -> memref<832x32xbf16, #tpu.memory_space<hbm>>
    %dma_start3A_73 = tpu.memref_slice %arg9[%dma_start3A_66] : memref<3x!tpu.dma_semaphore, #tpu.memory_space<semaphore_mem>> -> memref<1x!tpu.dma_semaphore, #tpu.memory_space<semaphore_mem>>
    %dma_start3A_74 = tpu.memref_squeeze %dma_start3A_73 : memref<1x!tpu.dma_semaphore, #tpu.memory_space<semaphore_mem>> -> memref<!tpu.dma_semaphore, #tpu.memory_space<semaphore_mem>>
    %dma_start3A_75 = arith.constant 0 : i32
    %dma_start3A_76 = tpu.memref_slice %arg4[%add3A_64, %dma_start3A_75] : memref<425984x32xbf16, #tpu.memory_space<hbm>> -> memref<832x32xbf16, #tpu.memory_space<hbm>>
    %dma_start3A_77 = arith.constant 0 : i32
    %dma_start3A_78 = arith.constant 0 : i32
    %dma_start3A_79 = tpu.memref_slice %arg7[%dma_start3A_65, %dma_start3A_77, %dma_start3A_78] : memref<3x832x32xbf16, #tpu.memory_space<vmem>> -> memref<1x832x32xbf16, #tpu.memory_space<vmem>>
    %dma_start3A_80 = tpu.memref_squeeze %dma_start3A_79 : memref<1x832x32xbf16, #tpu.memory_space<vmem>> -> memref<832x32xbf16, #tpu.memory_space<vmem>>
    tpu.enqueue_dma source(%dma_start3A_80 : memref<832x32xbf16, #tpu.memory_space<vmem>>) target(%dma_start3A_76 : memref<832x32xbf16, #tpu.memory_space<hbm>>) target_semaphore(%dma_start3A_74 : memref<!tpu.dma_semaphore, #tpu.memory_space<semaphore_mem>>)
    %dma_start3A_81 = arith.constant 0 : i32
    %dma_start3A_82 = arith.constant 2 : i32
    %dma_start3A_83 = arith.constant 2 : i32
    %dma_start3A_84 = arith.constant 0 : i32
    %dma_start3A_85 = arith.constant 0 : i32
    %dma_start3A_86 = tpu.memref_slice %arg7[%dma_start3A_82, %dma_start3A_84, %dma_start3A_85] : memref<3x832x32xbf16, #tpu.memory_space<vmem>> -> memref<1x832x32xbf16, #tpu.memory_space<vmem>>
    %dma_start3A_87 = tpu.memref_squeeze %dma_start3A_86 : memref<1x832x32xbf16, #tpu.memory_space<vmem>> -> memref<832x32xbf16, #tpu.memory_space<vmem>>
    %dma_start3A_88 = arith.constant 1664 : i32
    %dma_start3A_89 = tpu.memref_slice %arg6[%dma_start3A_81, %dma_start3A_88] : memref<1x13312xi32, #tpu.memory_space<vmem>> -> memref<1x832xi32, #tpu.memory_space<vmem>>
    %dma_start3A_90 = tpu.memref_squeeze %dma_start3A_89 : memref<1x832xi32, #tpu.memory_space<vmem>> -> memref<832xi32, #tpu.memory_space<vmem>>
    %dma_start3A_91 = arith.constant 0 : i32
    %dma_start3A_92 = arith.constant 0 : i32
    %dma_start3A_93 = tpu.memref_slice %arg3[%dma_start3A_91, %dma_start3A_92] : memref<2600000x32xbf16, #tpu.memory_space<hbm>> -> memref<2600000x32xbf16, #tpu.memory_space<hbm>>
    %dma_start3A_94 = tpu.memref_slice %arg8[%dma_start3A_83] : memref<3x!tpu.dma_semaphore, #tpu.memory_space<semaphore_mem>> -> memref<1x!tpu.dma_semaphore, #tpu.memory_space<semaphore_mem>>
    %dma_start3A_95 = tpu.memref_squeeze %dma_start3A_94 : memref<1x!tpu.dma_semaphore, #tpu.memory_space<semaphore_mem>> -> memref<!tpu.dma_semaphore, #tpu.memory_space<semaphore_mem>>
    tpu.enqueue_indirect_dma source(%dma_start3A_93 : memref<2600000x32xbf16, #tpu.memory_space<hbm>>) target(%dma_start3A_87 : memref<832x32xbf16, #tpu.memory_space<vmem>>) offsets(%dma_start3A_90 : memref<832xi32, #tpu.memory_space<vmem>>) semaphore(%dma_start3A_95 : memref<!tpu.dma_semaphore, #tpu.memory_space<semaphore_mem>>)
    %dma_wait3A_96 = arith.constant 0 : i32
    %dma_wait3A_97 = arith.constant 1 : i32
    %dma_wait3A_98 = arith.constant 1 : i32
    %dma_wait3A_99 = arith.constant 0 : i32
    %dma_wait3A_100 = arith.constant 0 : i32
    %dma_wait3A_101 = tpu.memref_slice %arg7[%dma_wait3A_97, %dma_wait3A_99, %dma_wait3A_100] : memref<3x832x32xbf16, #tpu.memory_space<vmem>> -> memref<1x832x32xbf16, #tpu.memory_space<vmem>>
    %dma_wait3A_102 = tpu.memref_squeeze %dma_wait3A_101 : memref<1x832x32xbf16, #tpu.memory_space<vmem>> -> memref<832x32xbf16, #tpu.memory_space<vmem>>
    %dma_wait3A_103 = arith.constant 832 : i32
    %dma_wait3A_104 = tpu.memref_slice %arg6[%dma_wait3A_96, %dma_wait3A_103] : memref<1x13312xi32, #tpu.memory_space<vmem>> -> memref<1x832xi32, #tpu.memory_space<vmem>>
    %dma_wait3A_105 = tpu.memref_squeeze %dma_wait3A_104 : memref<1x832xi32, #tpu.memory_space<vmem>> -> memref<832xi32, #tpu.memory_space<vmem>>
    %dma_wait3A_106 = arith.constant 0 : i32
    %dma_wait3A_107 = arith.constant 0 : i32
    %dma_wait3A_108 = tpu.memref_slice %arg3[%dma_wait3A_106, %dma_wait3A_107] : memref<2600000x32xbf16, #tpu.memory_space<hbm>> -> memref<2600000x32xbf16, #tpu.memory_space<hbm>>
    %dma_wait3A_109 = tpu.memref_slice %arg8[%dma_wait3A_98] : memref<3x!tpu.dma_semaphore, #tpu.memory_space<semaphore_mem>> -> memref<1x!tpu.dma_semaphore, #tpu.memory_space<semaphore_mem>>
    %dma_wait3A_110 = tpu.memref_squeeze %dma_wait3A_109 : memref<1x!tpu.dma_semaphore, #tpu.memory_space<semaphore_mem>> -> memref<!tpu.dma_semaphore, #tpu.memory_space<semaphore_mem>>
    tpu.wait_indirect_dma semaphore(%dma_wait3A_110 : memref<!tpu.dma_semaphore, #tpu.memory_space<semaphore_mem>>) src(%dma_wait3A_108 : memref<2600000x32xbf16, #tpu.memory_space<hbm>>) dst(%dma_wait3A_102 : memref<832x32xbf16, #tpu.memory_space<vmem>>)
    %add3A_111 = arith.constant 832 : i32
    %add3A_112 = arith.addi %mul3A_19, %add3A_111 : i32
    %dma_start3A_113 = arith.constant 1 : i32
    %dma_start3A_114 = arith.constant 1 : i32
    %dma_start3A_115 = arith.constant 0 : i32
    %dma_start3A_116 = arith.constant 0 : i32
    %dma_start3A_117 = tpu.memref_slice %arg7[%dma_start3A_113, %dma_start3A_115, %dma_start3A_116] : memref<3x832x32xbf16, #tpu.memory_space<vmem>> -> memref<1x832x32xbf16, #tpu.memory_space<vmem>>
    %dma_start3A_118 = tpu.memref_squeeze %dma_start3A_117 : memref<1x832x32xbf16, #tpu.memory_space<vmem>> -> memref<832x32xbf16, #tpu.memory_space<vmem>>
    %dma_start3A_119 = arith.constant 0 : i32
    %dma_start3A_120 = tpu.memref_slice %arg4[%add3A_112, %dma_start3A_119] : memref<425984x32xbf16, #tpu.memory_space<hbm>> -> memref<832x32xbf16, #tpu.memory_space<hbm>>
    %dma_start3A_121 = tpu.memref_slice %arg9[%dma_start3A_114] : memref<3x!tpu.dma_semaphore, #tpu.memory_space<semaphore_mem>> -> memref<1x!tpu.dma_semaphore, #tpu.memory_space<semaphore_mem>>
    %dma_start3A_122 = tpu.memref_squeeze %dma_start3A_121 : memref<1x!tpu.dma_semaphore, #tpu.memory_space<semaphore_mem>> -> memref<!tpu.dma_semaphore, #tpu.memory_space<semaphore_mem>>
    %dma_start3A_123 = arith.constant 0 : i32
    %dma_start3A_124 = tpu.memref_slice %arg4[%add3A_112, %dma_start3A_123] : memref<425984x32xbf16, #tpu.memory_space<hbm>> -> memref<832x32xbf16, #tpu.memory_space<hbm>>
    %dma_start3A_125 = arith.constant 0 : i32
    %dma_start3A_126 = arith.constant 0 : i32
    %dma_start3A_127 = tpu.memref_slice %arg7[%dma_start3A_113, %dma_start3A_125, %dma_start3A_126] : memref<3x832x32xbf16, #tpu.memory_space<vmem>> -> memref<1x832x32xbf16, #tpu.memory_space<vmem>>
    %dma_start3A_128 = tpu.memref_squeeze %dma_start3A_127 : memref<1x832x32xbf16, #tpu.memory_space<vmem>> -> memref<832x32xbf16, #tpu.memory_space<vmem>>
    tpu.enqueue_dma source(%dma_start3A_128 : memref<832x32xbf16, #tpu.memory_space<vmem>>) target(%dma_start3A_124 : memref<832x32xbf16, #tpu.memory_space<hbm>>) target_semaphore(%dma_start3A_122 : memref<!tpu.dma_semaphore, #tpu.memory_space<semaphore_mem>>)
    %add3A_129 = arith.constant 0 : i32
    %add3A_130 = arith.addi %mul3A_19, %add3A_129 : i32
    %dma_wait3A_131 = arith.constant 0 : i32
    %dma_wait3A_132 = arith.constant 0 : i32
    %dma_wait3A_133 = arith.constant 0 : i32
    %dma_wait3A_134 = arith.constant 0 : i32
    %dma_wait3A_135 = tpu.memref_slice %arg7[%dma_wait3A_131, %dma_wait3A_133, %dma_wait3A_134] : memref<3x832x32xbf16, #tpu.memory_space<vmem>> -> memref<1x832x32xbf16, #tpu.memory_space<vmem>>
    %dma_wait3A_136 = tpu.memref_squeeze %dma_wait3A_135 : memref<1x832x32xbf16, #tpu.memory_space<vmem>> -> memref<832x32xbf16, #tpu.memory_space<vmem>>
    %dma_wait3A_137 = arith.constant 0 : i32
    %dma_wait3A_138 = tpu.memref_slice %arg4[%add3A_130, %dma_wait3A_137] : memref<425984x32xbf16, #tpu.memory_space<hbm>> -> memref<832x32xbf16, #tpu.memory_space<hbm>>
    %dma_wait3A_139 = tpu.memref_slice %arg9[%dma_wait3A_132] : memref<3x!tpu.dma_semaphore, #tpu.memory_space<semaphore_mem>> -> memref<1x!tpu.dma_semaphore, #tpu.memory_space<semaphore_mem>>
    %dma_wait3A_140 = tpu.memref_squeeze %dma_wait3A_139 : memref<1x!tpu.dma_semaphore, #tpu.memory_space<semaphore_mem>> -> memref<!tpu.dma_semaphore, #tpu.memory_space<semaphore_mem>>
    %dma_wait3A_141 = arith.constant 0 : i32
    %dma_wait3A_142 = tpu.memref_slice %arg4[%add3A_130, %dma_wait3A_141] : memref<425984x32xbf16, #tpu.memory_space<hbm>> -> memref<832x32xbf16, #tpu.memory_space<hbm>>
    %dma_wait3A_143 = arith.constant 0 : i32
    %dma_wait3A_144 = arith.constant 0 : i32
    %dma_wait3A_145 = tpu.memref_slice %arg7[%dma_wait3A_131, %dma_wait3A_143, %dma_wait3A_144] : memref<3x832x32xbf16, #tpu.memory_space<vmem>> -> memref<1x832x32xbf16, #tpu.memory_space<vmem>>
    %dma_wait3A_146 = tpu.memref_squeeze %dma_wait3A_145 : memref<1x832x32xbf16, #tpu.memory_space<vmem>> -> memref<832x32xbf16, #tpu.memory_space<vmem>>
    tpu.wait_dma2 semaphore(%dma_wait3A_140 : memref<!tpu.dma_semaphore, #tpu.memory_space<semaphore_mem>>) src(%dma_wait3A_146 : memref<832x32xbf16, #tpu.memory_space<vmem>>) dst(%dma_wait3A_142 : memref<832x32xbf16, #tpu.memory_space<hbm>>)
    %dma_start3A_147 = arith.constant 0 : i32
    %dma_start3A_148 = arith.constant 0 : i32
    %dma_start3A_149 = arith.constant 0 : i32
    %dma_start3A_150 = arith.constant 0 : i32
    %dma_start3A_151 = arith.constant 0 : i32
    %dma_start3A_152 = tpu.memref_slice %arg7[%dma_start3A_148, %dma_start3A_150, %dma_start3A_151] : memref<3x832x32xbf16, #tpu.memory_space<vmem>> -> memref<1x832x32xbf16, #tpu.memory_space<vmem>>
    %dma_start3A_153 = tpu.memref_squeeze %dma_start3A_152 : memref<1x832x32xbf16, #tpu.memory_space<vmem>> -> memref<832x32xbf16, #tpu.memory_space<vmem>>
    %dma_start3A_154 = arith.constant 2496 : i32
    %dma_start3A_155 = tpu.memref_slice %arg6[%dma_start3A_147, %dma_start3A_154] : memref<1x13312xi32, #tpu.memory_space<vmem>> -> memref<1x832xi32, #tpu.memory_space<vmem>>
    %dma_start3A_156 = tpu.memref_squeeze %dma_start3A_155 : memref<1x832xi32, #tpu.memory_space<vmem>> -> memref<832xi32, #tpu.memory_space<vmem>>
    %dma_start3A_157 = arith.constant 0 : i32
    %dma_start3A_158 = arith.constant 0 : i32
    %dma_start3A_159 = tpu.memref_slice %arg3[%dma_start3A_157, %dma_start3A_158] : memref<2600000x32xbf16, #tpu.memory_space<hbm>> -> memref<2600000x32xbf16, #tpu.memory_space<hbm>>
    %dma_start3A_160 = tpu.memref_slice %arg8[%dma_start3A_149] : memref<3x!tpu.dma_semaphore, #tpu.memory_space<semaphore_mem>> -> memref<1x!tpu.dma_semaphore, #tpu.memory_space<semaphore_mem>>
    %dma_start3A_161 = tpu.memref_squeeze %dma_start3A_160 : memref<1x!tpu.dma_semaphore, #tpu.memory_space<semaphore_mem>> -> memref<!tpu.dma_semaphore, #tpu.memory_space<semaphore_mem>>
    tpu.enqueue_indirect_dma source(%dma_start3A_159 : memref<2600000x32xbf16, #tpu.memory_space<hbm>>) target(%dma_start3A_153 : memref<832x32xbf16, #tpu.memory_space<vmem>>) offsets(%dma_start3A_156 : memref<832xi32, #tpu.memory_space<vmem>>) semaphore(%dma_start3A_161 : memref<!tpu.dma_semaphore, #tpu.memory_space<semaphore_mem>>)
    %dma_wait3A_162 = arith.constant 0 : i32
    %dma_wait3A_163 = arith.constant 2 : i32
    %dma_wait3A_164 = arith.constant 2 : i32
    %dma_wait3A_165 = arith.constant 0 : i32
    %dma_wait3A_166 = arith.constant 0 : i32
    %dma_wait3A_167 = tpu.memref_slice %arg7[%dma_wait3A_163, %dma_wait3A_165, %dma_wait3A_166] : memref<3x832x32xbf16, #tpu.memory_space<vmem>> -> memref<1x832x32xbf16, #tpu.memory_space<vmem>>
    %dma_wait3A_168 = tpu.memref_squeeze %dma_wait3A_167 : memref<1x832x32xbf16, #tpu.memory_space<vmem>> -> memref<832x32xbf16, #tpu.memory_space<vmem>>
    %dma_wait3A_169 = arith.constant 1664 : i32
    %dma_wait3A_170 = tpu.memref_slice %arg6[%dma_wait3A_162, %dma_wait3A_169] : memref<1x13312xi32, #tpu.memory_space<vmem>> -> memref<1x832xi32, #tpu.memory_space<vmem>>
    %dma_wait3A_171 = tpu.memref_squeeze %dma_wait3A_170 : memref<1x832xi32, #tpu.memory_space<vmem>> -> memref<832xi32, #tpu.memory_space<vmem>>
    %dma_wait3A_172 = arith.constant 0 : i32
    %dma_wait3A_173 = arith.constant 0 : i32
    %dma_wait3A_174 = tpu.memref_slice %arg3[%dma_wait3A_172, %dma_wait3A_173] : memref<2600000x32xbf16, #tpu.memory_space<hbm>> -> memref<2600000x32xbf16, #tpu.memory_space<hbm>>
    %dma_wait3A_175 = tpu.memref_slice %arg8[%dma_wait3A_164] : memref<3x!tpu.dma_semaphore, #tpu.memory_space<semaphore_mem>> -> memref<1x!tpu.dma_semaphore, #tpu.memory_space<semaphore_mem>>
    %dma_wait3A_176 = tpu.memref_squeeze %dma_wait3A_175 : memref<1x!tpu.dma_semaphore, #tpu.memory_space<semaphore_mem>> -> memref<!tpu.dma_semaphore, #tpu.memory_space<semaphore_mem>>
    tpu.wait_indirect_dma semaphore(%dma_wait3A_176 : memref<!tpu.dma_semaphore, #tpu.memory_space<semaphore_mem>>) src(%dma_wait3A_174 : memref<2600000x32xbf16, #tpu.memory_space<hbm>>) dst(%dma_wait3A_168 : memref<832x32xbf16, #tpu.memory_space<vmem>>)
    %add3A_177 = arith.constant 1664 : i32
    %add3A_178 = arith.addi %mul3A_19, %add3A_177 : i32
    %dma_start3A_179 = arith.constant 2 : i32
    %dma_start3A_180 = arith.constant 2 : i32
    %dma_start3A_181 = arith.constant 0 : i32
    %dma_start3A_182 = arith.constant 0 : i32
    %dma_start3A_183 = tpu.memref_slice %arg7[%dma_start3A_179, %dma_start3A_181, %dma_start3A_182] : memref<3x832x32xbf16, #tpu.memory_space<vmem>> -> memref<1x832x32xbf16, #tpu.memory_space<vmem>>
    %dma_start3A_184 = tpu.memref_squeeze %dma_start3A_183 : memref<1x832x32xbf16, #tpu.memory_space<vmem>> -> memref<832x32xbf16, #tpu.memory_space<vmem>>
    %dma_start3A_185 = arith.constant 0 : i32
    %dma_start3A_186 = tpu.memref_slice %arg4[%add3A_178, %dma_start3A_185] : memref<425984x32xbf16, #tpu.memory_space<hbm>> -> memref<832x32xbf16, #tpu.memory_space<hbm>>
    %dma_start3A_187 = tpu.memref_slice %arg9[%dma_start3A_180] : memref<3x!tpu.dma_semaphore, #tpu.memory_space<semaphore_mem>> -> memref<1x!tpu.dma_semaphore, #tpu.memory_space<semaphore_mem>>
    %dma_start3A_188 = tpu.memref_squeeze %dma_start3A_187 : memref<1x!tpu.dma_semaphore, #tpu.memory_space<semaphore_mem>> -> memref<!tpu.dma_semaphore, #tpu.memory_space<semaphore_mem>>
    %dma_start3A_189 = arith.constant 0 : i32
    %dma_start3A_190 = tpu.memref_slice %arg4[%add3A_178, %dma_start3A_189] : memref<425984x32xbf16, #tpu.memory_space<hbm>> -> memref<832x32xbf16, #tpu.memory_space<hbm>>
    %dma_start3A_191 = arith.constant 0 : i32
    %dma_start3A_192 = arith.constant 0 : i32
    %dma_start3A_193 = tpu.memref_slice %arg7[%dma_start3A_179, %dma_start3A_191, %dma_start3A_192] : memref<3x832x32xbf16, #tpu.memory_space<vmem>> -> memref<1x832x32xbf16, #tpu.memory_space<vmem>>
    %dma_start3A_194 = tpu.memref_squeeze %dma_start3A_193 : memref<1x832x32xbf16, #tpu.memory_space<vmem>> -> memref<832x32xbf16, #tpu.memory_space<vmem>>
    tpu.enqueue_dma source(%dma_start3A_194 : memref<832x32xbf16, #tpu.memory_space<vmem>>) target(%dma_start3A_190 : memref<832x32xbf16, #tpu.memory_space<hbm>>) target_semaphore(%dma_start3A_188 : memref<!tpu.dma_semaphore, #tpu.memory_space<semaphore_mem>>)
    %add3A_195 = arith.constant 832 : i32
    %add3A_196 = arith.addi %mul3A_19, %add3A_195 : i32
    %dma_wait3A_197 = arith.constant 1 : i32
    %dma_wait3A_198 = arith.constant 1 : i32
    %dma_wait3A_199 = arith.constant 0 : i32
    %dma_wait3A_200 = arith.constant 0 : i32
    %dma_wait3A_201 = tpu.memref_slice %arg7[%dma_wait3A_197, %dma_wait3A_199, %dma_wait3A_200] : memref<3x832x32xbf16, #tpu.memory_space<vmem>> -> memref<1x832x32xbf16, #tpu.memory_space<vmem>>
    %dma_wait3A_202 = tpu.memref_squeeze %dma_wait3A_201 : memref<1x832x32xbf16, #tpu.memory_space<vmem>> -> memref<832x32xbf16, #tpu.memory_space<vmem>>
    %dma_wait3A_203 = arith.constant 0 : i32
    %dma_wait3A_204 = tpu.memref_slice %arg4[%add3A_196, %dma_wait3A_203] : memref<425984x32xbf16, #tpu.memory_space<hbm>> -> memref<832x32xbf16, #tpu.memory_space<hbm>>
    %dma_wait3A_205 = tpu.memref_slice %arg9[%dma_wait3A_198] : memref<3x!tpu.dma_semaphore, #tpu.memory_space<semaphore_mem>> -> memref<1x!tpu.dma_semaphore, #tpu.memory_space<semaphore_mem>>
    %dma_wait3A_206 = tpu.memref_squeeze %dma_wait3A_205 : memref<1x!tpu.dma_semaphore, #tpu.memory_space<semaphore_mem>> -> memref<!tpu.dma_semaphore, #tpu.memory_space<semaphore_mem>>
    %dma_wait3A_207 = arith.constant 0 : i32
    %dma_wait3A_208 = tpu.memref_slice %arg4[%add3A_196, %dma_wait3A_207] : memref<425984x32xbf16, #tpu.memory_space<hbm>> -> memref<832x32xbf16, #tpu.memory_space<hbm>>
    %dma_wait3A_209 = arith.constant 0 : i32
    %dma_wait3A_210 = arith.constant 0 : i32
    %dma_wait3A_211 = tpu.memref_slice %arg7[%dma_wait3A_197, %dma_wait3A_209, %dma_wait3A_210] : memref<3x832x32xbf16, #tpu.memory_space<vmem>> -> memref<1x832x32xbf16, #tpu.memory_space<vmem>>
    %dma_wait3A_212 = tpu.memref_squeeze %dma_wait3A_211 : memref<1x832x32xbf16, #tpu.memory_space<vmem>> -> memref<832x32xbf16, #tpu.memory_space<vmem>>
    tpu.wait_dma2 semaphore(%dma_wait3A_206 : memref<!tpu.dma_semaphore, #tpu.memory_space<semaphore_mem>>) src(%dma_wait3A_212 : memref<832x32xbf16, #tpu.memory_space<vmem>>) dst(%dma_wait3A_208 : memref<832x32xbf16, #tpu.memory_space<hbm>>)
    %dma_start3A_213 = arith.constant 0 : i32
    %dma_start3A_214 = arith.constant 1 : i32
    %dma_start3A_215 = arith.constant 1 : i32
    %dma_start3A_216 = arith.constant 0 : i32
    %dma_start3A_217 = arith.constant 0 : i32
    %dma_start3A_218 = tpu.memref_slice %arg7[%dma_start3A_214, %dma_start3A_216, %dma_start3A_217] : memref<3x832x32xbf16, #tpu.memory_space<vmem>> -> memref<1x832x32xbf16, #tpu.memory_space<vmem>>
    %dma_start3A_219 = tpu.memref_squeeze %dma_start3A_218 : memref<1x832x32xbf16, #tpu.memory_space<vmem>> -> memref<832x32xbf16, #tpu.memory_space<vmem>>
    %dma_start3A_220 = arith.constant 3328 : i32
    %dma_start3A_221 = tpu.memref_slice %arg6[%dma_start3A_213, %dma_start3A_220] : memref<1x13312xi32, #tpu.memory_space<vmem>> -> memref<1x832xi32, #tpu.memory_space<vmem>>
    %dma_start3A_222 = tpu.memref_squeeze %dma_start3A_221 : memref<1x832xi32, #tpu.memory_space<vmem>> -> memref<832xi32, #tpu.memory_space<vmem>>
    %dma_start3A_223 = arith.constant 0 : i32
    %dma_start3A_224 = arith.constant 0 : i32
    %dma_start3A_225 = tpu.memref_slice %arg3[%dma_start3A_223, %dma_start3A_224] : memref<2600000x32xbf16, #tpu.memory_space<hbm>> -> memref<2600000x32xbf16, #tpu.memory_space<hbm>>
    %dma_start3A_226 = tpu.memref_slice %arg8[%dma_start3A_215] : memref<3x!tpu.dma_semaphore, #tpu.memory_space<semaphore_mem>> -> memref<1x!tpu.dma_semaphore, #tpu.memory_space<semaphore_mem>>
    %dma_start3A_227 = tpu.memref_squeeze %dma_start3A_226 : memref<1x!tpu.dma_semaphore, #tpu.memory_space<semaphore_mem>> -> memref<!tpu.dma_semaphore, #tpu.memory_space<semaphore_mem>>
    tpu.enqueue_indirect_dma source(%dma_start3A_225 : memref<2600000x32xbf16, #tpu.memory_space<hbm>>) target(%dma_start3A_219 : memref<832x32xbf16, #tpu.memory_space<vmem>>) offsets(%dma_start3A_222 : memref<832xi32, #tpu.memory_space<vmem>>) semaphore(%dma_start3A_227 : memref<!tpu.dma_semaphore, #tpu.memory_space<semaphore_mem>>)
    %dma_wait3A_228 = arith.constant 0 : i32
    %dma_wait3A_229 = arith.constant 0 : i32
    %dma_wait3A_230 = arith.constant 0 : i32
    %dma_wait3A_231 = arith.constant 0 : i32
    %dma_wait3A_232 = arith.constant 0 : i32
    %dma_wait3A_233 = tpu.memref_slice %arg7[%dma_wait3A_229, %dma_wait3A_231, %dma_wait3A_232] : memref<3x832x32xbf16, #tpu.memory_space<vmem>> -> memref<1x832x32xbf16, #tpu.memory_space<vmem>>
    %dma_wait3A_234 = tpu.memref_squeeze %dma_wait3A_233 : memref<1x832x32xbf16, #tpu.memory_space<vmem>> -> memref<832x32xbf16, #tpu.memory_space<vmem>>
    %dma_wait3A_235 = arith.constant 2496 : i32
    %dma_wait3A_236 = tpu.memref_slice %arg6[%dma_wait3A_228, %dma_wait3A_235] : memref<1x13312xi32, #tpu.memory_space<vmem>> -> memref<1x832xi32, #tpu.memory_space<vmem>>
    %dma_wait3A_237 = tpu.memref_squeeze %dma_wait3A_236 : memref<1x832xi32, #tpu.memory_space<vmem>> -> memref<832xi32, #tpu.memory_space<vmem>>
    %dma_wait3A_238 = arith.constant 0 : i32
    %dma_wait3A_239 = arith.constant 0 : i32
    %dma_wait3A_240 = tpu.memref_slice %arg3[%dma_wait3A_238, %dma_wait3A_239] : memref<2600000x32xbf16, #tpu.memory_space<hbm>> -> memref<2600000x32xbf16, #tpu.memory_space<hbm>>
    %dma_wait3A_241 = tpu.memref_slice %arg8[%dma_wait3A_230] : memref<3x!tpu.dma_semaphore, #tpu.memory_space<semaphore_mem>> -> memref<1x!tpu.dma_semaphore, #tpu.memory_space<semaphore_mem>>
    %dma_wait3A_242 = tpu.memref_squeeze %dma_wait3A_241 : memref<1x!tpu.dma_semaphore, #tpu.memory_space<semaphore_mem>> -> memref<!tpu.dma_semaphore, #tpu.memory_space<semaphore_mem>>
    tpu.wait_indirect_dma semaphore(%dma_wait3A_242 : memref<!tpu.dma_semaphore, #tpu.memory_space<semaphore_mem>>) src(%dma_wait3A_240 : memref<2600000x32xbf16, #tpu.memory_space<hbm>>) dst(%dma_wait3A_234 : memref<832x32xbf16, #tpu.memory_space<vmem>>)
    %add3A_243 = arith.constant 2496 : i32
    %add3A_244 = arith.addi %mul3A_19, %add3A_243 : i32
    %dma_start3A_245 = arith.constant 0 : i32
    %dma_start3A_246 = arith.constant 0 : i32
    %dma_start3A_247 = arith.constant 0 : i32
    %dma_start3A_248 = arith.constant 0 : i32
    %dma_start3A_249 = tpu.memref_slice %arg7[%dma_start3A_245, %dma_start3A_247, %dma_start3A_248] : memref<3x832x32xbf16, #tpu.memory_space<vmem>> -> memref<1x832x32xbf16, #tpu.memory_space<vmem>>
    %dma_start3A_250 = tpu.memref_squeeze %dma_start3A_249 : memref<1x832x32xbf16, #tpu.memory_space<vmem>> -> memref<832x32xbf16, #tpu.memory_space<vmem>>
    %dma_start3A_251 = arith.constant 0 : i32
    %dma_start3A_252 = tpu.memref_slice %arg4[%add3A_244, %dma_start3A_251] : memref<425984x32xbf16, #tpu.memory_space<hbm>> -> memref<832x32xbf16, #tpu.memory_space<hbm>>
    %dma_start3A_253 = tpu.memref_slice %arg9[%dma_start3A_246] : memref<3x!tpu.dma_semaphore, #tpu.memory_space<semaphore_mem>> -> memref<1x!tpu.dma_semaphore, #tpu.memory_space<semaphore_mem>>
    %dma_start3A_254 = tpu.memref_squeeze %dma_start3A_253 : memref<1x!tpu.dma_semaphore, #tpu.memory_space<semaphore_mem>> -> memref<!tpu.dma_semaphore, #tpu.memory_space<semaphore_mem>>
    %dma_start3A_255 = arith.constant 0 : i32
    %dma_start3A_256 = tpu.memref_slice %arg4[%add3A_244, %dma_start3A_255] : memref<425984x32xbf16, #tpu.memory_space<hbm>> -> memref<832x32xbf16, #tpu.memory_space<hbm>>
    %dma_start3A_257 = arith.constant 0 : i32
    %dma_start3A_258 = arith.constant 0 : i32
    %dma_start3A_259 = tpu.memref_slice %arg7[%dma_start3A_245, %dma_start3A_257, %dma_start3A_258] : memref<3x832x32xbf16, #tpu.memory_space<vmem>> -> memref<1x832x32xbf16, #tpu.memory_space<vmem>>
    %dma_start3A_260 = tpu.memref_squeeze %dma_start3A_259 : memref<1x832x32xbf16, #tpu.memory_space<vmem>> -> memref<832x32xbf16, #tpu.memory_space<vmem>>
    tpu.enqueue_dma source(%dma_start3A_260 : memref<832x32xbf16, #tpu.memory_space<vmem>>) target(%dma_start3A_256 : memref<832x32xbf16, #tpu.memory_space<hbm>>) target_semaphore(%dma_start3A_254 : memref<!tpu.dma_semaphore, #tpu.memory_space<semaphore_mem>>)
    %add3A_261 = arith.constant 1664 : i32
    %add3A_262 = arith.addi %mul3A_19, %add3A_261 : i32
    %dma_wait3A_263 = arith.constant 2 : i32
    %dma_wait3A_264 = arith.constant 2 : i32
    %dma_wait3A_265 = arith.constant 0 : i32
    %dma_wait3A_266 = arith.constant 0 : i32
    %dma_wait3A_267 = tpu.memref_slice %arg7[%dma_wait3A_263, %dma_wait3A_265, %dma_wait3A_266] : memref<3x832x32xbf16, #tpu.memory_space<vmem>> -> memref<1x832x32xbf16, #tpu.memory_space<vmem>>
    %dma_wait3A_268 = tpu.memref_squeeze %dma_wait3A_267 : memref<1x832x32xbf16, #tpu.memory_space<vmem>> -> memref<832x32xbf16, #tpu.memory_space<vmem>>
    %dma_wait3A_269 = arith.constant 0 : i32
    %dma_wait3A_270 = tpu.memref_slice %arg4[%add3A_262, %dma_wait3A_269] : memref<425984x32xbf16, #tpu.memory_space<hbm>> -> memref<832x32xbf16, #tpu.memory_space<hbm>>
    %dma_wait3A_271 = tpu.memref_slice %arg9[%dma_wait3A_264] : memref<3x!tpu.dma_semaphore, #tpu.memory_space<semaphore_mem>> -> memref<1x!tpu.dma_semaphore, #tpu.memory_space<semaphore_mem>>
    %dma_wait3A_272 = tpu.memref_squeeze %dma_wait3A_271 : memref<1x!tpu.dma_semaphore, #tpu.memory_space<semaphore_mem>> -> memref<!tpu.dma_semaphore, #tpu.memory_space<semaphore_mem>>
    %dma_wait3A_273 = arith.constant 0 : i32
    %dma_wait3A_274 = tpu.memref_slice %arg4[%add3A_262, %dma_wait3A_273] : memref<425984x32xbf16, #tpu.memory_space<hbm>> -> memref<832x32xbf16, #tpu.memory_space<hbm>>
    %dma_wait3A_275 = arith.constant 0 : i32
    %dma_wait3A_276 = arith.constant 0 : i32
    %dma_wait3A_277 = tpu.memref_slice %arg7[%dma_wait3A_263, %dma_wait3A_275, %dma_wait3A_276] : memref<3x832x32xbf16, #tpu.memory_space<vmem>> -> memref<1x832x32xbf16, #tpu.memory_space<vmem>>
    %dma_wait3A_278 = tpu.memref_squeeze %dma_wait3A_277 : memref<1x832x32xbf16, #tpu.memory_space<vmem>> -> memref<832x32xbf16, #tpu.memory_space<vmem>>
    tpu.wait_dma2 semaphore(%dma_wait3A_272 : memref<!tpu.dma_semaphore, #tpu.memory_space<semaphore_mem>>) src(%dma_wait3A_278 : memref<832x32xbf16, #tpu.memory_space<vmem>>) dst(%dma_wait3A_274 : memref<832x32xbf16, #tpu.memory_space<hbm>>)
    %dma_start3A_279 = arith.constant 0 : i32
    %dma_start3A_280 = arith.constant 2 : i32
    %dma_start3A_281 = arith.constant 2 : i32
    %dma_start3A_282 = arith.constant 0 : i32
    %dma_start3A_283 = arith.constant 0 : i32
    %dma_start3A_284 = tpu.memref_slice %arg7[%dma_start3A_280, %dma_start3A_282, %dma_start3A_283] : memref<3x832x32xbf16, #tpu.memory_space<vmem>> -> memref<1x832x32xbf16, #tpu.memory_space<vmem>>
    %dma_start3A_285 = tpu.memref_squeeze %dma_start3A_284 : memref<1x832x32xbf16, #tpu.memory_space<vmem>> -> memref<832x32xbf16, #tpu.memory_space<vmem>>
    %dma_start3A_286 = arith.constant 4160 : i32
    %dma_start3A_287 = tpu.memref_slice %arg6[%dma_start3A_279, %dma_start3A_286] : memref<1x13312xi32, #tpu.memory_space<vmem>> -> memref<1x832xi32, #tpu.memory_space<vmem>>
    %dma_start3A_288 = tpu.memref_squeeze %dma_start3A_287 : memref<1x832xi32, #tpu.memory_space<vmem>> -> memref<832xi32, #tpu.memory_space<vmem>>
    %dma_start3A_289 = arith.constant 0 : i32
    %dma_start3A_290 = arith.constant 0 : i32
    %dma_start3A_291 = tpu.memref_slice %arg3[%dma_start3A_289, %dma_start3A_290] : memref<2600000x32xbf16, #tpu.memory_space<hbm>> -> memref<2600000x32xbf16, #tpu.memory_space<hbm>>
    %dma_start3A_292 = tpu.memref_slice %arg8[%dma_start3A_281] : memref<3x!tpu.dma_semaphore, #tpu.memory_space<semaphore_mem>> -> memref<1x!tpu.dma_semaphore, #tpu.memory_space<semaphore_mem>>
    %dma_start3A_293 = tpu.memref_squeeze %dma_start3A_292 : memref<1x!tpu.dma_semaphore, #tpu.memory_space<semaphore_mem>> -> memref<!tpu.dma_semaphore, #tpu.memory_space<semaphore_mem>>
    tpu.enqueue_indirect_dma source(%dma_start3A_291 : memref<2600000x32xbf16, #tpu.memory_space<hbm>>) target(%dma_start3A_285 : memref<832x32xbf16, #tpu.memory_space<vmem>>) offsets(%dma_start3A_288 : memref<832xi32, #tpu.memory_space<vmem>>) semaphore(%dma_start3A_293 : memref<!tpu.dma_semaphore, #tpu.memory_space<semaphore_mem>>)
    %dma_wait3A_294 = arith.constant 0 : i32
    %dma_wait3A_295 = arith.constant 1 : i32
    %dma_wait3A_296 = arith.constant 1 : i32
    %dma_wait3A_297 = arith.constant 0 : i32
    %dma_wait3A_298 = arith.constant 0 : i32
    %dma_wait3A_299 = tpu.memref_slice %arg7[%dma_wait3A_295, %dma_wait3A_297, %dma_wait3A_298] : memref<3x832x32xbf16, #tpu.memory_space<vmem>> -> memref<1x832x32xbf16, #tpu.memory_space<vmem>>
    %dma_wait3A_300 = tpu.memref_squeeze %dma_wait3A_299 : memref<1x832x32xbf16, #tpu.memory_space<vmem>> -> memref<832x32xbf16, #tpu.memory_space<vmem>>
    %dma_wait3A_301 = arith.constant 3328 : i32
    %dma_wait3A_302 = tpu.memref_slice %arg6[%dma_wait3A_294, %dma_wait3A_301] : memref<1x13312xi32, #tpu.memory_space<vmem>> -> memref<1x832xi32, #tpu.memory_space<vmem>>
    %dma_wait3A_303 = tpu.memref_squeeze %dma_wait3A_302 : memref<1x832xi32, #tpu.memory_space<vmem>> -> memref<832xi32, #tpu.memory_space<vmem>>
    %dma_wait3A_304 = arith.constant 0 : i32
    %dma_wait3A_305 = arith.constant 0 : i32
    %dma_wait3A_306 = tpu.memref_slice %arg3[%dma_wait3A_304, %dma_wait3A_305] : memref<2600000x32xbf16, #tpu.memory_space<hbm>> -> memref<2600000x32xbf16, #tpu.memory_space<hbm>>
    %dma_wait3A_307 = tpu.memref_slice %arg8[%dma_wait3A_296] : memref<3x!tpu.dma_semaphore, #tpu.memory_space<semaphore_mem>> -> memref<1x!tpu.dma_semaphore, #tpu.memory_space<semaphore_mem>>
    %dma_wait3A_308 = tpu.memref_squeeze %dma_wait3A_307 : memref<1x!tpu.dma_semaphore, #tpu.memory_space<semaphore_mem>> -> memref<!tpu.dma_semaphore, #tpu.memory_space<semaphore_mem>>
    tpu.wait_indirect_dma semaphore(%dma_wait3A_308 : memref<!tpu.dma_semaphore, #tpu.memory_space<semaphore_mem>>) src(%dma_wait3A_306 : memref<2600000x32xbf16, #tpu.memory_space<hbm>>) dst(%dma_wait3A_300 : memref<832x32xbf16, #tpu.memory_space<vmem>>)
    %add3A_309 = arith.constant 3328 : i32
    %add3A_310 = arith.addi %mul3A_19, %add3A_309 : i32
    %dma_start3A_311 = arith.constant 1 : i32
    %dma_start3A_312 = arith.constant 1 : i32
    %dma_start3A_313 = arith.constant 0 : i32
    %dma_start3A_314 = arith.constant 0 : i32
    %dma_start3A_315 = tpu.memref_slice %arg7[%dma_start3A_311, %dma_start3A_313, %dma_start3A_314] : memref<3x832x32xbf16, #tpu.memory_space<vmem>> -> memref<1x832x32xbf16, #tpu.memory_space<vmem>>
    %dma_start3A_316 = tpu.memref_squeeze %dma_start3A_315 : memref<1x832x32xbf16, #tpu.memory_space<vmem>> -> memref<832x32xbf16, #tpu.memory_space<vmem>>
    %dma_start3A_317 = arith.constant 0 : i32
    %dma_start3A_318 = tpu.memref_slice %arg4[%add3A_310, %dma_start3A_317] : memref<425984x32xbf16, #tpu.memory_space<hbm>> -> memref<832x32xbf16, #tpu.memory_space<hbm>>
    %dma_start3A_319 = tpu.memref_slice %arg9[%dma_start3A_312] : memref<3x!tpu.dma_semaphore, #tpu.memory_space<semaphore_mem>> -> memref<1x!tpu.dma_semaphore, #tpu.memory_space<semaphore_mem>>
    %dma_start3A_320 = tpu.memref_squeeze %dma_start3A_319 : memref<1x!tpu.dma_semaphore, #tpu.memory_space<semaphore_mem>> -> memref<!tpu.dma_semaphore, #tpu.memory_space<semaphore_mem>>
    %dma_start3A_321 = arith.constant 0 : i32
    %dma_start3A_322 = tpu.memref_slice %arg4[%add3A_310, %dma_start3A_321] : memref<425984x32xbf16, #tpu.memory_space<hbm>> -> memref<832x32xbf16, #tpu.memory_space<hbm>>
    %dma_start3A_323 = arith.constant 0 : i32
    %dma_start3A_324 = arith.constant 0 : i32
    %dma_start3A_325 = tpu.memref_slice %arg7[%dma_start3A_311, %dma_start3A_323, %dma_start3A_324] : memref<3x832x32xbf16, #tpu.memory_space<vmem>> -> memref<1x832x32xbf16, #tpu.memory_space<vmem>>
    %dma_start3A_326 = tpu.memref_squeeze %dma_start3A_325 : memref<1x832x32xbf16, #tpu.memory_space<vmem>> -> memref<832x32xbf16, #tpu.memory_space<vmem>>
    tpu.enqueue_dma source(%dma_start3A_326 : memref<832x32xbf16, #tpu.memory_space<vmem>>) target(%dma_start3A_322 : memref<832x32xbf16, #tpu.memory_space<hbm>>) target_semaphore(%dma_start3A_320 : memref<!tpu.dma_semaphore, #tpu.memory_space<semaphore_mem>>)
    %add3A_327 = arith.constant 2496 : i32
    %add3A_328 = arith.addi %mul3A_19, %add3A_327 : i32
    %dma_wait3A_329 = arith.constant 0 : i32
    %dma_wait3A_330 = arith.constant 0 : i32
    %dma_wait3A_331 = arith.constant 0 : i32
    %dma_wait3A_332 = arith.constant 0 : i32
    %dma_wait3A_333 = tpu.memref_slice %arg7[%dma_wait3A_329, %dma_wait3A_331, %dma_wait3A_332] : memref<3x832x32xbf16, #tpu.memory_space<vmem>> -> memref<1x832x32xbf16, #tpu.memory_space<vmem>>
    %dma_wait3A_334 = tpu.memref_squeeze %dma_wait3A_333 : memref<1x832x32xbf16, #tpu.memory_space<vmem>> -> memref<832x32xbf16, #tpu.memory_space<vmem>>
    %dma_wait3A_335 = arith.constant 0 : i32
    %dma_wait3A_336 = tpu.memref_slice %arg4[%add3A_328, %dma_wait3A_335] : memref<425984x32xbf16, #tpu.memory_space<hbm>> -> memref<832x32xbf16, #tpu.memory_space<hbm>>
    %dma_wait3A_337 = tpu.memref_slice %arg9[%dma_wait3A_330] : memref<3x!tpu.dma_semaphore, #tpu.memory_space<semaphore_mem>> -> memref<1x!tpu.dma_semaphore, #tpu.memory_space<semaphore_mem>>
    %dma_wait3A_338 = tpu.memref_squeeze %dma_wait3A_337 : memref<1x!tpu.dma_semaphore, #tpu.memory_space<semaphore_mem>> -> memref<!tpu.dma_semaphore, #tpu.memory_space<semaphore_mem>>
    %dma_wait3A_339 = arith.constant 0 : i32
    %dma_wait3A_340 = tpu.memref_slice %arg4[%add3A_328, %dma_wait3A_339] : memref<425984x32xbf16, #tpu.memory_space<hbm>> -> memref<832x32xbf16, #tpu.memory_space<hbm>>
    %dma_wait3A_341 = arith.constant 0 : i32
    %dma_wait3A_342 = arith.constant 0 : i32
    %dma_wait3A_343 = tpu.memref_slice %arg7[%dma_wait3A_329, %dma_wait3A_341, %dma_wait3A_342] : memref<3x832x32xbf16, #tpu.memory_space<vmem>> -> memref<1x832x32xbf16, #tpu.memory_space<vmem>>
    %dma_wait3A_344 = tpu.memref_squeeze %dma_wait3A_343 : memref<1x832x32xbf16, #tpu.memory_space<vmem>> -> memref<832x32xbf16, #tpu.memory_space<vmem>>
    tpu.wait_dma2 semaphore(%dma_wait3A_338 : memref<!tpu.dma_semaphore, #tpu.memory_space<semaphore_mem>>) src(%dma_wait3A_344 : memref<832x32xbf16, #tpu.memory_space<vmem>>) dst(%dma_wait3A_340 : memref<832x32xbf16, #tpu.memory_space<hbm>>)
    %dma_start3A_345 = arith.constant 0 : i32
    %dma_start3A_346 = arith.constant 0 : i32
    %dma_start3A_347 = arith.constant 0 : i32
    %dma_start3A_348 = arith.constant 0 : i32
    %dma_start3A_349 = arith.constant 0 : i32
    %dma_start3A_350 = tpu.memref_slice %arg7[%dma_start3A_346, %dma_start3A_348, %dma_start3A_349] : memref<3x832x32xbf16, #tpu.memory_space<vmem>> -> memref<1x832x32xbf16, #tpu.memory_space<vmem>>
    %dma_start3A_351 = tpu.memref_squeeze %dma_start3A_350 : memref<1x832x32xbf16, #tpu.memory_space<vmem>> -> memref<832x32xbf16, #tpu.memory_space<vmem>>
    %dma_start3A_352 = arith.constant 4992 : i32
    %dma_start3A_353 = tpu.memref_slice %arg6[%dma_start3A_345, %dma_start3A_352] : memref<1x13312xi32, #tpu.memory_space<vmem>> -> memref<1x832xi32, #tpu.memory_space<vmem>>
    %dma_start3A_354 = tpu.memref_squeeze %dma_start3A_353 : memref<1x832xi32, #tpu.memory_space<vmem>> -> memref<832xi32, #tpu.memory_space<vmem>>
    %dma_start3A_355 = arith.constant 0 : i32
    %dma_start3A_356 = arith.constant 0 : i32
    %dma_start3A_357 = tpu.memref_slice %arg3[%dma_start3A_355, %dma_start3A_356] : memref<2600000x32xbf16, #tpu.memory_space<hbm>> -> memref<2600000x32xbf16, #tpu.memory_space<hbm>>
    %dma_start3A_358 = tpu.memref_slice %arg8[%dma_start3A_347] : memref<3x!tpu.dma_semaphore, #tpu.memory_space<semaphore_mem>> -> memref<1x!tpu.dma_semaphore, #tpu.memory_space<semaphore_mem>>
    %dma_start3A_359 = tpu.memref_squeeze %dma_start3A_358 : memref<1x!tpu.dma_semaphore, #tpu.memory_space<semaphore_mem>> -> memref<!tpu.dma_semaphore, #tpu.memory_space<semaphore_mem>>
    tpu.enqueue_indirect_dma source(%dma_start3A_357 : memref<2600000x32xbf16, #tpu.memory_space<hbm>>) target(%dma_start3A_351 : memref<832x32xbf16, #tpu.memory_space<vmem>>) offsets(%dma_start3A_354 : memref<832xi32, #tpu.memory_space<vmem>>) semaphore(%dma_start3A_359 : memref<!tpu.dma_semaphore, #tpu.memory_space<semaphore_mem>>)
    %dma_wait3A_360 = arith.constant 0 : i32
    %dma_wait3A_361 = arith.constant 2 : i32
    %dma_wait3A_362 = arith.constant 2 : i32
    %dma_wait3A_363 = arith.constant 0 : i32
    %dma_wait3A_364 = arith.constant 0 : i32
    %dma_wait3A_365 = tpu.memref_slice %arg7[%dma_wait3A_361, %dma_wait3A_363, %dma_wait3A_364] : memref<3x832x32xbf16, #tpu.memory_space<vmem>> -> memref<1x832x32xbf16, #tpu.memory_space<vmem>>
    %dma_wait3A_366 = tpu.memref_squeeze %dma_wait3A_365 : memref<1x832x32xbf16, #tpu.memory_space<vmem>> -> memref<832x32xbf16, #tpu.memory_space<vmem>>
    %dma_wait3A_367 = arith.constant 4160 : i32
    %dma_wait3A_368 = tpu.memref_slice %arg6[%dma_wait3A_360, %dma_wait3A_367] : memref<1x13312xi32, #tpu.memory_space<vmem>> -> memref<1x832xi32, #tpu.memory_space<vmem>>
    %dma_wait3A_369 = tpu.memref_squeeze %dma_wait3A_368 : memref<1x832xi32, #tpu.memory_space<vmem>> -> memref<832xi32, #tpu.memory_space<vmem>>
    %dma_wait3A_370 = arith.constant 0 : i32
    %dma_wait3A_371 = arith.constant 0 : i32
    %dma_wait3A_372 = tpu.memref_slice %arg3[%dma_wait3A_370, %dma_wait3A_371] : memref<2600000x32xbf16, #tpu.memory_space<hbm>> -> memref<2600000x32xbf16, #tpu.memory_space<hbm>>
    %dma_wait3A_373 = tpu.memref_slice %arg8[%dma_wait3A_362] : memref<3x!tpu.dma_semaphore, #tpu.memory_space<semaphore_mem>> -> memref<1x!tpu.dma_semaphore, #tpu.memory_space<semaphore_mem>>
    %dma_wait3A_374 = tpu.memref_squeeze %dma_wait3A_373 : memref<1x!tpu.dma_semaphore, #tpu.memory_space<semaphore_mem>> -> memref<!tpu.dma_semaphore, #tpu.memory_space<semaphore_mem>>
    tpu.wait_indirect_dma semaphore(%dma_wait3A_374 : memref<!tpu.dma_semaphore, #tpu.memory_space<semaphore_mem>>) src(%dma_wait3A_372 : memref<2600000x32xbf16, #tpu.memory_space<hbm>>) dst(%dma_wait3A_366 : memref<832x32xbf16, #tpu.memory_space<vmem>>)
    %add3A_375 = arith.constant 4160 : i32
    %add3A_376 = arith.addi %mul3A_19, %add3A_375 : i32
    %dma_start3A_377 = arith.constant 2 : i32
    %dma_start3A_378 = arith.constant 2 : i32
    %dma_start3A_379 = arith.constant 0 : i32
    %dma_start3A_380 = arith.constant 0 : i32
    %dma_start3A_381 = tpu.memref_slice %arg7[%dma_start3A_377, %dma_start3A_379, %dma_start3A_380] : memref<3x832x32xbf16, #tpu.memory_space<vmem>> -> memref<1x832x32xbf16, #tpu.memory_space<vmem>>
    %dma_start3A_382 = tpu.memref_squeeze %dma_start3A_381 : memref<1x832x32xbf16, #tpu.memory_space<vmem>> -> memref<832x32xbf16, #tpu.memory_space<vmem>>
    %dma_start3A_383 = arith.constant 0 : i32
    %dma_start3A_384 = tpu.memref_slice %arg4[%add3A_376, %dma_start3A_383] : memref<425984x32xbf16, #tpu.memory_space<hbm>> -> memref<832x32xbf16, #tpu.memory_space<hbm>>
    %dma_start3A_385 = tpu.memref_slice %arg9[%dma_start3A_378] : memref<3x!tpu.dma_semaphore, #tpu.memory_space<semaphore_mem>> -> memref<1x!tpu.dma_semaphore, #tpu.memory_space<semaphore_mem>>
    %dma_start3A_386 = tpu.memref_squeeze %dma_start3A_385 : memref<1x!tpu.dma_semaphore, #tpu.memory_space<semaphore_mem>> -> memref<!tpu.dma_semaphore, #tpu.memory_space<semaphore_mem>>
    %dma_start3A_387 = arith.constant 0 : i32
    %dma_start3A_388 = tpu.memref_slice %arg4[%add3A_376, %dma_start3A_387] : memref<425984x32xbf16, #tpu.memory_space<hbm>> -> memref<832x32xbf16, #tpu.memory_space<hbm>>
    %dma_start3A_389 = arith.constant 0 : i32
    %dma_start3A_390 = arith.constant 0 : i32
    %dma_start3A_391 = tpu.memref_slice %arg7[%dma_start3A_377, %dma_start3A_389, %dma_start3A_390] : memref<3x832x32xbf16, #tpu.memory_space<vmem>> -> memref<1x832x32xbf16, #tpu.memory_space<vmem>>
    %dma_start3A_392 = tpu.memref_squeeze %dma_start3A_391 : memref<1x832x32xbf16, #tpu.memory_space<vmem>> -> memref<832x32xbf16, #tpu.memory_space<vmem>>
    tpu.enqueue_dma source(%dma_start3A_392 : memref<832x32xbf16, #tpu.memory_space<vmem>>) target(%dma_start3A_388 : memref<832x32xbf16, #tpu.memory_space<hbm>>) target_semaphore(%dma_start3A_386 : memref<!tpu.dma_semaphore, #tpu.memory_space<semaphore_mem>>)
    %add3A_393 = arith.constant 3328 : i32
    %add3A_394 = arith.addi %mul3A_19, %add3A_393 : i32
    %dma_wait3A_395 = arith.constant 1 : i32
    %dma_wait3A_396 = arith.constant 1 : i32
    %dma_wait3A_397 = arith.constant 0 : i32
    %dma_wait3A_398 = arith.constant 0 : i32
    %dma_wait3A_399 = tpu.memref_slice %arg7[%dma_wait3A_395, %dma_wait3A_397, %dma_wait3A_398] : memref<3x832x32xbf16, #tpu.memory_space<vmem>> -> memref<1x832x32xbf16, #tpu.memory_space<vmem>>
    %dma_wait3A_400 = tpu.memref_squeeze %dma_wait3A_399 : memref<1x832x32xbf16, #tpu.memory_space<vmem>> -> memref<832x32xbf16, #tpu.memory_space<vmem>>
    %dma_wait3A_401 = arith.constant 0 : i32
    %dma_wait3A_402 = tpu.memref_slice %arg4[%add3A_394, %dma_wait3A_401] : memref<425984x32xbf16, #tpu.memory_space<hbm>> -> memref<832x32xbf16, #tpu.memory_space<hbm>>
    %dma_wait3A_403 = tpu.memref_slice %arg9[%dma_wait3A_396] : memref<3x!tpu.dma_semaphore, #tpu.memory_space<semaphore_mem>> -> memref<1x!tpu.dma_semaphore, #tpu.memory_space<semaphore_mem>>
    %dma_wait3A_404 = tpu.memref_squeeze %dma_wait3A_403 : memref<1x!tpu.dma_semaphore, #tpu.memory_space<semaphore_mem>> -> memref<!tpu.dma_semaphore, #tpu.memory_space<semaphore_mem>>
    %dma_wait3A_405 = arith.constant 0 : i32
    %dma_wait3A_406 = tpu.memref_slice %arg4[%add3A_394, %dma_wait3A_405] : memref<425984x32xbf16, #tpu.memory_space<hbm>> -> memref<832x32xbf16, #tpu.memory_space<hbm>>
    %dma_wait3A_407 = arith.constant 0 : i32
    %dma_wait3A_408 = arith.constant 0 : i32
    %dma_wait3A_409 = tpu.memref_slice %arg7[%dma_wait3A_395, %dma_wait3A_407, %dma_wait3A_408] : memref<3x832x32xbf16, #tpu.memory_space<vmem>> -> memref<1x832x32xbf16, #tpu.memory_space<vmem>>
    %dma_wait3A_410 = tpu.memref_squeeze %dma_wait3A_409 : memref<1x832x32xbf16, #tpu.memory_space<vmem>> -> memref<832x32xbf16, #tpu.memory_space<vmem>>
    tpu.wait_dma2 semaphore(%dma_wait3A_404 : memref<!tpu.dma_semaphore, #tpu.memory_space<semaphore_mem>>) src(%dma_wait3A_410 : memref<832x32xbf16, #tpu.memory_space<vmem>>) dst(%dma_wait3A_406 : memref<832x32xbf16, #tpu.memory_space<hbm>>)
    %dma_start3A_411 = arith.constant 0 : i32
    %dma_start3A_412 = arith.constant 1 : i32
    %dma_start3A_413 = arith.constant 1 : i32
    %dma_start3A_414 = arith.constant 0 : i32
    %dma_start3A_415 = arith.constant 0 : i32
    %dma_start3A_416 = tpu.memref_slice %arg7[%dma_start3A_412, %dma_start3A_414, %dma_start3A_415] : memref<3x832x32xbf16, #tpu.memory_space<vmem>> -> memref<1x832x32xbf16, #tpu.memory_space<vmem>>
    %dma_start3A_417 = tpu.memref_squeeze %dma_start3A_416 : memref<1x832x32xbf16, #tpu.memory_space<vmem>> -> memref<832x32xbf16, #tpu.memory_space<vmem>>
    %dma_start3A_418 = arith.constant 5824 : i32
    %dma_start3A_419 = tpu.memref_slice %arg6[%dma_start3A_411, %dma_start3A_418] : memref<1x13312xi32, #tpu.memory_space<vmem>> -> memref<1x832xi32, #tpu.memory_space<vmem>>
    %dma_start3A_420 = tpu.memref_squeeze %dma_start3A_419 : memref<1x832xi32, #tpu.memory_space<vmem>> -> memref<832xi32, #tpu.memory_space<vmem>>
    %dma_start3A_421 = arith.constant 0 : i32
    %dma_start3A_422 = arith.constant 0 : i32
    %dma_start3A_423 = tpu.memref_slice %arg3[%dma_start3A_421, %dma_start3A_422] : memref<2600000x32xbf16, #tpu.memory_space<hbm>> -> memref<2600000x32xbf16, #tpu.memory_space<hbm>>
    %dma_start3A_424 = tpu.memref_slice %arg8[%dma_start3A_413] : memref<3x!tpu.dma_semaphore, #tpu.memory_space<semaphore_mem>> -> memref<1x!tpu.dma_semaphore, #tpu.memory_space<semaphore_mem>>
    %dma_start3A_425 = tpu.memref_squeeze %dma_start3A_424 : memref<1x!tpu.dma_semaphore, #tpu.memory_space<semaphore_mem>> -> memref<!tpu.dma_semaphore, #tpu.memory_space<semaphore_mem>>
    tpu.enqueue_indirect_dma source(%dma_start3A_423 : memref<2600000x32xbf16, #tpu.memory_space<hbm>>) target(%dma_start3A_417 : memref<832x32xbf16, #tpu.memory_space<vmem>>) offsets(%dma_start3A_420 : memref<832xi32, #tpu.memory_space<vmem>>) semaphore(%dma_start3A_425 : memref<!tpu.dma_semaphore, #tpu.memory_space<semaphore_mem>>)
    %dma_wait3A_426 = arith.constant 0 : i32
    %dma_wait3A_427 = arith.constant 0 : i32
    %dma_wait3A_428 = arith.constant 0 : i32
    %dma_wait3A_429 = arith.constant 0 : i32
    %dma_wait3A_430 = arith.constant 0 : i32
    %dma_wait3A_431 = tpu.memref_slice %arg7[%dma_wait3A_427, %dma_wait3A_429, %dma_wait3A_430] : memref<3x832x32xbf16, #tpu.memory_space<vmem>> -> memref<1x832x32xbf16, #tpu.memory_space<vmem>>
    %dma_wait3A_432 = tpu.memref_squeeze %dma_wait3A_431 : memref<1x832x32xbf16, #tpu.memory_space<vmem>> -> memref<832x32xbf16, #tpu.memory_space<vmem>>
    %dma_wait3A_433 = arith.constant 4992 : i32
    %dma_wait3A_434 = tpu.memref_slice %arg6[%dma_wait3A_426, %dma_wait3A_433] : memref<1x13312xi32, #tpu.memory_space<vmem>> -> memref<1x832xi32, #tpu.memory_space<vmem>>
    %dma_wait3A_435 = tpu.memref_squeeze %dma_wait3A_434 : memref<1x832xi32, #tpu.memory_space<vmem>> -> memref<832xi32, #tpu.memory_space<vmem>>
    %dma_wait3A_436 = arith.constant 0 : i32
    %dma_wait3A_437 = arith.constant 0 : i32
    %dma_wait3A_438 = tpu.memref_slice %arg3[%dma_wait3A_436, %dma_wait3A_437] : memref<2600000x32xbf16, #tpu.memory_space<hbm>> -> memref<2600000x32xbf16, #tpu.memory_space<hbm>>
    %dma_wait3A_439 = tpu.memref_slice %arg8[%dma_wait3A_428] : memref<3x!tpu.dma_semaphore, #tpu.memory_space<semaphore_mem>> -> memref<1x!tpu.dma_semaphore, #tpu.memory_space<semaphore_mem>>
    %dma_wait3A_440 = tpu.memref_squeeze %dma_wait3A_439 : memref<1x!tpu.dma_semaphore, #tpu.memory_space<semaphore_mem>> -> memref<!tpu.dma_semaphore, #tpu.memory_space<semaphore_mem>>
    tpu.wait_indirect_dma semaphore(%dma_wait3A_440 : memref<!tpu.dma_semaphore, #tpu.memory_space<semaphore_mem>>) src(%dma_wait3A_438 : memref<2600000x32xbf16, #tpu.memory_space<hbm>>) dst(%dma_wait3A_432 : memref<832x32xbf16, #tpu.memory_space<vmem>>)
    %add3A_441 = arith.constant 4992 : i32
    %add3A_442 = arith.addi %mul3A_19, %add3A_441 : i32
    %dma_start3A_443 = arith.constant 0 : i32
    %dma_start3A_444 = arith.constant 0 : i32
    %dma_start3A_445 = arith.constant 0 : i32
    %dma_start3A_446 = arith.constant 0 : i32
    %dma_start3A_447 = tpu.memref_slice %arg7[%dma_start3A_443, %dma_start3A_445, %dma_start3A_446] : memref<3x832x32xbf16, #tpu.memory_space<vmem>> -> memref<1x832x32xbf16, #tpu.memory_space<vmem>>
    %dma_start3A_448 = tpu.memref_squeeze %dma_start3A_447 : memref<1x832x32xbf16, #tpu.memory_space<vmem>> -> memref<832x32xbf16, #tpu.memory_space<vmem>>
    %dma_start3A_449 = arith.constant 0 : i32
    %dma_start3A_450 = tpu.memref_slice %arg4[%add3A_442, %dma_start3A_449] : memref<425984x32xbf16, #tpu.memory_space<hbm>> -> memref<832x32xbf16, #tpu.memory_space<hbm>>
    %dma_start3A_451 = tpu.memref_slice %arg9[%dma_start3A_444] : memref<3x!tpu.dma_semaphore, #tpu.memory_space<semaphore_mem>> -> memref<1x!tpu.dma_semaphore, #tpu.memory_space<semaphore_mem>>
    %dma_start3A_452 = tpu.memref_squeeze %dma_start3A_451 : memref<1x!tpu.dma_semaphore, #tpu.memory_space<semaphore_mem>> -> memref<!tpu.dma_semaphore, #tpu.memory_space<semaphore_mem>>
    %dma_start3A_453 = arith.constant 0 : i32
    %dma_start3A_454 = tpu.memref_slice %arg4[%add3A_442, %dma_start3A_453] : memref<425984x32xbf16, #tpu.memory_space<hbm>> -> memref<832x32xbf16, #tpu.memory_space<hbm>>
    %dma_start3A_455 = arith.constant 0 : i32
    %dma_start3A_456 = arith.constant 0 : i32
    %dma_start3A_457 = tpu.memref_slice %arg7[%dma_start3A_443, %dma_start3A_455, %dma_start3A_456] : memref<3x832x32xbf16, #tpu.memory_space<vmem>> -> memref<1x832x32xbf16, #tpu.memory_space<vmem>>
    %dma_start3A_458 = tpu.memref_squeeze %dma_start3A_457 : memref<1x832x32xbf16, #tpu.memory_space<vmem>> -> memref<832x32xbf16, #tpu.memory_space<vmem>>
    tpu.enqueue_dma source(%dma_start3A_458 : memref<832x32xbf16, #tpu.memory_space<vmem>>) target(%dma_start3A_454 : memref<832x32xbf16, #tpu.memory_space<hbm>>) target_semaphore(%dma_start3A_452 : memref<!tpu.dma_semaphore, #tpu.memory_space<semaphore_mem>>)
    %add3A_459 = arith.constant 4160 : i32
    %add3A_460 = arith.addi %mul3A_19, %add3A_459 : i32
    %dma_wait3A_461 = arith.constant 2 : i32
    %dma_wait3A_462 = arith.constant 2 : i32
    %dma_wait3A_463 = arith.constant 0 : i32
    %dma_wait3A_464 = arith.constant 0 : i32
    %dma_wait3A_465 = tpu.memref_slice %arg7[%dma_wait3A_461, %dma_wait3A_463, %dma_wait3A_464] : memref<3x832x32xbf16, #tpu.memory_space<vmem>> -> memref<1x832x32xbf16, #tpu.memory_space<vmem>>
    %dma_wait3A_466 = tpu.memref_squeeze %dma_wait3A_465 : memref<1x832x32xbf16, #tpu.memory_space<vmem>> -> memref<832x32xbf16, #tpu.memory_space<vmem>>
    %dma_wait3A_467 = arith.constant 0 : i32
    %dma_wait3A_468 = tpu.memref_slice %arg4[%add3A_460, %dma_wait3A_467] : memref<425984x32xbf16, #tpu.memory_space<hbm>> -> memref<832x32xbf16, #tpu.memory_space<hbm>>
    %dma_wait3A_469 = tpu.memref_slice %arg9[%dma_wait3A_462] : memref<3x!tpu.dma_semaphore, #tpu.memory_space<semaphore_mem>> -> memref<1x!tpu.dma_semaphore, #tpu.memory_space<semaphore_mem>>
    %dma_wait3A_470 = tpu.memref_squeeze %dma_wait3A_469 : memref<1x!tpu.dma_semaphore, #tpu.memory_space<semaphore_mem>> -> memref<!tpu.dma_semaphore, #tpu.memory_space<semaphore_mem>>
    %dma_wait3A_471 = arith.constant 0 : i32
    %dma_wait3A_472 = tpu.memref_slice %arg4[%add3A_460, %dma_wait3A_471] : memref<425984x32xbf16, #tpu.memory_space<hbm>> -> memref<832x32xbf16, #tpu.memory_space<hbm>>
    %dma_wait3A_473 = arith.constant 0 : i32
    %dma_wait3A_474 = arith.constant 0 : i32
    %dma_wait3A_475 = tpu.memref_slice %arg7[%dma_wait3A_461, %dma_wait3A_473, %dma_wait3A_474] : memref<3x832x32xbf16, #tpu.memory_space<vmem>> -> memref<1x832x32xbf16, #tpu.memory_space<vmem>>
    %dma_wait3A_476 = tpu.memref_squeeze %dma_wait3A_475 : memref<1x832x32xbf16, #tpu.memory_space<vmem>> -> memref<832x32xbf16, #tpu.memory_space<vmem>>
    tpu.wait_dma2 semaphore(%dma_wait3A_470 : memref<!tpu.dma_semaphore, #tpu.memory_space<semaphore_mem>>) src(%dma_wait3A_476 : memref<832x32xbf16, #tpu.memory_space<vmem>>) dst(%dma_wait3A_472 : memref<832x32xbf16, #tpu.memory_space<hbm>>)
    %dma_start3A_477 = arith.constant 0 : i32
    %dma_start3A_478 = arith.constant 2 : i32
    %dma_start3A_479 = arith.constant 2 : i32
    %dma_start3A_480 = arith.constant 0 : i32
    %dma_start3A_481 = arith.constant 0 : i32
    %dma_start3A_482 = tpu.memref_slice %arg7[%dma_start3A_478, %dma_start3A_480, %dma_start3A_481] : memref<3x832x32xbf16, #tpu.memory_space<vmem>> -> memref<1x832x32xbf16, #tpu.memory_space<vmem>>
    %dma_start3A_483 = tpu.memref_squeeze %dma_start3A_482 : memref<1x832x32xbf16, #tpu.memory_space<vmem>> -> memref<832x32xbf16, #tpu.memory_space<vmem>>
    %dma_start3A_484 = arith.constant 6656 : i32
    %dma_start3A_485 = tpu.memref_slice %arg6[%dma_start3A_477, %dma_start3A_484] : memref<1x13312xi32, #tpu.memory_space<vmem>> -> memref<1x832xi32, #tpu.memory_space<vmem>>
    %dma_start3A_486 = tpu.memref_squeeze %dma_start3A_485 : memref<1x832xi32, #tpu.memory_space<vmem>> -> memref<832xi32, #tpu.memory_space<vmem>>
    %dma_start3A_487 = arith.constant 0 : i32
    %dma_start3A_488 = arith.constant 0 : i32
    %dma_start3A_489 = tpu.memref_slice %arg3[%dma_start3A_487, %dma_start3A_488] : memref<2600000x32xbf16, #tpu.memory_space<hbm>> -> memref<2600000x32xbf16, #tpu.memory_space<hbm>>
    %dma_start3A_490 = tpu.memref_slice %arg8[%dma_start3A_479] : memref<3x!tpu.dma_semaphore, #tpu.memory_space<semaphore_mem>> -> memref<1x!tpu.dma_semaphore, #tpu.memory_space<semaphore_mem>>
    %dma_start3A_491 = tpu.memref_squeeze %dma_start3A_490 : memref<1x!tpu.dma_semaphore, #tpu.memory_space<semaphore_mem>> -> memref<!tpu.dma_semaphore, #tpu.memory_space<semaphore_mem>>
    tpu.enqueue_indirect_dma source(%dma_start3A_489 : memref<2600000x32xbf16, #tpu.memory_space<hbm>>) target(%dma_start3A_483 : memref<832x32xbf16, #tpu.memory_space<vmem>>) offsets(%dma_start3A_486 : memref<832xi32, #tpu.memory_space<vmem>>) semaphore(%dma_start3A_491 : memref<!tpu.dma_semaphore, #tpu.memory_space<semaphore_mem>>)
    %dma_wait3A_492 = arith.constant 0 : i32
    %dma_wait3A_493 = arith.constant 1 : i32
    %dma_wait3A_494 = arith.constant 1 : i32
    %dma_wait3A_495 = arith.constant 0 : i32
    %dma_wait3A_496 = arith.constant 0 : i32
    %dma_wait3A_497 = tpu.memref_slice %arg7[%dma_wait3A_493, %dma_wait3A_495, %dma_wait3A_496] : memref<3x832x32xbf16, #tpu.memory_space<vmem>> -> memref<1x832x32xbf16, #tpu.memory_space<vmem>>
    %dma_wait3A_498 = tpu.memref_squeeze %dma_wait3A_497 : memref<1x832x32xbf16, #tpu.memory_space<vmem>> -> memref<832x32xbf16, #tpu.memory_space<vmem>>
    %dma_wait3A_499 = arith.constant 5824 : i32
    %dma_wait3A_500 = tpu.memref_slice %arg6[%dma_wait3A_492, %dma_wait3A_499] : memref<1x13312xi32, #tpu.memory_space<vmem>> -> memref<1x832xi32, #tpu.memory_space<vmem>>
    %dma_wait3A_501 = tpu.memref_squeeze %dma_wait3A_500 : memref<1x832xi32, #tpu.memory_space<vmem>> -> memref<832xi32, #tpu.memory_space<vmem>>
    %dma_wait3A_502 = arith.constant 0 : i32
    %dma_wait3A_503 = arith.constant 0 : i32
    %dma_wait3A_504 = tpu.memref_slice %arg3[%dma_wait3A_502, %dma_wait3A_503] : memref<2600000x32xbf16, #tpu.memory_space<hbm>> -> memref<2600000x32xbf16, #tpu.memory_space<hbm>>
    %dma_wait3A_505 = tpu.memref_slice %arg8[%dma_wait3A_494] : memref<3x!tpu.dma_semaphore, #tpu.memory_space<semaphore_mem>> -> memref<1x!tpu.dma_semaphore, #tpu.memory_space<semaphore_mem>>
    %dma_wait3A_506 = tpu.memref_squeeze %dma_wait3A_505 : memref<1x!tpu.dma_semaphore, #tpu.memory_space<semaphore_mem>> -> memref<!tpu.dma_semaphore, #tpu.memory_space<semaphore_mem>>
    tpu.wait_indirect_dma semaphore(%dma_wait3A_506 : memref<!tpu.dma_semaphore, #tpu.memory_space<semaphore_mem>>) src(%dma_wait3A_504 : memref<2600000x32xbf16, #tpu.memory_space<hbm>>) dst(%dma_wait3A_498 : memref<832x32xbf16, #tpu.memory_space<vmem>>)
    %add3A_507 = arith.constant 5824 : i32
    %add3A_508 = arith.addi %mul3A_19, %add3A_507 : i32
    %dma_start3A_509 = arith.constant 1 : i32
    %dma_start3A_510 = arith.constant 1 : i32
    %dma_start3A_511 = arith.constant 0 : i32
    %dma_start3A_512 = arith.constant 0 : i32
    %dma_start3A_513 = tpu.memref_slice %arg7[%dma_start3A_509, %dma_start3A_511, %dma_start3A_512] : memref<3x832x32xbf16, #tpu.memory_space<vmem>> -> memref<1x832x32xbf16, #tpu.memory_space<vmem>>
    %dma_start3A_514 = tpu.memref_squeeze %dma_start3A_513 : memref<1x832x32xbf16, #tpu.memory_space<vmem>> -> memref<832x32xbf16, #tpu.memory_space<vmem>>
    %dma_start3A_515 = arith.constant 0 : i32
    %dma_start3A_516 = tpu.memref_slice %arg4[%add3A_508, %dma_start3A_515] : memref<425984x32xbf16, #tpu.memory_space<hbm>> -> memref<832x32xbf16, #tpu.memory_space<hbm>>
    %dma_start3A_517 = tpu.memref_slice %arg9[%dma_start3A_510] : memref<3x!tpu.dma_semaphore, #tpu.memory_space<semaphore_mem>> -> memref<1x!tpu.dma_semaphore, #tpu.memory_space<semaphore_mem>>
    %dma_start3A_518 = tpu.memref_squeeze %dma_start3A_517 : memref<1x!tpu.dma_semaphore, #tpu.memory_space<semaphore_mem>> -> memref<!tpu.dma_semaphore, #tpu.memory_space<semaphore_mem>>
    %dma_start3A_519 = arith.constant 0 : i32
    %dma_start3A_520 = tpu.memref_slice %arg4[%add3A_508, %dma_start3A_519] : memref<425984x32xbf16, #tpu.memory_space<hbm>> -> memref<832x32xbf16, #tpu.memory_space<hbm>>
    %dma_start3A_521 = arith.constant 0 : i32
    %dma_start3A_522 = arith.constant 0 : i32
    %dma_start3A_523 = tpu.memref_slice %arg7[%dma_start3A_509, %dma_start3A_521, %dma_start3A_522] : memref<3x832x32xbf16, #tpu.memory_space<vmem>> -> memref<1x832x32xbf16, #tpu.memory_space<vmem>>
    %dma_start3A_524 = tpu.memref_squeeze %dma_start3A_523 : memref<1x832x32xbf16, #tpu.memory_space<vmem>> -> memref<832x32xbf16, #tpu.memory_space<vmem>>
    tpu.enqueue_dma source(%dma_start3A_524 : memref<832x32xbf16, #tpu.memory_space<vmem>>) target(%dma_start3A_520 : memref<832x32xbf16, #tpu.memory_space<hbm>>) target_semaphore(%dma_start3A_518 : memref<!tpu.dma_semaphore, #tpu.memory_space<semaphore_mem>>)
    %add3A_525 = arith.constant 4992 : i32
    %add3A_526 = arith.addi %mul3A_19, %add3A_525 : i32
    %dma_wait3A_527 = arith.constant 0 : i32
    %dma_wait3A_528 = arith.constant 0 : i32
    %dma_wait3A_529 = arith.constant 0 : i32
    %dma_wait3A_530 = arith.constant 0 : i32
    %dma_wait3A_531 = tpu.memref_slice %arg7[%dma_wait3A_527, %dma_wait3A_529, %dma_wait3A_530] : memref<3x832x32xbf16, #tpu.memory_space<vmem>> -> memref<1x832x32xbf16, #tpu.memory_space<vmem>>
    %dma_wait3A_532 = tpu.memref_squeeze %dma_wait3A_531 : memref<1x832x32xbf16, #tpu.memory_space<vmem>> -> memref<832x32xbf16, #tpu.memory_space<vmem>>
    %dma_wait3A_533 = arith.constant 0 : i32
    %dma_wait3A_534 = tpu.memref_slice %arg4[%add3A_526, %dma_wait3A_533] : memref<425984x32xbf16, #tpu.memory_space<hbm>> -> memref<832x32xbf16, #tpu.memory_space<hbm>>
    %dma_wait3A_535 = tpu.memref_slice %arg9[%dma_wait3A_528] : memref<3x!tpu.dma_semaphore, #tpu.memory_space<semaphore_mem>> -> memref<1x!tpu.dma_semaphore, #tpu.memory_space<semaphore_mem>>
    %dma_wait3A_536 = tpu.memref_squeeze %dma_wait3A_535 : memref<1x!tpu.dma_semaphore, #tpu.memory_space<semaphore_mem>> -> memref<!tpu.dma_semaphore, #tpu.memory_space<semaphore_mem>>
    %dma_wait3A_537 = arith.constant 0 : i32
    %dma_wait3A_538 = tpu.memref_slice %arg4[%add3A_526, %dma_wait3A_537] : memref<425984x32xbf16, #tpu.memory_space<hbm>> -> memref<832x32xbf16, #tpu.memory_space<hbm>>
    %dma_wait3A_539 = arith.constant 0 : i32
    %dma_wait3A_540 = arith.constant 0 : i32
    %dma_wait3A_541 = tpu.memref_slice %arg7[%dma_wait3A_527, %dma_wait3A_539, %dma_wait3A_540] : memref<3x832x32xbf16, #tpu.memory_space<vmem>> -> memref<1x832x32xbf16, #tpu.memory_space<vmem>>
    %dma_wait3A_542 = tpu.memref_squeeze %dma_wait3A_541 : memref<1x832x32xbf16, #tpu.memory_space<vmem>> -> memref<832x32xbf16, #tpu.memory_space<vmem>>
    tpu.wait_dma2 semaphore(%dma_wait3A_536 : memref<!tpu.dma_semaphore, #tpu.memory_space<semaphore_mem>>) src(%dma_wait3A_542 : memref<832x32xbf16, #tpu.memory_space<vmem>>) dst(%dma_wait3A_538 : memref<832x32xbf16, #tpu.memory_space<hbm>>)
    %dma_start3A_543 = arith.constant 0 : i32
    %dma_start3A_544 = arith.constant 0 : i32
    %dma_start3A_545 = arith.constant 0 : i32
    %dma_start3A_546 = arith.constant 0 : i32
    %dma_start3A_547 = arith.constant 0 : i32
    %dma_start3A_548 = tpu.memref_slice %arg7[%dma_start3A_544, %dma_start3A_546, %dma_start3A_547] : memref<3x832x32xbf16, #tpu.memory_space<vmem>> -> memref<1x832x32xbf16, #tpu.memory_space<vmem>>
    %dma_start3A_549 = tpu.memref_squeeze %dma_start3A_548 : memref<1x832x32xbf16, #tpu.memory_space<vmem>> -> memref<832x32xbf16, #tpu.memory_space<vmem>>
    %dma_start3A_550 = arith.constant 7488 : i32
    %dma_start3A_551 = tpu.memref_slice %arg6[%dma_start3A_543, %dma_start3A_550] : memref<1x13312xi32, #tpu.memory_space<vmem>> -> memref<1x832xi32, #tpu.memory_space<vmem>>
    %dma_start3A_552 = tpu.memref_squeeze %dma_start3A_551 : memref<1x832xi32, #tpu.memory_space<vmem>> -> memref<832xi32, #tpu.memory_space<vmem>>
    %dma_start3A_553 = arith.constant 0 : i32
    %dma_start3A_554 = arith.constant 0 : i32
    %dma_start3A_555 = tpu.memref_slice %arg3[%dma_start3A_553, %dma_start3A_554] : memref<2600000x32xbf16, #tpu.memory_space<hbm>> -> memref<2600000x32xbf16, #tpu.memory_space<hbm>>
    %dma_start3A_556 = tpu.memref_slice %arg8[%dma_start3A_545] : memref<3x!tpu.dma_semaphore, #tpu.memory_space<semaphore_mem>> -> memref<1x!tpu.dma_semaphore, #tpu.memory_space<semaphore_mem>>
    %dma_start3A_557 = tpu.memref_squeeze %dma_start3A_556 : memref<1x!tpu.dma_semaphore, #tpu.memory_space<semaphore_mem>> -> memref<!tpu.dma_semaphore, #tpu.memory_space<semaphore_mem>>
    tpu.enqueue_indirect_dma source(%dma_start3A_555 : memref<2600000x32xbf16, #tpu.memory_space<hbm>>) target(%dma_start3A_549 : memref<832x32xbf16, #tpu.memory_space<vmem>>) offsets(%dma_start3A_552 : memref<832xi32, #tpu.memory_space<vmem>>) semaphore(%dma_start3A_557 : memref<!tpu.dma_semaphore, #tpu.memory_space<semaphore_mem>>)
    %dma_wait3A_558 = arith.constant 0 : i32
    %dma_wait3A_559 = arith.constant 2 : i32
    %dma_wait3A_560 = arith.constant 2 : i32
    %dma_wait3A_561 = arith.constant 0 : i32
    %dma_wait3A_562 = arith.constant 0 : i32
    %dma_wait3A_563 = tpu.memref_slice %arg7[%dma_wait3A_559, %dma_wait3A_561, %dma_wait3A_562] : memref<3x832x32xbf16, #tpu.memory_space<vmem>> -> memref<1x832x32xbf16, #tpu.memory_space<vmem>>
    %dma_wait3A_564 = tpu.memref_squeeze %dma_wait3A_563 : memref<1x832x32xbf16, #tpu.memory_space<vmem>> -> memref<832x32xbf16, #tpu.memory_space<vmem>>
    %dma_wait3A_565 = arith.constant 6656 : i32
    %dma_wait3A_566 = tpu.memref_slice %arg6[%dma_wait3A_558, %dma_wait3A_565] : memref<1x13312xi32, #tpu.memory_space<vmem>> -> memref<1x832xi32, #tpu.memory_space<vmem>>
    %dma_wait3A_567 = tpu.memref_squeeze %dma_wait3A_566 : memref<1x832xi32, #tpu.memory_space<vmem>> -> memref<832xi32, #tpu.memory_space<vmem>>
    %dma_wait3A_568 = arith.constant 0 : i32
    %dma_wait3A_569 = arith.constant 0 : i32
    %dma_wait3A_570 = tpu.memref_slice %arg3[%dma_wait3A_568, %dma_wait3A_569] : memref<2600000x32xbf16, #tpu.memory_space<hbm>> -> memref<2600000x32xbf16, #tpu.memory_space<hbm>>
    %dma_wait3A_571 = tpu.memref_slice %arg8[%dma_wait3A_560] : memref<3x!tpu.dma_semaphore, #tpu.memory_space<semaphore_mem>> -> memref<1x!tpu.dma_semaphore, #tpu.memory_space<semaphore_mem>>
    %dma_wait3A_572 = tpu.memref_squeeze %dma_wait3A_571 : memref<1x!tpu.dma_semaphore, #tpu.memory_space<semaphore_mem>> -> memref<!tpu.dma_semaphore, #tpu.memory_space<semaphore_mem>>
    tpu.wait_indirect_dma semaphore(%dma_wait3A_572 : memref<!tpu.dma_semaphore, #tpu.memory_space<semaphore_mem>>) src(%dma_wait3A_570 : memref<2600000x32xbf16, #tpu.memory_space<hbm>>) dst(%dma_wait3A_564 : memref<832x32xbf16, #tpu.memory_space<vmem>>)
    %add3A_573 = arith.constant 6656 : i32
    %add3A_574 = arith.addi %mul3A_19, %add3A_573 : i32
    %dma_start3A_575 = arith.constant 2 : i32
    %dma_start3A_576 = arith.constant 2 : i32
    %dma_start3A_577 = arith.constant 0 : i32
    %dma_start3A_578 = arith.constant 0 : i32
    %dma_start3A_579 = tpu.memref_slice %arg7[%dma_start3A_575, %dma_start3A_577, %dma_start3A_578] : memref<3x832x32xbf16, #tpu.memory_space<vmem>> -> memref<1x832x32xbf16, #tpu.memory_space<vmem>>
    %dma_start3A_580 = tpu.memref_squeeze %dma_start3A_579 : memref<1x832x32xbf16, #tpu.memory_space<vmem>> -> memref<832x32xbf16, #tpu.memory_space<vmem>>
    %dma_start3A_581 = arith.constant 0 : i32
    %dma_start3A_582 = tpu.memref_slice %arg4[%add3A_574, %dma_start3A_581] : memref<425984x32xbf16, #tpu.memory_space<hbm>> -> memref<832x32xbf16, #tpu.memory_space<hbm>>
    %dma_start3A_583 = tpu.memref_slice %arg9[%dma_start3A_576] : memref<3x!tpu.dma_semaphore, #tpu.memory_space<semaphore_mem>> -> memref<1x!tpu.dma_semaphore, #tpu.memory_space<semaphore_mem>>
    %dma_start3A_584 = tpu.memref_squeeze %dma_start3A_583 : memref<1x!tpu.dma_semaphore, #tpu.memory_space<semaphore_mem>> -> memref<!tpu.dma_semaphore, #tpu.memory_space<semaphore_mem>>
    %dma_start3A_585 = arith.constant 0 : i32
    %dma_start3A_586 = tpu.memref_slice %arg4[%add3A_574, %dma_start3A_585] : memref<425984x32xbf16, #tpu.memory_space<hbm>> -> memref<832x32xbf16, #tpu.memory_space<hbm>>
    %dma_start3A_587 = arith.constant 0 : i32
    %dma_start3A_588 = arith.constant 0 : i32
    %dma_start3A_589 = tpu.memref_slice %arg7[%dma_start3A_575, %dma_start3A_587, %dma_start3A_588] : memref<3x832x32xbf16, #tpu.memory_space<vmem>> -> memref<1x832x32xbf16, #tpu.memory_space<vmem>>
    %dma_start3A_590 = tpu.memref_squeeze %dma_start3A_589 : memref<1x832x32xbf16, #tpu.memory_space<vmem>> -> memref<832x32xbf16, #tpu.memory_space<vmem>>
    tpu.enqueue_dma source(%dma_start3A_590 : memref<832x32xbf16, #tpu.memory_space<vmem>>) target(%dma_start3A_586 : memref<832x32xbf16, #tpu.memory_space<hbm>>) target_semaphore(%dma_start3A_584 : memref<!tpu.dma_semaphore, #tpu.memory_space<semaphore_mem>>)
    %add3A_591 = arith.constant 5824 : i32
    %add3A_592 = arith.addi %mul3A_19, %add3A_591 : i32
    %dma_wait3A_593 = arith.constant 1 : i32
    %dma_wait3A_594 = arith.constant 1 : i32
    %dma_wait3A_595 = arith.constant 0 : i32
    %dma_wait3A_596 = arith.constant 0 : i32
    %dma_wait3A_597 = tpu.memref_slice %arg7[%dma_wait3A_593, %dma_wait3A_595, %dma_wait3A_596] : memref<3x832x32xbf16, #tpu.memory_space<vmem>> -> memref<1x832x32xbf16, #tpu.memory_space<vmem>>
    %dma_wait3A_598 = tpu.memref_squeeze %dma_wait3A_597 : memref<1x832x32xbf16, #tpu.memory_space<vmem>> -> memref<832x32xbf16, #tpu.memory_space<vmem>>
    %dma_wait3A_599 = arith.constant 0 : i32
    %dma_wait3A_600 = tpu.memref_slice %arg4[%add3A_592, %dma_wait3A_599] : memref<425984x32xbf16, #tpu.memory_space<hbm>> -> memref<832x32xbf16, #tpu.memory_space<hbm>>
    %dma_wait3A_601 = tpu.memref_slice %arg9[%dma_wait3A_594] : memref<3x!tpu.dma_semaphore, #tpu.memory_space<semaphore_mem>> -> memref<1x!tpu.dma_semaphore, #tpu.memory_space<semaphore_mem>>
    %dma_wait3A_602 = tpu.memref_squeeze %dma_wait3A_601 : memref<1x!tpu.dma_semaphore, #tpu.memory_space<semaphore_mem>> -> memref<!tpu.dma_semaphore, #tpu.memory_space<semaphore_mem>>
    %dma_wait3A_603 = arith.constant 0 : i32
    %dma_wait3A_604 = tpu.memref_slice %arg4[%add3A_592, %dma_wait3A_603] : memref<425984x32xbf16, #tpu.memory_space<hbm>> -> memref<832x32xbf16, #tpu.memory_space<hbm>>
    %dma_wait3A_605 = arith.constant 0 : i32
    %dma_wait3A_606 = arith.constant 0 : i32
    %dma_wait3A_607 = tpu.memref_slice %arg7[%dma_wait3A_593, %dma_wait3A_605, %dma_wait3A_606] : memref<3x832x32xbf16, #tpu.memory_space<vmem>> -> memref<1x832x32xbf16, #tpu.memory_space<vmem>>
    %dma_wait3A_608 = tpu.memref_squeeze %dma_wait3A_607 : memref<1x832x32xbf16, #tpu.memory_space<vmem>> -> memref<832x32xbf16, #tpu.memory_space<vmem>>
    tpu.wait_dma2 semaphore(%dma_wait3A_602 : memref<!tpu.dma_semaphore, #tpu.memory_space<semaphore_mem>>) src(%dma_wait3A_608 : memref<832x32xbf16, #tpu.memory_space<vmem>>) dst(%dma_wait3A_604 : memref<832x32xbf16, #tpu.memory_space<hbm>>)
    %dma_start3A_609 = arith.constant 0 : i32
    %dma_start3A_610 = arith.constant 1 : i32
    %dma_start3A_611 = arith.constant 1 : i32
    %dma_start3A_612 = arith.constant 0 : i32
    %dma_start3A_613 = arith.constant 0 : i32
    %dma_start3A_614 = tpu.memref_slice %arg7[%dma_start3A_610, %dma_start3A_612, %dma_start3A_613] : memref<3x832x32xbf16, #tpu.memory_space<vmem>> -> memref<1x832x32xbf16, #tpu.memory_space<vmem>>
    %dma_start3A_615 = tpu.memref_squeeze %dma_start3A_614 : memref<1x832x32xbf16, #tpu.memory_space<vmem>> -> memref<832x32xbf16, #tpu.memory_space<vmem>>
    %dma_start3A_616 = arith.constant 8320 : i32
    %dma_start3A_617 = tpu.memref_slice %arg6[%dma_start3A_609, %dma_start3A_616] : memref<1x13312xi32, #tpu.memory_space<vmem>> -> memref<1x832xi32, #tpu.memory_space<vmem>>
    %dma_start3A_618 = tpu.memref_squeeze %dma_start3A_617 : memref<1x832xi32, #tpu.memory_space<vmem>> -> memref<832xi32, #tpu.memory_space<vmem>>
    %dma_start3A_619 = arith.constant 0 : i32
    %dma_start3A_620 = arith.constant 0 : i32
    %dma_start3A_621 = tpu.memref_slice %arg3[%dma_start3A_619, %dma_start3A_620] : memref<2600000x32xbf16, #tpu.memory_space<hbm>> -> memref<2600000x32xbf16, #tpu.memory_space<hbm>>
    %dma_start3A_622 = tpu.memref_slice %arg8[%dma_start3A_611] : memref<3x!tpu.dma_semaphore, #tpu.memory_space<semaphore_mem>> -> memref<1x!tpu.dma_semaphore, #tpu.memory_space<semaphore_mem>>
    %dma_start3A_623 = tpu.memref_squeeze %dma_start3A_622 : memref<1x!tpu.dma_semaphore, #tpu.memory_space<semaphore_mem>> -> memref<!tpu.dma_semaphore, #tpu.memory_space<semaphore_mem>>
    tpu.enqueue_indirect_dma source(%dma_start3A_621 : memref<2600000x32xbf16, #tpu.memory_space<hbm>>) target(%dma_start3A_615 : memref<832x32xbf16, #tpu.memory_space<vmem>>) offsets(%dma_start3A_618 : memref<832xi32, #tpu.memory_space<vmem>>) semaphore(%dma_start3A_623 : memref<!tpu.dma_semaphore, #tpu.memory_space<semaphore_mem>>)
    %dma_wait3A_624 = arith.constant 0 : i32
    %dma_wait3A_625 = arith.constant 0 : i32
    %dma_wait3A_626 = arith.constant 0 : i32
    %dma_wait3A_627 = arith.constant 0 : i32
    %dma_wait3A_628 = arith.constant 0 : i32
    %dma_wait3A_629 = tpu.memref_slice %arg7[%dma_wait3A_625, %dma_wait3A_627, %dma_wait3A_628] : memref<3x832x32xbf16, #tpu.memory_space<vmem>> -> memref<1x832x32xbf16, #tpu.memory_space<vmem>>
    %dma_wait3A_630 = tpu.memref_squeeze %dma_wait3A_629 : memref<1x832x32xbf16, #tpu.memory_space<vmem>> -> memref<832x32xbf16, #tpu.memory_space<vmem>>
    %dma_wait3A_631 = arith.constant 7488 : i32
    %dma_wait3A_632 = tpu.memref_slice %arg6[%dma_wait3A_624, %dma_wait3A_631] : memref<1x13312xi32, #tpu.memory_space<vmem>> -> memref<1x832xi32, #tpu.memory_space<vmem>>
    %dma_wait3A_633 = tpu.memref_squeeze %dma_wait3A_632 : memref<1x832xi32, #tpu.memory_space<vmem>> -> memref<832xi32, #tpu.memory_space<vmem>>
    %dma_wait3A_634 = arith.constant 0 : i32
    %dma_wait3A_635 = arith.constant 0 : i32
    %dma_wait3A_636 = tpu.memref_slice %arg3[%dma_wait3A_634, %dma_wait3A_635] : memref<2600000x32xbf16, #tpu.memory_space<hbm>> -> memref<2600000x32xbf16, #tpu.memory_space<hbm>>
    %dma_wait3A_637 = tpu.memref_slice %arg8[%dma_wait3A_626] : memref<3x!tpu.dma_semaphore, #tpu.memory_space<semaphore_mem>> -> memref<1x!tpu.dma_semaphore, #tpu.memory_space<semaphore_mem>>
    %dma_wait3A_638 = tpu.memref_squeeze %dma_wait3A_637 : memref<1x!tpu.dma_semaphore, #tpu.memory_space<semaphore_mem>> -> memref<!tpu.dma_semaphore, #tpu.memory_space<semaphore_mem>>
    tpu.wait_indirect_dma semaphore(%dma_wait3A_638 : memref<!tpu.dma_semaphore, #tpu.memory_space<semaphore_mem>>) src(%dma_wait3A_636 : memref<2600000x32xbf16, #tpu.memory_space<hbm>>) dst(%dma_wait3A_630 : memref<832x32xbf16, #tpu.memory_space<vmem>>)
    %add3A_639 = arith.constant 7488 : i32
    %add3A_640 = arith.addi %mul3A_19, %add3A_639 : i32
    %dma_start3A_641 = arith.constant 0 : i32
    %dma_start3A_642 = arith.constant 0 : i32
    %dma_start3A_643 = arith.constant 0 : i32
    %dma_start3A_644 = arith.constant 0 : i32
    %dma_start3A_645 = tpu.memref_slice %arg7[%dma_start3A_641, %dma_start3A_643, %dma_start3A_644] : memref<3x832x32xbf16, #tpu.memory_space<vmem>> -> memref<1x832x32xbf16, #tpu.memory_space<vmem>>
    %dma_start3A_646 = tpu.memref_squeeze %dma_start3A_645 : memref<1x832x32xbf16, #tpu.memory_space<vmem>> -> memref<832x32xbf16, #tpu.memory_space<vmem>>
    %dma_start3A_647 = arith.constant 0 : i32
    %dma_start3A_648 = tpu.memref_slice %arg4[%add3A_640, %dma_start3A_647] : memref<425984x32xbf16, #tpu.memory_space<hbm>> -> memref<832x32xbf16, #tpu.memory_space<hbm>>
    %dma_start3A_649 = tpu.memref_slice %arg9[%dma_start3A_642] : memref<3x!tpu.dma_semaphore, #tpu.memory_space<semaphore_mem>> -> memref<1x!tpu.dma_semaphore, #tpu.memory_space<semaphore_mem>>
    %dma_start3A_650 = tpu.memref_squeeze %dma_start3A_649 : memref<1x!tpu.dma_semaphore, #tpu.memory_space<semaphore_mem>> -> memref<!tpu.dma_semaphore, #tpu.memory_space<semaphore_mem>>
    %dma_start3A_651 = arith.constant 0 : i32
    %dma_start3A_652 = tpu.memref_slice %arg4[%add3A_640, %dma_start3A_651] : memref<425984x32xbf16, #tpu.memory_space<hbm>> -> memref<832x32xbf16, #tpu.memory_space<hbm>>
    %dma_start3A_653 = arith.constant 0 : i32
    %dma_start3A_654 = arith.constant 0 : i32
    %dma_start3A_655 = tpu.memref_slice %arg7[%dma_start3A_641, %dma_start3A_653, %dma_start3A_654] : memref<3x832x32xbf16, #tpu.memory_space<vmem>> -> memref<1x832x32xbf16, #tpu.memory_space<vmem>>
    %dma_start3A_656 = tpu.memref_squeeze %dma_start3A_655 : memref<1x832x32xbf16, #tpu.memory_space<vmem>> -> memref<832x32xbf16, #tpu.memory_space<vmem>>
    tpu.enqueue_dma source(%dma_start3A_656 : memref<832x32xbf16, #tpu.memory_space<vmem>>) target(%dma_start3A_652 : memref<832x32xbf16, #tpu.memory_space<hbm>>) target_semaphore(%dma_start3A_650 : memref<!tpu.dma_semaphore, #tpu.memory_space<semaphore_mem>>)
    %add3A_657 = arith.constant 6656 : i32
    %add3A_658 = arith.addi %mul3A_19, %add3A_657 : i32
    %dma_wait3A_659 = arith.constant 2 : i32
    %dma_wait3A_660 = arith.constant 2 : i32
    %dma_wait3A_661 = arith.constant 0 : i32
    %dma_wait3A_662 = arith.constant 0 : i32
    %dma_wait3A_663 = tpu.memref_slice %arg7[%dma_wait3A_659, %dma_wait3A_661, %dma_wait3A_662] : memref<3x832x32xbf16, #tpu.memory_space<vmem>> -> memref<1x832x32xbf16, #tpu.memory_space<vmem>>
    %dma_wait3A_664 = tpu.memref_squeeze %dma_wait3A_663 : memref<1x832x32xbf16, #tpu.memory_space<vmem>> -> memref<832x32xbf16, #tpu.memory_space<vmem>>
    %dma_wait3A_665 = arith.constant 0 : i32
    %dma_wait3A_666 = tpu.memref_slice %arg4[%add3A_658, %dma_wait3A_665] : memref<425984x32xbf16, #tpu.memory_space<hbm>> -> memref<832x32xbf16, #tpu.memory_space<hbm>>
    %dma_wait3A_667 = tpu.memref_slice %arg9[%dma_wait3A_660] : memref<3x!tpu.dma_semaphore, #tpu.memory_space<semaphore_mem>> -> memref<1x!tpu.dma_semaphore, #tpu.memory_space<semaphore_mem>>
    %dma_wait3A_668 = tpu.memref_squeeze %dma_wait3A_667 : memref<1x!tpu.dma_semaphore, #tpu.memory_space<semaphore_mem>> -> memref<!tpu.dma_semaphore, #tpu.memory_space<semaphore_mem>>
    %dma_wait3A_669 = arith.constant 0 : i32
    %dma_wait3A_670 = tpu.memref_slice %arg4[%add3A_658, %dma_wait3A_669] : memref<425984x32xbf16, #tpu.memory_space<hbm>> -> memref<832x32xbf16, #tpu.memory_space<hbm>>
    %dma_wait3A_671 = arith.constant 0 : i32
    %dma_wait3A_672 = arith.constant 0 : i32
    %dma_wait3A_673 = tpu.memref_slice %arg7[%dma_wait3A_659, %dma_wait3A_671, %dma_wait3A_672] : memref<3x832x32xbf16, #tpu.memory_space<vmem>> -> memref<1x832x32xbf16, #tpu.memory_space<vmem>>
    %dma_wait3A_674 = tpu.memref_squeeze %dma_wait3A_673 : memref<1x832x32xbf16, #tpu.memory_space<vmem>> -> memref<832x32xbf16, #tpu.memory_space<vmem>>
    tpu.wait_dma2 semaphore(%dma_wait3A_668 : memref<!tpu.dma_semaphore, #tpu.memory_space<semaphore_mem>>) src(%dma_wait3A_674 : memref<832x32xbf16, #tpu.memory_space<vmem>>) dst(%dma_wait3A_670 : memref<832x32xbf16, #tpu.memory_space<hbm>>)
    %dma_start3A_675 = arith.constant 0 : i32
    %dma_start3A_676 = arith.constant 2 : i32
    %dma_start3A_677 = arith.constant 2 : i32
    %dma_start3A_678 = arith.constant 0 : i32
    %dma_start3A_679 = arith.constant 0 : i32
    %dma_start3A_680 = tpu.memref_slice %arg7[%dma_start3A_676, %dma_start3A_678, %dma_start3A_679] : memref<3x832x32xbf16, #tpu.memory_space<vmem>> -> memref<1x832x32xbf16, #tpu.memory_space<vmem>>
    %dma_start3A_681 = tpu.memref_squeeze %dma_start3A_680 : memref<1x832x32xbf16, #tpu.memory_space<vmem>> -> memref<832x32xbf16, #tpu.memory_space<vmem>>
    %dma_start3A_682 = arith.constant 9152 : i32
    %dma_start3A_683 = tpu.memref_slice %arg6[%dma_start3A_675, %dma_start3A_682] : memref<1x13312xi32, #tpu.memory_space<vmem>> -> memref<1x832xi32, #tpu.memory_space<vmem>>
    %dma_start3A_684 = tpu.memref_squeeze %dma_start3A_683 : memref<1x832xi32, #tpu.memory_space<vmem>> -> memref<832xi32, #tpu.memory_space<vmem>>
    %dma_start3A_685 = arith.constant 0 : i32
    %dma_start3A_686 = arith.constant 0 : i32
    %dma_start3A_687 = tpu.memref_slice %arg3[%dma_start3A_685, %dma_start3A_686] : memref<2600000x32xbf16, #tpu.memory_space<hbm>> -> memref<2600000x32xbf16, #tpu.memory_space<hbm>>
    %dma_start3A_688 = tpu.memref_slice %arg8[%dma_start3A_677] : memref<3x!tpu.dma_semaphore, #tpu.memory_space<semaphore_mem>> -> memref<1x!tpu.dma_semaphore, #tpu.memory_space<semaphore_mem>>
    %dma_start3A_689 = tpu.memref_squeeze %dma_start3A_688 : memref<1x!tpu.dma_semaphore, #tpu.memory_space<semaphore_mem>> -> memref<!tpu.dma_semaphore, #tpu.memory_space<semaphore_mem>>
    tpu.enqueue_indirect_dma source(%dma_start3A_687 : memref<2600000x32xbf16, #tpu.memory_space<hbm>>) target(%dma_start3A_681 : memref<832x32xbf16, #tpu.memory_space<vmem>>) offsets(%dma_start3A_684 : memref<832xi32, #tpu.memory_space<vmem>>) semaphore(%dma_start3A_689 : memref<!tpu.dma_semaphore, #tpu.memory_space<semaphore_mem>>)
    %dma_wait3A_690 = arith.constant 0 : i32
    %dma_wait3A_691 = arith.constant 1 : i32
    %dma_wait3A_692 = arith.constant 1 : i32
    %dma_wait3A_693 = arith.constant 0 : i32
    %dma_wait3A_694 = arith.constant 0 : i32
    %dma_wait3A_695 = tpu.memref_slice %arg7[%dma_wait3A_691, %dma_wait3A_693, %dma_wait3A_694] : memref<3x832x32xbf16, #tpu.memory_space<vmem>> -> memref<1x832x32xbf16, #tpu.memory_space<vmem>>
    %dma_wait3A_696 = tpu.memref_squeeze %dma_wait3A_695 : memref<1x832x32xbf16, #tpu.memory_space<vmem>> -> memref<832x32xbf16, #tpu.memory_space<vmem>>
    %dma_wait3A_697 = arith.constant 8320 : i32
    %dma_wait3A_698 = tpu.memref_slice %arg6[%dma_wait3A_690, %dma_wait3A_697] : memref<1x13312xi32, #tpu.memory_space<vmem>> -> memref<1x832xi32, #tpu.memory_space<vmem>>
    %dma_wait3A_699 = tpu.memref_squeeze %dma_wait3A_698 : memref<1x832xi32, #tpu.memory_space<vmem>> -> memref<832xi32, #tpu.memory_space<vmem>>
    %dma_wait3A_700 = arith.constant 0 : i32
    %dma_wait3A_701 = arith.constant 0 : i32
    %dma_wait3A_702 = tpu.memref_slice %arg3[%dma_wait3A_700, %dma_wait3A_701] : memref<2600000x32xbf16, #tpu.memory_space<hbm>> -> memref<2600000x32xbf16, #tpu.memory_space<hbm>>
    %dma_wait3A_703 = tpu.memref_slice %arg8[%dma_wait3A_692] : memref<3x!tpu.dma_semaphore, #tpu.memory_space<semaphore_mem>> -> memref<1x!tpu.dma_semaphore, #tpu.memory_space<semaphore_mem>>
    %dma_wait3A_704 = tpu.memref_squeeze %dma_wait3A_703 : memref<1x!tpu.dma_semaphore, #tpu.memory_space<semaphore_mem>> -> memref<!tpu.dma_semaphore, #tpu.memory_space<semaphore_mem>>
    tpu.wait_indirect_dma semaphore(%dma_wait3A_704 : memref<!tpu.dma_semaphore, #tpu.memory_space<semaphore_mem>>) src(%dma_wait3A_702 : memref<2600000x32xbf16, #tpu.memory_space<hbm>>) dst(%dma_wait3A_696 : memref<832x32xbf16, #tpu.memory_space<vmem>>)
    %add3A_705 = arith.constant 8320 : i32
    %add3A_706 = arith.addi %mul3A_19, %add3A_705 : i32
    %dma_start3A_707 = arith.constant 1 : i32
    %dma_start3A_708 = arith.constant 1 : i32
    %dma_start3A_709 = arith.constant 0 : i32
    %dma_start3A_710 = arith.constant 0 : i32
    %dma_start3A_711 = tpu.memref_slice %arg7[%dma_start3A_707, %dma_start3A_709, %dma_start3A_710] : memref<3x832x32xbf16, #tpu.memory_space<vmem>> -> memref<1x832x32xbf16, #tpu.memory_space<vmem>>
    %dma_start3A_712 = tpu.memref_squeeze %dma_start3A_711 : memref<1x832x32xbf16, #tpu.memory_space<vmem>> -> memref<832x32xbf16, #tpu.memory_space<vmem>>
    %dma_start3A_713 = arith.constant 0 : i32
    %dma_start3A_714 = tpu.memref_slice %arg4[%add3A_706, %dma_start3A_713] : memref<425984x32xbf16, #tpu.memory_space<hbm>> -> memref<832x32xbf16, #tpu.memory_space<hbm>>
    %dma_start3A_715 = tpu.memref_slice %arg9[%dma_start3A_708] : memref<3x!tpu.dma_semaphore, #tpu.memory_space<semaphore_mem>> -> memref<1x!tpu.dma_semaphore, #tpu.memory_space<semaphore_mem>>
    %dma_start3A_716 = tpu.memref_squeeze %dma_start3A_715 : memref<1x!tpu.dma_semaphore, #tpu.memory_space<semaphore_mem>> -> memref<!tpu.dma_semaphore, #tpu.memory_space<semaphore_mem>>
    %dma_start3A_717 = arith.constant 0 : i32
    %dma_start3A_718 = tpu.memref_slice %arg4[%add3A_706, %dma_start3A_717] : memref<425984x32xbf16, #tpu.memory_space<hbm>> -> memref<832x32xbf16, #tpu.memory_space<hbm>>
    %dma_start3A_719 = arith.constant 0 : i32
    %dma_start3A_720 = arith.constant 0 : i32
    %dma_start3A_721 = tpu.memref_slice %arg7[%dma_start3A_707, %dma_start3A_719, %dma_start3A_720] : memref<3x832x32xbf16, #tpu.memory_space<vmem>> -> memref<1x832x32xbf16, #tpu.memory_space<vmem>>
    %dma_start3A_722 = tpu.memref_squeeze %dma_start3A_721 : memref<1x832x32xbf16, #tpu.memory_space<vmem>> -> memref<832x32xbf16, #tpu.memory_space<vmem>>
    tpu.enqueue_dma source(%dma_start3A_722 : memref<832x32xbf16, #tpu.memory_space<vmem>>) target(%dma_start3A_718 : memref<832x32xbf16, #tpu.memory_space<hbm>>) target_semaphore(%dma_start3A_716 : memref<!tpu.dma_semaphore, #tpu.memory_space<semaphore_mem>>)
    %add3A_723 = arith.constant 7488 : i32
    %add3A_724 = arith.addi %mul3A_19, %add3A_723 : i32
    %dma_wait3A_725 = arith.constant 0 : i32
    %dma_wait3A_726 = arith.constant 0 : i32
    %dma_wait3A_727 = arith.constant 0 : i32
    %dma_wait3A_728 = arith.constant 0 : i32
    %dma_wait3A_729 = tpu.memref_slice %arg7[%dma_wait3A_725, %dma_wait3A_727, %dma_wait3A_728] : memref<3x832x32xbf16, #tpu.memory_space<vmem>> -> memref<1x832x32xbf16, #tpu.memory_space<vmem>>
    %dma_wait3A_730 = tpu.memref_squeeze %dma_wait3A_729 : memref<1x832x32xbf16, #tpu.memory_space<vmem>> -> memref<832x32xbf16, #tpu.memory_space<vmem>>
    %dma_wait3A_731 = arith.constant 0 : i32
    %dma_wait3A_732 = tpu.memref_slice %arg4[%add3A_724, %dma_wait3A_731] : memref<425984x32xbf16, #tpu.memory_space<hbm>> -> memref<832x32xbf16, #tpu.memory_space<hbm>>
    %dma_wait3A_733 = tpu.memref_slice %arg9[%dma_wait3A_726] : memref<3x!tpu.dma_semaphore, #tpu.memory_space<semaphore_mem>> -> memref<1x!tpu.dma_semaphore, #tpu.memory_space<semaphore_mem>>
    %dma_wait3A_734 = tpu.memref_squeeze %dma_wait3A_733 : memref<1x!tpu.dma_semaphore, #tpu.memory_space<semaphore_mem>> -> memref<!tpu.dma_semaphore, #tpu.memory_space<semaphore_mem>>
    %dma_wait3A_735 = arith.constant 0 : i32
    %dma_wait3A_736 = tpu.memref_slice %arg4[%add3A_724, %dma_wait3A_735] : memref<425984x32xbf16, #tpu.memory_space<hbm>> -> memref<832x32xbf16, #tpu.memory_space<hbm>>
    %dma_wait3A_737 = arith.constant 0 : i32
    %dma_wait3A_738 = arith.constant 0 : i32
    %dma_wait3A_739 = tpu.memref_slice %arg7[%dma_wait3A_725, %dma_wait3A_737, %dma_wait3A_738] : memref<3x832x32xbf16, #tpu.memory_space<vmem>> -> memref<1x832x32xbf16, #tpu.memory_space<vmem>>
    %dma_wait3A_740 = tpu.memref_squeeze %dma_wait3A_739 : memref<1x832x32xbf16, #tpu.memory_space<vmem>> -> memref<832x32xbf16, #tpu.memory_space<vmem>>
    tpu.wait_dma2 semaphore(%dma_wait3A_734 : memref<!tpu.dma_semaphore, #tpu.memory_space<semaphore_mem>>) src(%dma_wait3A_740 : memref<832x32xbf16, #tpu.memory_space<vmem>>) dst(%dma_wait3A_736 : memref<832x32xbf16, #tpu.memory_space<hbm>>)
    %dma_start3A_741 = arith.constant 0 : i32
    %dma_start3A_742 = arith.constant 0 : i32
    %dma_start3A_743 = arith.constant 0 : i32
    %dma_start3A_744 = arith.constant 0 : i32
    %dma_start3A_745 = arith.constant 0 : i32
    %dma_start3A_746 = tpu.memref_slice %arg7[%dma_start3A_742, %dma_start3A_744, %dma_start3A_745] : memref<3x832x32xbf16, #tpu.memory_space<vmem>> -> memref<1x832x32xbf16, #tpu.memory_space<vmem>>
    %dma_start3A_747 = tpu.memref_squeeze %dma_start3A_746 : memref<1x832x32xbf16, #tpu.memory_space<vmem>> -> memref<832x32xbf16, #tpu.memory_space<vmem>>
    %dma_start3A_748 = arith.constant 9984 : i32
    %dma_start3A_749 = tpu.memref_slice %arg6[%dma_start3A_741, %dma_start3A_748] : memref<1x13312xi32, #tpu.memory_space<vmem>> -> memref<1x832xi32, #tpu.memory_space<vmem>>
    %dma_start3A_750 = tpu.memref_squeeze %dma_start3A_749 : memref<1x832xi32, #tpu.memory_space<vmem>> -> memref<832xi32, #tpu.memory_space<vmem>>
    %dma_start3A_751 = arith.constant 0 : i32
    %dma_start3A_752 = arith.constant 0 : i32
    %dma_start3A_753 = tpu.memref_slice %arg3[%dma_start3A_751, %dma_start3A_752] : memref<2600000x32xbf16, #tpu.memory_space<hbm>> -> memref<2600000x32xbf16, #tpu.memory_space<hbm>>
    %dma_start3A_754 = tpu.memref_slice %arg8[%dma_start3A_743] : memref<3x!tpu.dma_semaphore, #tpu.memory_space<semaphore_mem>> -> memref<1x!tpu.dma_semaphore, #tpu.memory_space<semaphore_mem>>
    %dma_start3A_755 = tpu.memref_squeeze %dma_start3A_754 : memref<1x!tpu.dma_semaphore, #tpu.memory_space<semaphore_mem>> -> memref<!tpu.dma_semaphore, #tpu.memory_space<semaphore_mem>>
    tpu.enqueue_indirect_dma source(%dma_start3A_753 : memref<2600000x32xbf16, #tpu.memory_space<hbm>>) target(%dma_start3A_747 : memref<832x32xbf16, #tpu.memory_space<vmem>>) offsets(%dma_start3A_750 : memref<832xi32, #tpu.memory_space<vmem>>) semaphore(%dma_start3A_755 : memref<!tpu.dma_semaphore, #tpu.memory_space<semaphore_mem>>)
    %dma_wait3A_756 = arith.constant 0 : i32
    %dma_wait3A_757 = arith.constant 2 : i32
    %dma_wait3A_758 = arith.constant 2 : i32
    %dma_wait3A_759 = arith.constant 0 : i32
    %dma_wait3A_760 = arith.constant 0 : i32
    %dma_wait3A_761 = tpu.memref_slice %arg7[%dma_wait3A_757, %dma_wait3A_759, %dma_wait3A_760] : memref<3x832x32xbf16, #tpu.memory_space<vmem>> -> memref<1x832x32xbf16, #tpu.memory_space<vmem>>
    %dma_wait3A_762 = tpu.memref_squeeze %dma_wait3A_761 : memref<1x832x32xbf16, #tpu.memory_space<vmem>> -> memref<832x32xbf16, #tpu.memory_space<vmem>>
    %dma_wait3A_763 = arith.constant 9152 : i32
    %dma_wait3A_764 = tpu.memref_slice %arg6[%dma_wait3A_756, %dma_wait3A_763] : memref<1x13312xi32, #tpu.memory_space<vmem>> -> memref<1x832xi32, #tpu.memory_space<vmem>>
    %dma_wait3A_765 = tpu.memref_squeeze %dma_wait3A_764 : memref<1x832xi32, #tpu.memory_space<vmem>> -> memref<832xi32, #tpu.memory_space<vmem>>
    %dma_wait3A_766 = arith.constant 0 : i32
    %dma_wait3A_767 = arith.constant 0 : i32
    %dma_wait3A_768 = tpu.memref_slice %arg3[%dma_wait3A_766, %dma_wait3A_767] : memref<2600000x32xbf16, #tpu.memory_space<hbm>> -> memref<2600000x32xbf16, #tpu.memory_space<hbm>>
    %dma_wait3A_769 = tpu.memref_slice %arg8[%dma_wait3A_758] : memref<3x!tpu.dma_semaphore, #tpu.memory_space<semaphore_mem>> -> memref<1x!tpu.dma_semaphore, #tpu.memory_space<semaphore_mem>>
    %dma_wait3A_770 = tpu.memref_squeeze %dma_wait3A_769 : memref<1x!tpu.dma_semaphore, #tpu.memory_space<semaphore_mem>> -> memref<!tpu.dma_semaphore, #tpu.memory_space<semaphore_mem>>
    tpu.wait_indirect_dma semaphore(%dma_wait3A_770 : memref<!tpu.dma_semaphore, #tpu.memory_space<semaphore_mem>>) src(%dma_wait3A_768 : memref<2600000x32xbf16, #tpu.memory_space<hbm>>) dst(%dma_wait3A_762 : memref<832x32xbf16, #tpu.memory_space<vmem>>)
    %add3A_771 = arith.constant 9152 : i32
    %add3A_772 = arith.addi %mul3A_19, %add3A_771 : i32
    %dma_start3A_773 = arith.constant 2 : i32
    %dma_start3A_774 = arith.constant 2 : i32
    %dma_start3A_775 = arith.constant 0 : i32
    %dma_start3A_776 = arith.constant 0 : i32
    %dma_start3A_777 = tpu.memref_slice %arg7[%dma_start3A_773, %dma_start3A_775, %dma_start3A_776] : memref<3x832x32xbf16, #tpu.memory_space<vmem>> -> memref<1x832x32xbf16, #tpu.memory_space<vmem>>
    %dma_start3A_778 = tpu.memref_squeeze %dma_start3A_777 : memref<1x832x32xbf16, #tpu.memory_space<vmem>> -> memref<832x32xbf16, #tpu.memory_space<vmem>>
    %dma_start3A_779 = arith.constant 0 : i32
    %dma_start3A_780 = tpu.memref_slice %arg4[%add3A_772, %dma_start3A_779] : memref<425984x32xbf16, #tpu.memory_space<hbm>> -> memref<832x32xbf16, #tpu.memory_space<hbm>>
    %dma_start3A_781 = tpu.memref_slice %arg9[%dma_start3A_774] : memref<3x!tpu.dma_semaphore, #tpu.memory_space<semaphore_mem>> -> memref<1x!tpu.dma_semaphore, #tpu.memory_space<semaphore_mem>>
    %dma_start3A_782 = tpu.memref_squeeze %dma_start3A_781 : memref<1x!tpu.dma_semaphore, #tpu.memory_space<semaphore_mem>> -> memref<!tpu.dma_semaphore, #tpu.memory_space<semaphore_mem>>
    %dma_start3A_783 = arith.constant 0 : i32
    %dma_start3A_784 = tpu.memref_slice %arg4[%add3A_772, %dma_start3A_783] : memref<425984x32xbf16, #tpu.memory_space<hbm>> -> memref<832x32xbf16, #tpu.memory_space<hbm>>
    %dma_start3A_785 = arith.constant 0 : i32
    %dma_start3A_786 = arith.constant 0 : i32
    %dma_start3A_787 = tpu.memref_slice %arg7[%dma_start3A_773, %dma_start3A_785, %dma_start3A_786] : memref<3x832x32xbf16, #tpu.memory_space<vmem>> -> memref<1x832x32xbf16, #tpu.memory_space<vmem>>
    %dma_start3A_788 = tpu.memref_squeeze %dma_start3A_787 : memref<1x832x32xbf16, #tpu.memory_space<vmem>> -> memref<832x32xbf16, #tpu.memory_space<vmem>>
    tpu.enqueue_dma source(%dma_start3A_788 : memref<832x32xbf16, #tpu.memory_space<vmem>>) target(%dma_start3A_784 : memref<832x32xbf16, #tpu.memory_space<hbm>>) target_semaphore(%dma_start3A_782 : memref<!tpu.dma_semaphore, #tpu.memory_space<semaphore_mem>>)
    %add3A_789 = arith.constant 8320 : i32
    %add3A_790 = arith.addi %mul3A_19, %add3A_789 : i32
    %dma_wait3A_791 = arith.constant 1 : i32
    %dma_wait3A_792 = arith.constant 1 : i32
    %dma_wait3A_793 = arith.constant 0 : i32
    %dma_wait3A_794 = arith.constant 0 : i32
    %dma_wait3A_795 = tpu.memref_slice %arg7[%dma_wait3A_791, %dma_wait3A_793, %dma_wait3A_794] : memref<3x832x32xbf16, #tpu.memory_space<vmem>> -> memref<1x832x32xbf16, #tpu.memory_space<vmem>>
    %dma_wait3A_796 = tpu.memref_squeeze %dma_wait3A_795 : memref<1x832x32xbf16, #tpu.memory_space<vmem>> -> memref<832x32xbf16, #tpu.memory_space<vmem>>
    %dma_wait3A_797 = arith.constant 0 : i32
    %dma_wait3A_798 = tpu.memref_slice %arg4[%add3A_790, %dma_wait3A_797] : memref<425984x32xbf16, #tpu.memory_space<hbm>> -> memref<832x32xbf16, #tpu.memory_space<hbm>>
    %dma_wait3A_799 = tpu.memref_slice %arg9[%dma_wait3A_792] : memref<3x!tpu.dma_semaphore, #tpu.memory_space<semaphore_mem>> -> memref<1x!tpu.dma_semaphore, #tpu.memory_space<semaphore_mem>>
    %dma_wait3A_800 = tpu.memref_squeeze %dma_wait3A_799 : memref<1x!tpu.dma_semaphore, #tpu.memory_space<semaphore_mem>> -> memref<!tpu.dma_semaphore, #tpu.memory_space<semaphore_mem>>
    %dma_wait3A_801 = arith.constant 0 : i32
    %dma_wait3A_802 = tpu.memref_slice %arg4[%add3A_790, %dma_wait3A_801] : memref<425984x32xbf16, #tpu.memory_space<hbm>> -> memref<832x32xbf16, #tpu.memory_space<hbm>>
    %dma_wait3A_803 = arith.constant 0 : i32
    %dma_wait3A_804 = arith.constant 0 : i32
    %dma_wait3A_805 = tpu.memref_slice %arg7[%dma_wait3A_791, %dma_wait3A_803, %dma_wait3A_804] : memref<3x832x32xbf16, #tpu.memory_space<vmem>> -> memref<1x832x32xbf16, #tpu.memory_space<vmem>>
    %dma_wait3A_806 = tpu.memref_squeeze %dma_wait3A_805 : memref<1x832x32xbf16, #tpu.memory_space<vmem>> -> memref<832x32xbf16, #tpu.memory_space<vmem>>
    tpu.wait_dma2 semaphore(%dma_wait3A_800 : memref<!tpu.dma_semaphore, #tpu.memory_space<semaphore_mem>>) src(%dma_wait3A_806 : memref<832x32xbf16, #tpu.memory_space<vmem>>) dst(%dma_wait3A_802 : memref<832x32xbf16, #tpu.memory_space<hbm>>)
    %dma_start3A_807 = arith.constant 0 : i32
    %dma_start3A_808 = arith.constant 1 : i32
    %dma_start3A_809 = arith.constant 1 : i32
    %dma_start3A_810 = arith.constant 0 : i32
    %dma_start3A_811 = arith.constant 0 : i32
    %dma_start3A_812 = tpu.memref_slice %arg7[%dma_start3A_808, %dma_start3A_810, %dma_start3A_811] : memref<3x832x32xbf16, #tpu.memory_space<vmem>> -> memref<1x832x32xbf16, #tpu.memory_space<vmem>>
    %dma_start3A_813 = tpu.memref_squeeze %dma_start3A_812 : memref<1x832x32xbf16, #tpu.memory_space<vmem>> -> memref<832x32xbf16, #tpu.memory_space<vmem>>
    %dma_start3A_814 = arith.constant 10816 : i32
    %dma_start3A_815 = tpu.memref_slice %arg6[%dma_start3A_807, %dma_start3A_814] : memref<1x13312xi32, #tpu.memory_space<vmem>> -> memref<1x832xi32, #tpu.memory_space<vmem>>
    %dma_start3A_816 = tpu.memref_squeeze %dma_start3A_815 : memref<1x832xi32, #tpu.memory_space<vmem>> -> memref<832xi32, #tpu.memory_space<vmem>>
    %dma_start3A_817 = arith.constant 0 : i32
    %dma_start3A_818 = arith.constant 0 : i32
    %dma_start3A_819 = tpu.memref_slice %arg3[%dma_start3A_817, %dma_start3A_818] : memref<2600000x32xbf16, #tpu.memory_space<hbm>> -> memref<2600000x32xbf16, #tpu.memory_space<hbm>>
    %dma_start3A_820 = tpu.memref_slice %arg8[%dma_start3A_809] : memref<3x!tpu.dma_semaphore, #tpu.memory_space<semaphore_mem>> -> memref<1x!tpu.dma_semaphore, #tpu.memory_space<semaphore_mem>>
    %dma_start3A_821 = tpu.memref_squeeze %dma_start3A_820 : memref<1x!tpu.dma_semaphore, #tpu.memory_space<semaphore_mem>> -> memref<!tpu.dma_semaphore, #tpu.memory_space<semaphore_mem>>
    tpu.enqueue_indirect_dma source(%dma_start3A_819 : memref<2600000x32xbf16, #tpu.memory_space<hbm>>) target(%dma_start3A_813 : memref<832x32xbf16, #tpu.memory_space<vmem>>) offsets(%dma_start3A_816 : memref<832xi32, #tpu.memory_space<vmem>>) semaphore(%dma_start3A_821 : memref<!tpu.dma_semaphore, #tpu.memory_space<semaphore_mem>>)
    %dma_wait3A_822 = arith.constant 0 : i32
    %dma_wait3A_823 = arith.constant 0 : i32
    %dma_wait3A_824 = arith.constant 0 : i32
    %dma_wait3A_825 = arith.constant 0 : i32
    %dma_wait3A_826 = arith.constant 0 : i32
    %dma_wait3A_827 = tpu.memref_slice %arg7[%dma_wait3A_823, %dma_wait3A_825, %dma_wait3A_826] : memref<3x832x32xbf16, #tpu.memory_space<vmem>> -> memref<1x832x32xbf16, #tpu.memory_space<vmem>>
    %dma_wait3A_828 = tpu.memref_squeeze %dma_wait3A_827 : memref<1x832x32xbf16, #tpu.memory_space<vmem>> -> memref<832x32xbf16, #tpu.memory_space<vmem>>
    %dma_wait3A_829 = arith.constant 9984 : i32
    %dma_wait3A_830 = tpu.memref_slice %arg6[%dma_wait3A_822, %dma_wait3A_829] : memref<1x13312xi32, #tpu.memory_space<vmem>> -> memref<1x832xi32, #tpu.memory_space<vmem>>
    %dma_wait3A_831 = tpu.memref_squeeze %dma_wait3A_830 : memref<1x832xi32, #tpu.memory_space<vmem>> -> memref<832xi32, #tpu.memory_space<vmem>>
    %dma_wait3A_832 = arith.constant 0 : i32
    %dma_wait3A_833 = arith.constant 0 : i32
    %dma_wait3A_834 = tpu.memref_slice %arg3[%dma_wait3A_832, %dma_wait3A_833] : memref<2600000x32xbf16, #tpu.memory_space<hbm>> -> memref<2600000x32xbf16, #tpu.memory_space<hbm>>
    %dma_wait3A_835 = tpu.memref_slice %arg8[%dma_wait3A_824] : memref<3x!tpu.dma_semaphore, #tpu.memory_space<semaphore_mem>> -> memref<1x!tpu.dma_semaphore, #tpu.memory_space<semaphore_mem>>
    %dma_wait3A_836 = tpu.memref_squeeze %dma_wait3A_835 : memref<1x!tpu.dma_semaphore, #tpu.memory_space<semaphore_mem>> -> memref<!tpu.dma_semaphore, #tpu.memory_space<semaphore_mem>>
    tpu.wait_indirect_dma semaphore(%dma_wait3A_836 : memref<!tpu.dma_semaphore, #tpu.memory_space<semaphore_mem>>) src(%dma_wait3A_834 : memref<2600000x32xbf16, #tpu.memory_space<hbm>>) dst(%dma_wait3A_828 : memref<832x32xbf16, #tpu.memory_space<vmem>>)
    %add3A_837 = arith.constant 9984 : i32
    %add3A_838 = arith.addi %mul3A_19, %add3A_837 : i32
    %dma_start3A_839 = arith.constant 0 : i32
    %dma_start3A_840 = arith.constant 0 : i32
    %dma_start3A_841 = arith.constant 0 : i32
    %dma_start3A_842 = arith.constant 0 : i32
    %dma_start3A_843 = tpu.memref_slice %arg7[%dma_start3A_839, %dma_start3A_841, %dma_start3A_842] : memref<3x832x32xbf16, #tpu.memory_space<vmem>> -> memref<1x832x32xbf16, #tpu.memory_space<vmem>>
    %dma_start3A_844 = tpu.memref_squeeze %dma_start3A_843 : memref<1x832x32xbf16, #tpu.memory_space<vmem>> -> memref<832x32xbf16, #tpu.memory_space<vmem>>
    %dma_start3A_845 = arith.constant 0 : i32
    %dma_start3A_846 = tpu.memref_slice %arg4[%add3A_838, %dma_start3A_845] : memref<425984x32xbf16, #tpu.memory_space<hbm>> -> memref<832x32xbf16, #tpu.memory_space<hbm>>
    %dma_start3A_847 = tpu.memref_slice %arg9[%dma_start3A_840] : memref<3x!tpu.dma_semaphore, #tpu.memory_space<semaphore_mem>> -> memref<1x!tpu.dma_semaphore, #tpu.memory_space<semaphore_mem>>
    %dma_start3A_848 = tpu.memref_squeeze %dma_start3A_847 : memref<1x!tpu.dma_semaphore, #tpu.memory_space<semaphore_mem>> -> memref<!tpu.dma_semaphore, #tpu.memory_space<semaphore_mem>>
    %dma_start3A_849 = arith.constant 0 : i32
    %dma_start3A_850 = tpu.memref_slice %arg4[%add3A_838, %dma_start3A_849] : memref<425984x32xbf16, #tpu.memory_space<hbm>> -> memref<832x32xbf16, #tpu.memory_space<hbm>>
    %dma_start3A_851 = arith.constant 0 : i32
    %dma_start3A_852 = arith.constant 0 : i32
    %dma_start3A_853 = tpu.memref_slice %arg7[%dma_start3A_839, %dma_start3A_851, %dma_start3A_852] : memref<3x832x32xbf16, #tpu.memory_space<vmem>> -> memref<1x832x32xbf16, #tpu.memory_space<vmem>>
    %dma_start3A_854 = tpu.memref_squeeze %dma_start3A_853 : memref<1x832x32xbf16, #tpu.memory_space<vmem>> -> memref<832x32xbf16, #tpu.memory_space<vmem>>
    tpu.enqueue_dma source(%dma_start3A_854 : memref<832x32xbf16, #tpu.memory_space<vmem>>) target(%dma_start3A_850 : memref<832x32xbf16, #tpu.memory_space<hbm>>) target_semaphore(%dma_start3A_848 : memref<!tpu.dma_semaphore, #tpu.memory_space<semaphore_mem>>)
    %add3A_855 = arith.constant 9152 : i32
    %add3A_856 = arith.addi %mul3A_19, %add3A_855 : i32
    %dma_wait3A_857 = arith.constant 2 : i32
    %dma_wait3A_858 = arith.constant 2 : i32
    %dma_wait3A_859 = arith.constant 0 : i32
    %dma_wait3A_860 = arith.constant 0 : i32
    %dma_wait3A_861 = tpu.memref_slice %arg7[%dma_wait3A_857, %dma_wait3A_859, %dma_wait3A_860] : memref<3x832x32xbf16, #tpu.memory_space<vmem>> -> memref<1x832x32xbf16, #tpu.memory_space<vmem>>
    %dma_wait3A_862 = tpu.memref_squeeze %dma_wait3A_861 : memref<1x832x32xbf16, #tpu.memory_space<vmem>> -> memref<832x32xbf16, #tpu.memory_space<vmem>>
    %dma_wait3A_863 = arith.constant 0 : i32
    %dma_wait3A_864 = tpu.memref_slice %arg4[%add3A_856, %dma_wait3A_863] : memref<425984x32xbf16, #tpu.memory_space<hbm>> -> memref<832x32xbf16, #tpu.memory_space<hbm>>
    %dma_wait3A_865 = tpu.memref_slice %arg9[%dma_wait3A_858] : memref<3x!tpu.dma_semaphore, #tpu.memory_space<semaphore_mem>> -> memref<1x!tpu.dma_semaphore, #tpu.memory_space<semaphore_mem>>
    %dma_wait3A_866 = tpu.memref_squeeze %dma_wait3A_865 : memref<1x!tpu.dma_semaphore, #tpu.memory_space<semaphore_mem>> -> memref<!tpu.dma_semaphore, #tpu.memory_space<semaphore_mem>>
    %dma_wait3A_867 = arith.constant 0 : i32
    %dma_wait3A_868 = tpu.memref_slice %arg4[%add3A_856, %dma_wait3A_867] : memref<425984x32xbf16, #tpu.memory_space<hbm>> -> memref<832x32xbf16, #tpu.memory_space<hbm>>
    %dma_wait3A_869 = arith.constant 0 : i32
    %dma_wait3A_870 = arith.constant 0 : i32
    %dma_wait3A_871 = tpu.memref_slice %arg7[%dma_wait3A_857, %dma_wait3A_869, %dma_wait3A_870] : memref<3x832x32xbf16, #tpu.memory_space<vmem>> -> memref<1x832x32xbf16, #tpu.memory_space<vmem>>
    %dma_wait3A_872 = tpu.memref_squeeze %dma_wait3A_871 : memref<1x832x32xbf16, #tpu.memory_space<vmem>> -> memref<832x32xbf16, #tpu.memory_space<vmem>>
    tpu.wait_dma2 semaphore(%dma_wait3A_866 : memref<!tpu.dma_semaphore, #tpu.memory_space<semaphore_mem>>) src(%dma_wait3A_872 : memref<832x32xbf16, #tpu.memory_space<vmem>>) dst(%dma_wait3A_868 : memref<832x32xbf16, #tpu.memory_space<hbm>>)
    %dma_start3A_873 = arith.constant 0 : i32
    %dma_start3A_874 = arith.constant 2 : i32
    %dma_start3A_875 = arith.constant 2 : i32
    %dma_start3A_876 = arith.constant 0 : i32
    %dma_start3A_877 = arith.constant 0 : i32
    %dma_start3A_878 = tpu.memref_slice %arg7[%dma_start3A_874, %dma_start3A_876, %dma_start3A_877] : memref<3x832x32xbf16, #tpu.memory_space<vmem>> -> memref<1x832x32xbf16, #tpu.memory_space<vmem>>
    %dma_start3A_879 = tpu.memref_squeeze %dma_start3A_878 : memref<1x832x32xbf16, #tpu.memory_space<vmem>> -> memref<832x32xbf16, #tpu.memory_space<vmem>>
    %dma_start3A_880 = arith.constant 11648 : i32
    %dma_start3A_881 = tpu.memref_slice %arg6[%dma_start3A_873, %dma_start3A_880] : memref<1x13312xi32, #tpu.memory_space<vmem>> -> memref<1x832xi32, #tpu.memory_space<vmem>>
    %dma_start3A_882 = tpu.memref_squeeze %dma_start3A_881 : memref<1x832xi32, #tpu.memory_space<vmem>> -> memref<832xi32, #tpu.memory_space<vmem>>
    %dma_start3A_883 = arith.constant 0 : i32
    %dma_start3A_884 = arith.constant 0 : i32
    %dma_start3A_885 = tpu.memref_slice %arg3[%dma_start3A_883, %dma_start3A_884] : memref<2600000x32xbf16, #tpu.memory_space<hbm>> -> memref<2600000x32xbf16, #tpu.memory_space<hbm>>
    %dma_start3A_886 = tpu.memref_slice %arg8[%dma_start3A_875] : memref<3x!tpu.dma_semaphore, #tpu.memory_space<semaphore_mem>> -> memref<1x!tpu.dma_semaphore, #tpu.memory_space<semaphore_mem>>
    %dma_start3A_887 = tpu.memref_squeeze %dma_start3A_886 : memref<1x!tpu.dma_semaphore, #tpu.memory_space<semaphore_mem>> -> memref<!tpu.dma_semaphore, #tpu.memory_space<semaphore_mem>>
    tpu.enqueue_indirect_dma source(%dma_start3A_885 : memref<2600000x32xbf16, #tpu.memory_space<hbm>>) target(%dma_start3A_879 : memref<832x32xbf16, #tpu.memory_space<vmem>>) offsets(%dma_start3A_882 : memref<832xi32, #tpu.memory_space<vmem>>) semaphore(%dma_start3A_887 : memref<!tpu.dma_semaphore, #tpu.memory_space<semaphore_mem>>)
    %dma_wait3A_888 = arith.constant 0 : i32
    %dma_wait3A_889 = arith.constant 1 : i32
    %dma_wait3A_890 = arith.constant 1 : i32
    %dma_wait3A_891 = arith.constant 0 : i32
    %dma_wait3A_892 = arith.constant 0 : i32
    %dma_wait3A_893 = tpu.memref_slice %arg7[%dma_wait3A_889, %dma_wait3A_891, %dma_wait3A_892] : memref<3x832x32xbf16, #tpu.memory_space<vmem>> -> memref<1x832x32xbf16, #tpu.memory_space<vmem>>
    %dma_wait3A_894 = tpu.memref_squeeze %dma_wait3A_893 : memref<1x832x32xbf16, #tpu.memory_space<vmem>> -> memref<832x32xbf16, #tpu.memory_space<vmem>>
    %dma_wait3A_895 = arith.constant 10816 : i32
    %dma_wait3A_896 = tpu.memref_slice %arg6[%dma_wait3A_888, %dma_wait3A_895] : memref<1x13312xi32, #tpu.memory_space<vmem>> -> memref<1x832xi32, #tpu.memory_space<vmem>>
    %dma_wait3A_897 = tpu.memref_squeeze %dma_wait3A_896 : memref<1x832xi32, #tpu.memory_space<vmem>> -> memref<832xi32, #tpu.memory_space<vmem>>
    %dma_wait3A_898 = arith.constant 0 : i32
    %dma_wait3A_899 = arith.constant 0 : i32
    %dma_wait3A_900 = tpu.memref_slice %arg3[%dma_wait3A_898, %dma_wait3A_899] : memref<2600000x32xbf16, #tpu.memory_space<hbm>> -> memref<2600000x32xbf16, #tpu.memory_space<hbm>>
    %dma_wait3A_901 = tpu.memref_slice %arg8[%dma_wait3A_890] : memref<3x!tpu.dma_semaphore, #tpu.memory_space<semaphore_mem>> -> memref<1x!tpu.dma_semaphore, #tpu.memory_space<semaphore_mem>>
    %dma_wait3A_902 = tpu.memref_squeeze %dma_wait3A_901 : memref<1x!tpu.dma_semaphore, #tpu.memory_space<semaphore_mem>> -> memref<!tpu.dma_semaphore, #tpu.memory_space<semaphore_mem>>
    tpu.wait_indirect_dma semaphore(%dma_wait3A_902 : memref<!tpu.dma_semaphore, #tpu.memory_space<semaphore_mem>>) src(%dma_wait3A_900 : memref<2600000x32xbf16, #tpu.memory_space<hbm>>) dst(%dma_wait3A_894 : memref<832x32xbf16, #tpu.memory_space<vmem>>)
    %add3A_903 = arith.constant 10816 : i32
    %add3A_904 = arith.addi %mul3A_19, %add3A_903 : i32
    %dma_start3A_905 = arith.constant 1 : i32
    %dma_start3A_906 = arith.constant 1 : i32
    %dma_start3A_907 = arith.constant 0 : i32
    %dma_start3A_908 = arith.constant 0 : i32
    %dma_start3A_909 = tpu.memref_slice %arg7[%dma_start3A_905, %dma_start3A_907, %dma_start3A_908] : memref<3x832x32xbf16, #tpu.memory_space<vmem>> -> memref<1x832x32xbf16, #tpu.memory_space<vmem>>
    %dma_start3A_910 = tpu.memref_squeeze %dma_start3A_909 : memref<1x832x32xbf16, #tpu.memory_space<vmem>> -> memref<832x32xbf16, #tpu.memory_space<vmem>>
    %dma_start3A_911 = arith.constant 0 : i32
    %dma_start3A_912 = tpu.memref_slice %arg4[%add3A_904, %dma_start3A_911] : memref<425984x32xbf16, #tpu.memory_space<hbm>> -> memref<832x32xbf16, #tpu.memory_space<hbm>>
    %dma_start3A_913 = tpu.memref_slice %arg9[%dma_start3A_906] : memref<3x!tpu.dma_semaphore, #tpu.memory_space<semaphore_mem>> -> memref<1x!tpu.dma_semaphore, #tpu.memory_space<semaphore_mem>>
    %dma_start3A_914 = tpu.memref_squeeze %dma_start3A_913 : memref<1x!tpu.dma_semaphore, #tpu.memory_space<semaphore_mem>> -> memref<!tpu.dma_semaphore, #tpu.memory_space<semaphore_mem>>
    %dma_start3A_915 = arith.constant 0 : i32
    %dma_start3A_916 = tpu.memref_slice %arg4[%add3A_904, %dma_start3A_915] : memref<425984x32xbf16, #tpu.memory_space<hbm>> -> memref<832x32xbf16, #tpu.memory_space<hbm>>
    %dma_start3A_917 = arith.constant 0 : i32
    %dma_start3A_918 = arith.constant 0 : i32
    %dma_start3A_919 = tpu.memref_slice %arg7[%dma_start3A_905, %dma_start3A_917, %dma_start3A_918] : memref<3x832x32xbf16, #tpu.memory_space<vmem>> -> memref<1x832x32xbf16, #tpu.memory_space<vmem>>
    %dma_start3A_920 = tpu.memref_squeeze %dma_start3A_919 : memref<1x832x32xbf16, #tpu.memory_space<vmem>> -> memref<832x32xbf16, #tpu.memory_space<vmem>>
    tpu.enqueue_dma source(%dma_start3A_920 : memref<832x32xbf16, #tpu.memory_space<vmem>>) target(%dma_start3A_916 : memref<832x32xbf16, #tpu.memory_space<hbm>>) target_semaphore(%dma_start3A_914 : memref<!tpu.dma_semaphore, #tpu.memory_space<semaphore_mem>>)
    %add3A_921 = arith.constant 9984 : i32
    %add3A_922 = arith.addi %mul3A_19, %add3A_921 : i32
    %dma_wait3A_923 = arith.constant 0 : i32
    %dma_wait3A_924 = arith.constant 0 : i32
    %dma_wait3A_925 = arith.constant 0 : i32
    %dma_wait3A_926 = arith.constant 0 : i32
    %dma_wait3A_927 = tpu.memref_slice %arg7[%dma_wait3A_923, %dma_wait3A_925, %dma_wait3A_926] : memref<3x832x32xbf16, #tpu.memory_space<vmem>> -> memref<1x832x32xbf16, #tpu.memory_space<vmem>>
    %dma_wait3A_928 = tpu.memref_squeeze %dma_wait3A_927 : memref<1x832x32xbf16, #tpu.memory_space<vmem>> -> memref<832x32xbf16, #tpu.memory_space<vmem>>
    %dma_wait3A_929 = arith.constant 0 : i32
    %dma_wait3A_930 = tpu.memref_slice %arg4[%add3A_922, %dma_wait3A_929] : memref<425984x32xbf16, #tpu.memory_space<hbm>> -> memref<832x32xbf16, #tpu.memory_space<hbm>>
    %dma_wait3A_931 = tpu.memref_slice %arg9[%dma_wait3A_924] : memref<3x!tpu.dma_semaphore, #tpu.memory_space<semaphore_mem>> -> memref<1x!tpu.dma_semaphore, #tpu.memory_space<semaphore_mem>>
    %dma_wait3A_932 = tpu.memref_squeeze %dma_wait3A_931 : memref<1x!tpu.dma_semaphore, #tpu.memory_space<semaphore_mem>> -> memref<!tpu.dma_semaphore, #tpu.memory_space<semaphore_mem>>
    %dma_wait3A_933 = arith.constant 0 : i32
    %dma_wait3A_934 = tpu.memref_slice %arg4[%add3A_922, %dma_wait3A_933] : memref<425984x32xbf16, #tpu.memory_space<hbm>> -> memref<832x32xbf16, #tpu.memory_space<hbm>>
    %dma_wait3A_935 = arith.constant 0 : i32
    %dma_wait3A_936 = arith.constant 0 : i32
    %dma_wait3A_937 = tpu.memref_slice %arg7[%dma_wait3A_923, %dma_wait3A_935, %dma_wait3A_936] : memref<3x832x32xbf16, #tpu.memory_space<vmem>> -> memref<1x832x32xbf16, #tpu.memory_space<vmem>>
    %dma_wait3A_938 = tpu.memref_squeeze %dma_wait3A_937 : memref<1x832x32xbf16, #tpu.memory_space<vmem>> -> memref<832x32xbf16, #tpu.memory_space<vmem>>
    tpu.wait_dma2 semaphore(%dma_wait3A_932 : memref<!tpu.dma_semaphore, #tpu.memory_space<semaphore_mem>>) src(%dma_wait3A_938 : memref<832x32xbf16, #tpu.memory_space<vmem>>) dst(%dma_wait3A_934 : memref<832x32xbf16, #tpu.memory_space<hbm>>)
    %dma_start3A_939 = arith.constant 0 : i32
    %dma_start3A_940 = arith.constant 0 : i32
    %dma_start3A_941 = arith.constant 0 : i32
    %dma_start3A_942 = arith.constant 0 : i32
    %dma_start3A_943 = arith.constant 0 : i32
    %dma_start3A_944 = tpu.memref_slice %arg7[%dma_start3A_940, %dma_start3A_942, %dma_start3A_943] : memref<3x832x32xbf16, #tpu.memory_space<vmem>> -> memref<1x832x32xbf16, #tpu.memory_space<vmem>>
    %dma_start3A_945 = tpu.memref_squeeze %dma_start3A_944 : memref<1x832x32xbf16, #tpu.memory_space<vmem>> -> memref<832x32xbf16, #tpu.memory_space<vmem>>
    %dma_start3A_946 = arith.constant 12480 : i32
    %dma_start3A_947 = tpu.memref_slice %arg6[%dma_start3A_939, %dma_start3A_946] : memref<1x13312xi32, #tpu.memory_space<vmem>> -> memref<1x832xi32, #tpu.memory_space<vmem>>
    %dma_start3A_948 = tpu.memref_squeeze %dma_start3A_947 : memref<1x832xi32, #tpu.memory_space<vmem>> -> memref<832xi32, #tpu.memory_space<vmem>>
    %dma_start3A_949 = arith.constant 0 : i32
    %dma_start3A_950 = arith.constant 0 : i32
    %dma_start3A_951 = tpu.memref_slice %arg3[%dma_start3A_949, %dma_start3A_950] : memref<2600000x32xbf16, #tpu.memory_space<hbm>> -> memref<2600000x32xbf16, #tpu.memory_space<hbm>>
    %dma_start3A_952 = tpu.memref_slice %arg8[%dma_start3A_941] : memref<3x!tpu.dma_semaphore, #tpu.memory_space<semaphore_mem>> -> memref<1x!tpu.dma_semaphore, #tpu.memory_space<semaphore_mem>>
    %dma_start3A_953 = tpu.memref_squeeze %dma_start3A_952 : memref<1x!tpu.dma_semaphore, #tpu.memory_space<semaphore_mem>> -> memref<!tpu.dma_semaphore, #tpu.memory_space<semaphore_mem>>
    tpu.enqueue_indirect_dma source(%dma_start3A_951 : memref<2600000x32xbf16, #tpu.memory_space<hbm>>) target(%dma_start3A_945 : memref<832x32xbf16, #tpu.memory_space<vmem>>) offsets(%dma_start3A_948 : memref<832xi32, #tpu.memory_space<vmem>>) semaphore(%dma_start3A_953 : memref<!tpu.dma_semaphore, #tpu.memory_space<semaphore_mem>>)
    %dma_wait3A_954 = arith.constant 0 : i32
    %dma_wait3A_955 = arith.constant 2 : i32
    %dma_wait3A_956 = arith.constant 2 : i32
    %dma_wait3A_957 = arith.constant 0 : i32
    %dma_wait3A_958 = arith.constant 0 : i32
    %dma_wait3A_959 = tpu.memref_slice %arg7[%dma_wait3A_955, %dma_wait3A_957, %dma_wait3A_958] : memref<3x832x32xbf16, #tpu.memory_space<vmem>> -> memref<1x832x32xbf16, #tpu.memory_space<vmem>>
    %dma_wait3A_960 = tpu.memref_squeeze %dma_wait3A_959 : memref<1x832x32xbf16, #tpu.memory_space<vmem>> -> memref<832x32xbf16, #tpu.memory_space<vmem>>
    %dma_wait3A_961 = arith.constant 11648 : i32
    %dma_wait3A_962 = tpu.memref_slice %arg6[%dma_wait3A_954, %dma_wait3A_961] : memref<1x13312xi32, #tpu.memory_space<vmem>> -> memref<1x832xi32, #tpu.memory_space<vmem>>
    %dma_wait3A_963 = tpu.memref_squeeze %dma_wait3A_962 : memref<1x832xi32, #tpu.memory_space<vmem>> -> memref<832xi32, #tpu.memory_space<vmem>>
    %dma_wait3A_964 = arith.constant 0 : i32
    %dma_wait3A_965 = arith.constant 0 : i32
    %dma_wait3A_966 = tpu.memref_slice %arg3[%dma_wait3A_964, %dma_wait3A_965] : memref<2600000x32xbf16, #tpu.memory_space<hbm>> -> memref<2600000x32xbf16, #tpu.memory_space<hbm>>
    %dma_wait3A_967 = tpu.memref_slice %arg8[%dma_wait3A_956] : memref<3x!tpu.dma_semaphore, #tpu.memory_space<semaphore_mem>> -> memref<1x!tpu.dma_semaphore, #tpu.memory_space<semaphore_mem>>
    %dma_wait3A_968 = tpu.memref_squeeze %dma_wait3A_967 : memref<1x!tpu.dma_semaphore, #tpu.memory_space<semaphore_mem>> -> memref<!tpu.dma_semaphore, #tpu.memory_space<semaphore_mem>>
    tpu.wait_indirect_dma semaphore(%dma_wait3A_968 : memref<!tpu.dma_semaphore, #tpu.memory_space<semaphore_mem>>) src(%dma_wait3A_966 : memref<2600000x32xbf16, #tpu.memory_space<hbm>>) dst(%dma_wait3A_960 : memref<832x32xbf16, #tpu.memory_space<vmem>>)
    %add3A_969 = arith.constant 11648 : i32
    %add3A_970 = arith.addi %mul3A_19, %add3A_969 : i32
    %dma_start3A_971 = arith.constant 2 : i32
    %dma_start3A_972 = arith.constant 2 : i32
    %dma_start3A_973 = arith.constant 0 : i32
    %dma_start3A_974 = arith.constant 0 : i32
    %dma_start3A_975 = tpu.memref_slice %arg7[%dma_start3A_971, %dma_start3A_973, %dma_start3A_974] : memref<3x832x32xbf16, #tpu.memory_space<vmem>> -> memref<1x832x32xbf16, #tpu.memory_space<vmem>>
    %dma_start3A_976 = tpu.memref_squeeze %dma_start3A_975 : memref<1x832x32xbf16, #tpu.memory_space<vmem>> -> memref<832x32xbf16, #tpu.memory_space<vmem>>
    %dma_start3A_977 = arith.constant 0 : i32
    %dma_start3A_978 = tpu.memref_slice %arg4[%add3A_970, %dma_start3A_977] : memref<425984x32xbf16, #tpu.memory_space<hbm>> -> memref<832x32xbf16, #tpu.memory_space<hbm>>
    %dma_start3A_979 = tpu.memref_slice %arg9[%dma_start3A_972] : memref<3x!tpu.dma_semaphore, #tpu.memory_space<semaphore_mem>> -> memref<1x!tpu.dma_semaphore, #tpu.memory_space<semaphore_mem>>
    %dma_start3A_980 = tpu.memref_squeeze %dma_start3A_979 : memref<1x!tpu.dma_semaphore, #tpu.memory_space<semaphore_mem>> -> memref<!tpu.dma_semaphore, #tpu.memory_space<semaphore_mem>>
    %dma_start3A_981 = arith.constant 0 : i32
    %dma_start3A_982 = tpu.memref_slice %arg4[%add3A_970, %dma_start3A_981] : memref<425984x32xbf16, #tpu.memory_space<hbm>> -> memref<832x32xbf16, #tpu.memory_space<hbm>>
    %dma_start3A_983 = arith.constant 0 : i32
    %dma_start3A_984 = arith.constant 0 : i32
    %dma_start3A_985 = tpu.memref_slice %arg7[%dma_start3A_971, %dma_start3A_983, %dma_start3A_984] : memref<3x832x32xbf16, #tpu.memory_space<vmem>> -> memref<1x832x32xbf16, #tpu.memory_space<vmem>>
    %dma_start3A_986 = tpu.memref_squeeze %dma_start3A_985 : memref<1x832x32xbf16, #tpu.memory_space<vmem>> -> memref<832x32xbf16, #tpu.memory_space<vmem>>
    tpu.enqueue_dma source(%dma_start3A_986 : memref<832x32xbf16, #tpu.memory_space<vmem>>) target(%dma_start3A_982 : memref<832x32xbf16, #tpu.memory_space<hbm>>) target_semaphore(%dma_start3A_980 : memref<!tpu.dma_semaphore, #tpu.memory_space<semaphore_mem>>)
    %dma_wait3A_987 = arith.constant 0 : i32
    %dma_wait3A_988 = arith.constant 0 : i32
    %dma_wait3A_989 = arith.constant 0 : i32
    %dma_wait3A_990 = arith.constant 0 : i32
    %dma_wait3A_991 = arith.constant 0 : i32
    %dma_wait3A_992 = tpu.memref_slice %arg7[%dma_wait3A_988, %dma_wait3A_990, %dma_wait3A_991] : memref<3x832x32xbf16, #tpu.memory_space<vmem>> -> memref<1x832x32xbf16, #tpu.memory_space<vmem>>
    %dma_wait3A_993 = tpu.memref_squeeze %dma_wait3A_992 : memref<1x832x32xbf16, #tpu.memory_space<vmem>> -> memref<832x32xbf16, #tpu.memory_space<vmem>>
    %dma_wait3A_994 = arith.constant 12480 : i32
    %dma_wait3A_995 = tpu.memref_slice %arg6[%dma_wait3A_987, %dma_wait3A_994] : memref<1x13312xi32, #tpu.memory_space<vmem>> -> memref<1x832xi32, #tpu.memory_space<vmem>>
    %dma_wait3A_996 = tpu.memref_squeeze %dma_wait3A_995 : memref<1x832xi32, #tpu.memory_space<vmem>> -> memref<832xi32, #tpu.memory_space<vmem>>
    %dma_wait3A_997 = arith.constant 0 : i32
    %dma_wait3A_998 = arith.constant 0 : i32
    %dma_wait3A_999 = tpu.memref_slice %arg3[%dma_wait3A_997, %dma_wait3A_998] : memref<2600000x32xbf16, #tpu.memory_space<hbm>> -> memref<2600000x32xbf16, #tpu.memory_space<hbm>>
    %dma_wait3A_1000 = tpu.memref_slice %arg8[%dma_wait3A_989] : memref<3x!tpu.dma_semaphore, #tpu.memory_space<semaphore_mem>> -> memref<1x!tpu.dma_semaphore, #tpu.memory_space<semaphore_mem>>
    %dma_wait3A_1001 = tpu.memref_squeeze %dma_wait3A_1000 : memref<1x!tpu.dma_semaphore, #tpu.memory_space<semaphore_mem>> -> memref<!tpu.dma_semaphore, #tpu.memory_space<semaphore_mem>>
    tpu.wait_indirect_dma semaphore(%dma_wait3A_1001 : memref<!tpu.dma_semaphore, #tpu.memory_space<semaphore_mem>>) src(%dma_wait3A_999 : memref<2600000x32xbf16, #tpu.memory_space<hbm>>) dst(%dma_wait3A_993 : memref<832x32xbf16, #tpu.memory_space<vmem>>)
    %add3A_1002 = arith.constant 12480 : i32
    %add3A_1003 = arith.addi %mul3A_19, %add3A_1002 : i32
    %dma_start3A_1004 = arith.constant 0 : i32
    %dma_start3A_1005 = arith.constant 0 : i32
    %dma_start3A_1006 = arith.constant 0 : i32
    %dma_start3A_1007 = arith.constant 0 : i32
    %dma_start3A_1008 = tpu.memref_slice %arg7[%dma_start3A_1004, %dma_start3A_1006, %dma_start3A_1007] : memref<3x832x32xbf16, #tpu.memory_space<vmem>> -> memref<1x832x32xbf16, #tpu.memory_space<vmem>>
    %dma_start3A_1009 = tpu.memref_squeeze %dma_start3A_1008 : memref<1x832x32xbf16, #tpu.memory_space<vmem>> -> memref<832x32xbf16, #tpu.memory_space<vmem>>
    %dma_start3A_1010 = arith.constant 0 : i32
    %dma_start3A_1011 = tpu.memref_slice %arg4[%add3A_1003, %dma_start3A_1010] : memref<425984x32xbf16, #tpu.memory_space<hbm>> -> memref<832x32xbf16, #tpu.memory_space<hbm>>
    %dma_start3A_1012 = tpu.memref_slice %arg9[%dma_start3A_1005] : memref<3x!tpu.dma_semaphore, #tpu.memory_space<semaphore_mem>> -> memref<1x!tpu.dma_semaphore, #tpu.memory_space<semaphore_mem>>
    %dma_start3A_1013 = tpu.memref_squeeze %dma_start3A_1012 : memref<1x!tpu.dma_semaphore, #tpu.memory_space<semaphore_mem>> -> memref<!tpu.dma_semaphore, #tpu.memory_space<semaphore_mem>>
    %dma_start3A_1014 = arith.constant 0 : i32
    %dma_start3A_1015 = tpu.memref_slice %arg4[%add3A_1003, %dma_start3A_1014] : memref<425984x32xbf16, #tpu.memory_space<hbm>> -> memref<832x32xbf16, #tpu.memory_space<hbm>>
    %dma_start3A_1016 = arith.constant 0 : i32
    %dma_start3A_1017 = arith.constant 0 : i32
    %dma_start3A_1018 = tpu.memref_slice %arg7[%dma_start3A_1004, %dma_start3A_1016, %dma_start3A_1017] : memref<3x832x32xbf16, #tpu.memory_space<vmem>> -> memref<1x832x32xbf16, #tpu.memory_space<vmem>>
    %dma_start3A_1019 = tpu.memref_squeeze %dma_start3A_1018 : memref<1x832x32xbf16, #tpu.memory_space<vmem>> -> memref<832x32xbf16, #tpu.memory_space<vmem>>
    tpu.enqueue_dma source(%dma_start3A_1019 : memref<832x32xbf16, #tpu.memory_space<vmem>>) target(%dma_start3A_1015 : memref<832x32xbf16, #tpu.memory_space<hbm>>) target_semaphore(%dma_start3A_1013 : memref<!tpu.dma_semaphore, #tpu.memory_space<semaphore_mem>>)
    %add3A_1020 = arith.constant 10816 : i32
    %add3A_1021 = arith.addi %mul3A_19, %add3A_1020 : i32
    %dma_wait3A_1022 = arith.constant 1 : i32
    %dma_wait3A_1023 = arith.constant 1 : i32
    %dma_wait3A_1024 = arith.constant 0 : i32
    %dma_wait3A_1025 = arith.constant 0 : i32
    %dma_wait3A_1026 = tpu.memref_slice %arg7[%dma_wait3A_1022, %dma_wait3A_1024, %dma_wait3A_1025] : memref<3x832x32xbf16, #tpu.memory_space<vmem>> -> memref<1x832x32xbf16, #tpu.memory_space<vmem>>
    %dma_wait3A_1027 = tpu.memref_squeeze %dma_wait3A_1026 : memref<1x832x32xbf16, #tpu.memory_space<vmem>> -> memref<832x32xbf16, #tpu.memory_space<vmem>>
    %dma_wait3A_1028 = arith.constant 0 : i32
    %dma_wait3A_1029 = tpu.memref_slice %arg4[%add3A_1021, %dma_wait3A_1028] : memref<425984x32xbf16, #tpu.memory_space<hbm>> -> memref<832x32xbf16, #tpu.memory_space<hbm>>
    %dma_wait3A_1030 = tpu.memref_slice %arg9[%dma_wait3A_1023] : memref<3x!tpu.dma_semaphore, #tpu.memory_space<semaphore_mem>> -> memref<1x!tpu.dma_semaphore, #tpu.memory_space<semaphore_mem>>
    %dma_wait3A_1031 = tpu.memref_squeeze %dma_wait3A_1030 : memref<1x!tpu.dma_semaphore, #tpu.memory_space<semaphore_mem>> -> memref<!tpu.dma_semaphore, #tpu.memory_space<semaphore_mem>>
    %dma_wait3A_1032 = arith.constant 0 : i32
    %dma_wait3A_1033 = tpu.memref_slice %arg4[%add3A_1021, %dma_wait3A_1032] : memref<425984x32xbf16, #tpu.memory_space<hbm>> -> memref<832x32xbf16, #tpu.memory_space<hbm>>
    %dma_wait3A_1034 = arith.constant 0 : i32
    %dma_wait3A_1035 = arith.constant 0 : i32
    %dma_wait3A_1036 = tpu.memref_slice %arg7[%dma_wait3A_1022, %dma_wait3A_1034, %dma_wait3A_1035] : memref<3x832x32xbf16, #tpu.memory_space<vmem>> -> memref<1x832x32xbf16, #tpu.memory_space<vmem>>
    %dma_wait3A_1037 = tpu.memref_squeeze %dma_wait3A_1036 : memref<1x832x32xbf16, #tpu.memory_space<vmem>> -> memref<832x32xbf16, #tpu.memory_space<vmem>>
    tpu.wait_dma2 semaphore(%dma_wait3A_1031 : memref<!tpu.dma_semaphore, #tpu.memory_space<semaphore_mem>>) src(%dma_wait3A_1037 : memref<832x32xbf16, #tpu.memory_space<vmem>>) dst(%dma_wait3A_1033 : memref<832x32xbf16, #tpu.memory_space<hbm>>)
    %add3A_1038 = arith.constant 11648 : i32
    %add3A_1039 = arith.addi %mul3A_19, %add3A_1038 : i32
    %dma_wait3A_1040 = arith.constant 2 : i32
    %dma_wait3A_1041 = arith.constant 2 : i32
    %dma_wait3A_1042 = arith.constant 0 : i32
    %dma_wait3A_1043 = arith.constant 0 : i32
    %dma_wait3A_1044 = tpu.memref_slice %arg7[%dma_wait3A_1040, %dma_wait3A_1042, %dma_wait3A_1043] : memref<3x832x32xbf16, #tpu.memory_space<vmem>> -> memref<1x832x32xbf16, #tpu.memory_space<vmem>>
    %dma_wait3A_1045 = tpu.memref_squeeze %dma_wait3A_1044 : memref<1x832x32xbf16, #tpu.memory_space<vmem>> -> memref<832x32xbf16, #tpu.memory_space<vmem>>
    %dma_wait3A_1046 = arith.constant 0 : i32
    %dma_wait3A_1047 = tpu.memref_slice %arg4[%add3A_1039, %dma_wait3A_1046] : memref<425984x32xbf16, #tpu.memory_space<hbm>> -> memref<832x32xbf16, #tpu.memory_space<hbm>>
    %dma_wait3A_1048 = tpu.memref_slice %arg9[%dma_wait3A_1041] : memref<3x!tpu.dma_semaphore, #tpu.memory_space<semaphore_mem>> -> memref<1x!tpu.dma_semaphore, #tpu.memory_space<semaphore_mem>>
    %dma_wait3A_1049 = tpu.memref_squeeze %dma_wait3A_1048 : memref<1x!tpu.dma_semaphore, #tpu.memory_space<semaphore_mem>> -> memref<!tpu.dma_semaphore, #tpu.memory_space<semaphore_mem>>
    %dma_wait3A_1050 = arith.constant 0 : i32
    %dma_wait3A_1051 = tpu.memref_slice %arg4[%add3A_1039, %dma_wait3A_1050] : memref<425984x32xbf16, #tpu.memory_space<hbm>> -> memref<832x32xbf16, #tpu.memory_space<hbm>>
    %dma_wait3A_1052 = arith.constant 0 : i32
    %dma_wait3A_1053 = arith.constant 0 : i32
    %dma_wait3A_1054 = tpu.memref_slice %arg7[%dma_wait3A_1040, %dma_wait3A_1052, %dma_wait3A_1053] : memref<3x832x32xbf16, #tpu.memory_space<vmem>> -> memref<1x832x32xbf16, #tpu.memory_space<vmem>>
    %dma_wait3A_1055 = tpu.memref_squeeze %dma_wait3A_1054 : memref<1x832x32xbf16, #tpu.memory_space<vmem>> -> memref<832x32xbf16, #tpu.memory_space<vmem>>
    tpu.wait_dma2 semaphore(%dma_wait3A_1049 : memref<!tpu.dma_semaphore, #tpu.memory_space<semaphore_mem>>) src(%dma_wait3A_1055 : memref<832x32xbf16, #tpu.memory_space<vmem>>) dst(%dma_wait3A_1051 : memref<832x32xbf16, #tpu.memory_space<hbm>>)
    %add3A_1056 = arith.constant 12480 : i32
    %add3A_1057 = arith.addi %mul3A_19, %add3A_1056 : i32
    %dma_wait3A_1058 = arith.constant 0 : i32
    %dma_wait3A_1059 = arith.constant 0 : i32
    %dma_wait3A_1060 = arith.constant 0 : i32
    %dma_wait3A_1061 = arith.constant 0 : i32
    %dma_wait3A_1062 = tpu.memref_slice %arg7[%dma_wait3A_1058, %dma_wait3A_1060, %dma_wait3A_1061] : memref<3x832x32xbf16, #tpu.memory_space<vmem>> -> memref<1x832x32xbf16, #tpu.memory_space<vmem>>
    %dma_wait3A_1063 = tpu.memref_squeeze %dma_wait3A_1062 : memref<1x832x32xbf16, #tpu.memory_space<vmem>> -> memref<832x32xbf16, #tpu.memory_space<vmem>>
    %dma_wait3A_1064 = arith.constant 0 : i32
    %dma_wait3A_1065 = tpu.memref_slice %arg4[%add3A_1057, %dma_wait3A_1064] : memref<425984x32xbf16, #tpu.memory_space<hbm>> -> memref<832x32xbf16, #tpu.memory_space<hbm>>
    %dma_wait3A_1066 = tpu.memref_slice %arg9[%dma_wait3A_1059] : memref<3x!tpu.dma_semaphore, #tpu.memory_space<semaphore_mem>> -> memref<1x!tpu.dma_semaphore, #tpu.memory_space<semaphore_mem>>
    %dma_wait3A_1067 = tpu.memref_squeeze %dma_wait3A_1066 : memref<1x!tpu.dma_semaphore, #tpu.memory_space<semaphore_mem>> -> memref<!tpu.dma_semaphore, #tpu.memory_space<semaphore_mem>>
    %dma_wait3A_1068 = arith.constant 0 : i32
    %dma_wait3A_1069 = tpu.memref_slice %arg4[%add3A_1057, %dma_wait3A_1068] : memref<425984x32xbf16, #tpu.memory_space<hbm>> -> memref<832x32xbf16, #tpu.memory_space<hbm>>
    %dma_wait3A_1070 = arith.constant 0 : i32
    %dma_wait3A_1071 = arith.constant 0 : i32
    %dma_wait3A_1072 = tpu.memref_slice %arg7[%dma_wait3A_1058, %dma_wait3A_1070, %dma_wait3A_1071] : memref<3x832x32xbf16, #tpu.memory_space<vmem>> -> memref<1x832x32xbf16, #tpu.memory_space<vmem>>
    %dma_wait3A_1073 = tpu.memref_squeeze %dma_wait3A_1072 : memref<1x832x32xbf16, #tpu.memory_space<vmem>> -> memref<832x32xbf16, #tpu.memory_space<vmem>>
    tpu.wait_dma2 semaphore(%dma_wait3A_1067 : memref<!tpu.dma_semaphore, #tpu.memory_space<semaphore_mem>>) src(%dma_wait3A_1073 : memref<832x32xbf16, #tpu.memory_space<vmem>>) dst(%dma_wait3A_1069 : memref<832x32xbf16, #tpu.memory_space<hbm>>)
    return
  }
}

</mosaic_0001>

<sc_bundles>
// kernel: kernel.3.cloned.1.call-start
scs
__scs_entry_jumppad:
0x0: {  	(pc) =	sbr.rel $0x88, $3  }
0x1: {  	(tag) =	ssettag $0x0;
	lr =	simm.s32 $0x1  }
0x2: {  	[smem:$0x3F9F] =	sst lr;
	_ =	strace $0xD0000000  }
0x3: {  	_ = 	snop  }
0x4: {  	_ = 	snop  }
0x5: {  	_ = 	snop  }
0x6: {  	_ = 	snop  }
0x7: {  	_ = 	snop  }
__scs_overlays_trampoline_lowered:
0x8: {  	[smem:$0x3FAE] =	sst s0  }
0x9: {  	[smem:$0x3FAF] =	sst s1  }
0xa: {  	[smem:$0x3FB0] =	sst s2  }
0xb: {  	[smem:$0x3FB1] =	sst s3  }
0xc: {  	[smem:$0x3FB2] =	sst s4  }
0xd: {  	[smem:$0x3FB3] =	sst s5  }
0xe: {  	[smem:$0x3FB4] =	sst s6  }
0xf: {  	[smem:$0x3FB5] =	sst s7  }
0x10: {  	[smem:$0x3FB6] =	sst s8  }
0x11: {  	[smem:$0x3FB7] =	sst s9;
	s0 =	simm.s32 @!p0 $0x0  }
0x12: {  	s1 =	sld [smem:$0x3F9D];
	s0 =	simm.s32 @p0 $0x1  }
0x13: {  	[smem:$0x3FB8] =	sst s0;
	s0 =	simm.s32 @!p1 $0x0  }
0x14: {  	s2 =	sld [smem:$0x3F9C];
	s0 =	simm.s32 @p1 $0x1  }
0x15: {  	[smem:$0x3FB9] =	sst s0;
	s0 =	simm.s32 @!p2 $0x0  }
0x16: {  	s3 =	sld [smem:$0x3FDB];
	s0 =	simm.s32 @p2 $0x1  }
0x17: {  	s4 =	simm.s32 $0x1BF5;
	[smem:$0x3FBB] =	sst s0  }
0x18: {  	s0 =	sld [smem:$0x3F9E];
	_ =	swait.ge [sflag:s4], $0x0  }
0x19: {  	s7 =	sld [smem:$0x3F9F]  }
0x1a: {  	s8 =	sadd.s32 $0xFFFFE003, lr  }
0x1b: {  	s9 =	sadd.s32 $0xFFFFFEF7, lr;
	s5 =	simm.s32 $0xFFFFFFFF;
	p2 =	slt.u32 s8, $0xFFFFF086  }
0x1c: {  	p1 =	slt.u32 s9, $0xF7A;
	s5 =	simm.s32 @!p2 $0x0  }
0x1d: {  	s5 =	simm.s32 @p1 $0x1;
	p0 =	seq.s32 s7, s2  }
0x1e: {  	s7 =	smul.u32 @!p0 $0xF7A, s2;
	p2 =	seq.s32 @!p0 s5, $0x0  }
0x1f: {  	s9 =	smul.u32 $0xF7A, s1;
	s8 =	simm.s32 @!p0 $0x1BF5;
	p2 =	por !p2, p0  }
0x20: {  	[sflag:s8] =	ssyncset.s32 @!p0 $0xFFFFF086;
	s6 =	sadd.s32 @!p0 s3, s7;
	s7 =	simm.s32 @!p0 $0x108  }
0x21: {  	s3 =	sadd.s32 s3, s9;
	s6 =	sadd.s32 @!p0 $0x88, s6;
	s7 =	simm.s32 @p2 $0x1082  }
0x22: {  	[simem:s7], [sflag:s8] =	dma.local @!p0 [hbm:s6], $0xF7A  }
0x23: {  	s9 =	sor.u32 $0xD0000000, s2;
	s6 =	simm.s32 $0x108;
	_ =	swait.ge @!p0 [sflag:s8], $0x0  }
0x24: {  	s3 =	sadd.s32 $0x88, s3;
	s6 =	simm.s32 @!p1 $0x1082;
	[sflag:s4] =	ssyncset.s32 $0xFFFFF086  }
0x25: {  	[simem:s6], [sflag:s4] =	dma.local [hbm:s3], $0xF7A  }
0x26: {  	[smem:$0x3F9F] =	sst s1;
	(tag) =	ssettag s2;
	_ =	strace s9  }
0x27: {  	s1 =	sld [smem:$0x3FAF]  }
0x28: {  	s2 =	sld [smem:$0x3FB0]  }
0x29: {  	s4 =	sld [smem:$0x3FB2]  }
0x2a: {  	p0 =	seq.s32 s5, $0x0;
	s5 =	sld [smem:$0x3FB3]  }
0x2b: {  	s6 =	sld [smem:$0x3FB4]  }
0x2c: {  	s7 =	sld [smem:$0x3FB5]  }
0x2d: {  	s3 =	simm.s32 $0x108;
	s8 =	sld [smem:$0x3FB6]  }
0x2e: {  	s3 =	simm.s32 @!p0 $0x1082;
	s9 =	sld [smem:$0x3FB7]  }
0x2f: {  	lr =	sadd.s32 s0, s3;
	s0 =	sld [smem:$0x3FAE]  }
0x30: {  	s3 =	sld [smem:$0x3FB1]  }
0x31: {  	[smem:$0x3FBA] =	sst s10  }
0x32: {  	s10 =	sld [smem:$0x3FB8];
	_ =	sdelay $0x3  }
0x33: {  	p0 =	seq.s32 s10, $0x1;
	s10 =	sld [smem:$0x3FBA];
	_ =	sdelay $0x3  }
0x34: {  	[smem:$0x3FBA] =	sst s10  }
0x35: {  	s10 =	sld [smem:$0x3FB9];
	_ =	sdelay $0x3  }
0x36: {  	p1 =	seq.s32 s10, $0x1;
	s10 =	sld [smem:$0x3FBA];
	_ =	sdelay $0x3  }
0x37: {  	[smem:$0x3FBA] =	sst s10  }
0x38: {  	s10 =	sld [smem:$0x3FBB]  }
0x39: {  	_ = 	snop;
	(pc) =	sbr.ind lr, $3  }
0x3a: {  	_ = 	snop  }
0x3b: {  	_ = 	snop  }
0x3c: {  	p2 =	seq.s32 s10, $0x1;
	s10 =	sld [smem:$0x3FBA]  }
0x3d: {  	_ =	shalt  }
0x3e: {  	_ =	shalt  }
0x3f: {  	_ =	shalt  }
0x40: {  	_ =	shalt  }
0x41: {  	_ =	shalt  }
0x42: {  	_ =	shalt  }
0x43: {  	_ =	shalt  }
0x44: {  	_ =	shalt  }
0x45: {  	_ =	shalt  }
0x46: {  	_ =	shalt  }
0x47: {  	_ =	shalt  }
0x48: {  	_ =	shalt  }
0x49: {  	_ =	shalt  }
0x4a: {  	_ =	shalt  }
0x4b: {  	_ =	shalt  }
0x4c: {  	_ =	shalt  }
0x4d: {  	_ =	shalt  }
0x4e: {  	_ =	shalt  }
0x4f: {  	_ =	shalt  }
0x50: {  	_ =	shalt  }
0x51: {  	_ =	shalt  }
0x52: {  	_ =	shalt  }
0x53: {  	_ =	shalt  }
0x54: {  	_ =	shalt  }
0x55: {  	_ =	shalt  }
0x56: {  	_ =	shalt  }
0x57: {  	_ =	shalt  }
0x58: {  	_ =	shalt  }
0x59: {  	_ =	shalt  }
0x5a: {  	_ =	shalt  }
0x5b: {  	_ =	shalt  }
0x5c: {  	_ =	shalt  }
0x5d: {  	_ =	shalt  }
0x5e: {  	_ =	shalt  }
0x5f: {  	_ =	shalt  }
0x60: {  	_ =	shalt  }
0x61: {  	_ =	shalt  }
0x62: {  	_ =	shalt  }
0x63: {  	_ =	shalt  }
0x64: {  	_ =	shalt  }
0x65: {  	_ =	shalt  }
0x66: {  	_ =	shalt  }
0x67: {  	_ =	shalt  }
0x68: {  	_ =	shalt  }
0x69: {  	_ =	shalt  }
0x6a: {  	_ =	shalt  }
0x6b: {  	_ =	shalt  }
0x6c: {  	_ =	shalt  }
0x6d: {  	_ =	shalt  }
0x6e: {  	_ =	shalt  }
0x6f: {  	_ =	shalt  }
0x70: {  	_ =	shalt  }
0x71: {  	_ =	shalt  }
0x72: {  	_ =	shalt  }
0x73: {  	_ =	shalt  }
0x74: {  	_ =	shalt  }
0x75: {  	_ =	shalt  }
0x76: {  	_ =	shalt  }
0x77: {  	_ =	shalt  }
0x78: {  	_ =	shalt  }
0x79: {  	_ =	shalt  }
0x7a: {  	_ =	shalt  }
0x7b: {  	_ =	shalt  }
0x7c: {  	_ =	shalt  }
0x7d: {  	_ =	shalt  }
0x7e: {  	_ =	shalt  }
0x7f: {  	_ =	shalt  }
0x80: {  	_ =	shalt  }
0x81: {  	_ =	shalt  }
0x82: {  	_ =	shalt  }
0x83: {  	_ =	shalt  }
0x84: {  	_ =	shalt  }
0x85: {  	_ =	shalt  }
0x86: {  	_ =	shalt  }
0x87: {  	_ =	shalt  }
.Lfunc_end0:
.L_simem_size_0:
called_computation.3_lowered:
.L_overlay_start_0:
0x88: {  	s2 =	sld [smem:$0x3FD9]  }
0x89: {  	s3 =	sld [smem:$0x3FFE];
	_ =	sdelay $0x1  }
0x8a: {  	s1 =	srdreg.scid  }
0x8b: {  	s0 =	sand.u32 $0x1, s1  }
0x8c: {  	s17 =	sshll.u32 s0, $0xA;
	s2 =	sadd.s32 s3, s2  }
0x8d: {  	s2 =	sadd.s32 s2, s17  }
0x8e: {  	[smem:$0x3FC6] =	sst s2  }
0x8f: {  	_ = 	snop  }
0x90: {  	s2 =	sld [smem:$0x3FD0];
	(tm) =	ssettm $0x1  }
0x91: {  	s18 =	sld [smem:$0x3FFB];
	_ =	sdelay $0x3  }
0x92: {  	_ =	strace s18  }
0x93: {  	s3 =	sld [smem:$0x3FFC];
	_ =	sdelay $0x3  }
0x94: {  	_ =	strace s3  }
0x95: {  	s3 =	sld [smem:$0x3FFD];
	_ =	sdelay $0x3  }
0x96: {  	_ =	strace s3  }
0x97: {  	_ =	strace $0x8FFFFFFF  }
0x98: {  	s19 =	sld [smem:$0x3FDB];
	_ =	sdelay $0x1  }
0x99: {  	s4 =	simm.s32 $_scs_section_size  }
0x9a: {  	s5 =	simm.s32 $_size__tile_overlayer_lowered;
	s6 =	simm.s32 $_tile_overlayer_lowered  }
0x9b: {  	s22 =	simm.s32 $0x1BFF;
	s21 =	sshll.u32 s6, $0x1;
	s3 =	sadd.s32 s4, s19  }
0x9c: {  	s7 =	simm.s32 $0x0;
	s20 =	sshll.u32 s5, $0x1;
	s5 =	sadd.s32 s21, s3  }
0x9d: {  	[timem:s7], [sflag:s22] =	dma.local [hbm:s5], s20  }
0x9e: {  	_ =	swait.ge [sflag:s22], s20  }
0x9f: {  	s4 =	ssub.s32 $0x0, s20;
	[sflag:s22] =	ssyncset.done $0x0  }
0xa0: {  	[sflag:s22] =	ssyncadd.s32 s4;
	_ =	sdelay $0x1  }
0xa1: {  	s23 =	simm.s32 $0x1B8B  }
0xa2: {  	_ =	swait.ge [sflag:s23], $0x1  }
0xa3: {  	[sflag:s23] =	ssyncset.done $0x0  }
0xa4: {  	s25 =	simm.s32 $0x1B8E;
	s24 =	sld [smem:$0x3FFE];
	[sflag:s23] =	ssyncadd.s32 $0xFFFFFFFF  }
0xa5: {  	s26 =	simm.s32 $execute0_lowered;
	[smem:$0x3FD2] =	sst s25  }
0xa6: {  	s5 =	sshll.u32 s26, $0x1;
	_ =	strace $0x8000004C;
	[dreg:$0x1] =	wrdreg $0xFFFFFFFF  }
0xa7: {  	s28 =	simm.s32 $_size_execute0_lowered;
	s3 =	sadd.s32 s3, s5;
	[dreg:$0x0] =	wrdreg $0x0  }
0xa8: {  	s5 =	sshll.u32 s28, $0x1;
	[dreg:$0x2] =	wrdreg s3  }
0xa9: {  	[dreg:$0x3] =	wrdreg s5  }
0xaa: {  	[dreg:$0x4] =	wrdreg $0xC0  }
0xab: {  	_ =	task [dreg:s7], $0x5FFFF  }
0xac: {  	[dreg:$0x1] =	wrdreg $0xFFFFFFFF  }
0xad: {  	[dreg:$0x0] =	wrdreg $0x60  }
0xae: {  	[dreg:$0x2] =	wrdreg s2  }
0xaf: {  	[dreg:$0x3] =	wrdreg s24  }
0xb0: {  	[dreg:$0x4] =	wrdreg $0x9  }
0xb1: {  	_ =	task.clear_ibuf [dreg:s7], $0x5FFFF;
	_ =	strace $0x9000004C  }
0xb2: {  	s29 =	simm.s32 $0x9;
	_ =	strace $0x8000004E  }
0xb3: {  	_ =	swait.ge [sflag:s29], $0x1  }
0xb4: {  	[sflag:s29] =	ssyncadd.s32 $0xFFFFFFFF  }
0xb5: {  	_ =	strace $0x9000004E  }
0xb6: {  	_ =	sfence  }
0xb7: {  	s30 =	sld [smem:$0x0];
	_ =	sdelay $0x2  }
0xb8: {  	s31 =	sshll.u32 s1, $0xD;
	s1 =	sshrl.u32 s1, $0x2  }
0xb9: {  	s3 =	sand.u32 $0x4000, s31;
	s1 =	sadd.s32 s1, s30  }
0xba: {  	s0 =	sor.u32 s3, s0;
	s1 =	sshll.u32 s1, $0x11  }
0xbb: {  	s0 =	sor.u32 s1, s0  }
0xbc: {  	s0 =	sadd.s32 $0x8F2B, s0  }
0xbd: {  	[sflag:s0] =	ssyncadd.remote.s32 $0x1  }
0xbe: {  	_ =	sfence.sel $0xFFFF  }
0xbf: {  	[dreg:$0x0] =	wrdreg $0xFFFFFFFF;
	(pc) =	sbr.abs _section_cstart, $3  }
0xc0: {  	[dreg:$0x1] =	wrdreg $0xFFFFFFFF  }
0xc1: {  	_ =	task.clear_ibuf [dreg:s7], $0x2FFFF;
	_ =	strace $0x9FFFFFFF  }
0xc2: {  	(tm) =	ssettm $0x7FFFFFFF  }
0xc3: {  	_ =	shalt  }
tec
execute0_lowered:
.L_overlay_start_1:
0x0: {  	(tag) =	ssettag $0x1  }
0x1: {  	s0 =	rddreg [dreg:$0x0]  }
0x2: {  	s1 =	rddreg [dreg:$0x1];
	s3 =	srdreg.scid  }
0x3: {  	s4 =	stileid.u32;
	s2 =	simm.s32 $0x0;
	s22 =	simm.s32 $0x7  }
0x4: {  	s28 =	simm.s32 $0xA800;
	s29 =	simm.s32 $0x1;
	s31 =	simm.s32 $0xDC00  }
0x5: {  	s3 =	sand.u32 $0x1, s3;
	s4 =	sshll.u32 s4, $0x1;
	[smem:$0x7FF] =	sst s2  }
0x6: {  	s30 =	simm.s32 $0x5;
	s4 =	sor.u32 s3, s4;
	_ =	strace $0x8000004D  }
0x7: {  	s5 =	ssub.s32 $0x2, s3;
	s3 =	sadd.s32 $0x1200, s1;
	s6 =	smul.u32 $0x68000, s4  }
0x8: {  	s7 =	sshrl.u32 s5, $0x1;
	s8 =	smul.u32 $0x6800, s4;
	s23 =	sshll.u32 s4, $0xB  }
0x9: {  	s1 =	sadd.s32 $0x4F6C00, s1;
	s5 =	ssub.s32 s5, s7;
	s0 =	sadd.s32 s0, s23  }
0xa: {  	s23 =	simm.s32 $0x340;
	s6 =	sshrl.u32 s6, $0x4;
	s4 =	sadd.s32 s1, s8  }
0xb: {  	[dreg:$0x3] =	wrdreg s0;
	s21 =	smax.u32 s5, $0x1;
	s0 =	simm.s32 $0x2  }
0xc: {  	s5 =	simm.s32 $0x0;
	s1 =	sadd.s32 s1, s6;
	s24 =	sadd.s32 $0x680, s4  }
0xd: {  	[dreg:$0x4] =	wrdreg s24;
	s25 =	sadd.s32 $0xD00, s1;
	s26 =	sadd.s32 $0x1380, s1  }
0xe: {  	s9 =	sadd.s32 $0x1A00, s1;
	s10 =	sadd.s32 $0x2080, s1;
	s11 =	sadd.s32 $0x2700, s1  }
0xf: {  	s12 =	sadd.s32 $0x2D80, s1;
	s13 =	sadd.s32 $0x3400, s1;
	s14 =	sadd.s32 $0x3A80, s1  }
0x10: {  	v0 =	vlaneseq.u32;
	s15 =	sadd.s32 $0x4100, s1;
	s16 =	sadd.s32 $0x4780, s1;
	s17 =	sadd.s32 $0x4E00, s1  }
0x11: {  	v0 =	vmul.u32 $0x186A0, v0;
	s18 =	sadd.s32 $0x5480, s1;
	s19 =	sadd.s32 $0x5B00, s1;
	s20 =	sadd.s32 $0x6180, s1  }
0x12: {  	s1 =	simm.s32 $0x4;
	s24 =	simm.s32 $0x6;
	[dreg:$0x5] =	wrdreg s25  }
0x13: {  	v1 =	vadd.s32 $0xF4240, v0;
	[dreg:$0x6] =	wrdreg s26;
	s25 =	simm.s32 $0x7400;
	s26 =	simm.s32 $0x3  }
.LBB2_1:
0x14: {  	s6 =	rddreg [dreg:$0x3]  }
0x15: {  	[tilespmem:s2], [sflag:$0x7] =	stream.linear.gather [hbm4b:s6+s2], $0x4000, $0x38;
	[tilespmem:$0x11000] =	vst v63  }
0x16: {  	_ =	swait.ge [sflag:s22], $0x4000  }
0x17: {  	[sflag:s22] =	ssyncset.done $0x0  }
0x18: {  	[sflag:s22] =	ssyncadd.s32 $0xFFFFC000  }
0x19: {  	v2 =	vld [tilespmem:s2+$0x0];
	_ =	sdelay $0x4  }
0x1a: {  	s8 =	simm.s32 $0x0;
	v2 =	vadd.s32 v0, v2  }
0x1b: {  	[tilespmem:s8+$0x4000] =	vst v2  }
0x1c: {  	v2 =	vld [tilespmem:s2+$0xA];
	_ =	sdelay $0x4  }
0x1d: {  	s7 =	simm.s32 $0x0;
	s6 =	simm.s32 $0x68;
	v2 =	vadd.s32 v1, v2  }
.LBB2_2:
0x1e: {  	p0 =	sne.s32 s6, $0xCF98  }
0x1f: {  	[tilespmem:s8+$0x400A] =	vst v2;
	s7 =	sadd.s32 $0x20, s7;
	s8 =	smov.u32 s6;
	s6 =	sadd.s32 $0x68, s6  }
0x20: {  	v2 =	vld [tilespmem:s7+$0x0];
	_ =	sdelay $0x4  }
0x21: {  	s8 =	sshra.s32 s8, $0x2;
	v2 =	vadd.s32 v0, v2  }
0x22: {  	[tilespmem:s8+$0x4000] =	vst v2  }
0x23: {  	v2 =	vld [tilespmem:s7+$0xA]  }
.Ltmp0:
0x24: {  	(pc) =	sbr.rel @p0 .LBB2_2-.Ltmp0, $2  }
0x25: {  	_ =	sdelay $0x2  }
0x26: {  	v2 =	vadd.s32 v1, v2  }
0x27: {  	[tilespmem:s8+$0x400A] =	vst v2;
	s6 =	simm.s32 $0x4000  }
0x28: {  	[tilespmem:s25], [sflag:$0x1] =	stream.indirect.gather [hbm4b:s3+s23], $0x10, s6, s23, $0xb8;
	[tilespmem:$0x11000] =	vst v63  }
0x29: {  	s7 =	simm.s32 $0x4340  }
0x2a: {  	[tilespmem:s28], [sflag:$0x2] =	stream.indirect.gather [hbm4b:s3+s23], $0x10, s7, s23, $0xb8;
	[tilespmem:$0x11000] =	vst v63  }
0x2b: {  	_ =	swait.ge [sflag:s29], $0x3400  }
0x2c: {  	[sflag:s29] =	ssyncset.done $0x0  }
0x2d: {  	[sflag:s29] =	ssyncadd.s32 $0xFFFFCC00  }
0x2e: {  	[hbm4b:s4+s2] =	stream.linear.scatter [tilespmem:s25], [sflag:$0x4], $0x3400, $0x38;
	[tilespmem:$0x11000] =	vst v63  }
0x2f: {  	s8 =	simm.s32 $0x4680  }
0x30: {  	[tilespmem:s31], [sflag:$0x3] =	stream.indirect.gather [hbm4b:s3+s23], $0x10, s8, s23, $0xb8;
	[tilespmem:$0x11000] =	vst v63  }
0x31: {  	_ =	swait.ge [sflag:s0], $0x3400  }
0x32: {  	[sflag:s0] =	ssyncset.done $0x0  }
0x33: {  	s7 =	rddreg [dreg:$0x4];
	[sflag:s0] =	ssyncadd.s32 $0xFFFFCC00  }
0x34: {  	[hbm4b:s7+s2] =	stream.linear.scatter [tilespmem:s28], [sflag:$0x5], $0x3400, $0x38;
	[tilespmem:$0x11000] =	vst v63  }
0x35: {  	_ =	swait.ge [sflag:s1], $0x3400  }
0x36: {  	[sflag:s1] =	ssyncset.done $0x0  }
0x37: {  	s8 =	simm.s32 $0x49C0;
	[sflag:s1] =	ssyncadd.s32 $0xFFFFCC00  }
0x38: {  	[tilespmem:s25], [sflag:$0x1] =	stream.indirect.gather [hbm4b:s3+s23], $0x10, s8, s23, $0xb8;
	[tilespmem:$0x11000] =	vst v63  }
0x39: {  	_ =	swait.ge [sflag:s26], $0x3400  }
0x3a: {  	[sflag:s26] =	ssyncset.done $0x0  }
0x3b: {  	s7 =	rddreg [dreg:$0x5];
	[sflag:s26] =	ssyncadd.s32 $0xFFFFCC00  }
0x3c: {  	[hbm4b:s7+s2] =	stream.linear.scatter [tilespmem:s31], [sflag:$0x6], $0x3400, $0x38;
	[tilespmem:$0x11000] =	vst v63  }
0x3d: {  	_ =	swait.ge [sflag:s30], $0x3400  }
0x3e: {  	[sflag:s30] =	ssyncset.done $0x0  }
0x3f: {  	s8 =	simm.s32 $0x4D00;
	[sflag:s30] =	ssyncadd.s32 $0xFFFFCC00  }
0x40: {  	[tilespmem:s28], [sflag:$0x2] =	stream.indirect.gather [hbm4b:s3+s23], $0x10, s8, s23, $0xb8;
	[tilespmem:$0x11000] =	vst v63  }
0x41: {  	_ =	swait.ge [sflag:s29], $0x3400  }
0x42: {  	[sflag:s29] =	ssyncset.done $0x0  }
0x43: {  	s7 =	rddreg [dreg:$0x6];
	[sflag:s29] =	ssyncadd.s32 $0xFFFFCC00  }
0x44: {  	[hbm4b:s7+s2] =	stream.linear.scatter [tilespmem:s25], [sflag:$0x4], $0x3400, $0x38;
	[tilespmem:$0x11000] =	vst v63  }
0x45: {  	_ =	swait.ge [sflag:s24], $0x3400  }
0x46: {  	[sflag:s24] =	ssyncset.done $0x0  }
0x47: {  	s8 =	simm.s32 $0x5040;
	[sflag:s24] =	ssyncadd.s32 $0xFFFFCC00  }
0x48: {  	[tilespmem:s31], [sflag:$0x3] =	stream.indirect.gather [hbm4b:s3+s23], $0x10, s8, s23, $0xb8;
	[tilespmem:$0x11000] =	vst v63  }
0x49: {  	_ =	swait.ge [sflag:s0], $0x3400  }
0x4a: {  	[sflag:s0] =	ssyncset.done $0x0  }
0x4b: {  	[sflag:s0] =	ssyncadd.s32 $0xFFFFCC00  }
0x4c: {  	[hbm4b:s9+s2] =	stream.linear.scatter [tilespmem:s28], [sflag:$0x5], $0x3400, $0x38;
	[tilespmem:$0x11000] =	vst v63  }
0x4d: {  	_ =	swait.ge [sflag:s1], $0x3400  }
0x4e: {  	[sflag:s1] =	ssyncset.done $0x0  }
0x4f: {  	s7 =	simm.s32 $0x5380;
	[sflag:s1] =	ssyncadd.s32 $0xFFFFCC00  }
0x50: {  	[tilespmem:s25], [sflag:$0x1] =	stream.indirect.gather [hbm4b:s3+s23], $0x10, s7, s23, $0xb8;
	[tilespmem:$0x11000] =	vst v63  }
0x51: {  	_ =	swait.ge [sflag:s26], $0x3400  }
0x52: {  	[sflag:s26] =	ssyncset.done $0x0  }
0x53: {  	[sflag:s26] =	ssyncadd.s32 $0xFFFFCC00  }
0x54: {  	[hbm4b:s10+s2] =	stream.linear.scatter [tilespmem:s31], [sflag:$0x6], $0x3400, $0x38;
	[tilespmem:$0x11000] =	vst v63  }
0x55: {  	_ =	swait.ge [sflag:s30], $0x3400  }
0x56: {  	[sflag:s30] =	ssyncset.done $0x0  }
0x57: {  	s8 =	simm.s32 $0x56C0;
	[sflag:s30] =	ssyncadd.s32 $0xFFFFCC00  }
0x58: {  	[tilespmem:s28], [sflag:$0x2] =	stream.indirect.gather [hbm4b:s3+s23], $0x10, s8, s23, $0xb8;
	[tilespmem:$0x11000] =	vst v63  }
0x59: {  	_ =	swait.ge [sflag:s29], $0x3400  }
0x5a: {  	[sflag:s29] =	ssyncset.done $0x0  }
0x5b: {  	[sflag:s29] =	ssyncadd.s32 $0xFFFFCC00  }
0x5c: {  	[hbm4b:s11+s2] =	stream.linear.scatter [tilespmem:s25], [sflag:$0x4], $0x3400, $0x38;
	[tilespmem:$0x11000] =	vst v63  }
0x5d: {  	_ =	swait.ge [sflag:s24], $0x3400  }
0x5e: {  	[sflag:s24] =	ssyncset.done $0x0  }
0x5f: {  	s7 =	simm.s32 $0x5A00;
	[sflag:s24] =	ssyncadd.s32 $0xFFFFCC00  }
0x60: {  	[tilespmem:s31], [sflag:$0x3] =	stream.indirect.gather [hbm4b:s3+s23], $0x10, s7, s23, $0xb8;
	[tilespmem:$0x11000] =	vst v63  }
0x61: {  	_ =	swait.ge [sflag:s0], $0x3400  }
0x62: {  	[sflag:s0] =	ssyncset.done $0x0  }
0x63: {  	[sflag:s0] =	ssyncadd.s32 $0xFFFFCC00  }
0x64: {  	[hbm4b:s12+s2] =	stream.linear.scatter [tilespmem:s28], [sflag:$0x5], $0x3400, $0x38;
	[tilespmem:$0x11000] =	vst v63  }
0x65: {  	_ =	swait.ge [sflag:s1], $0x3400  }
0x66: {  	[sflag:s1] =	ssyncset.done $0x0  }
0x67: {  	s8 =	simm.s32 $0x5D40;
	[sflag:s1] =	ssyncadd.s32 $0xFFFFCC00  }
0x68: {  	[tilespmem:s25], [sflag:$0x1] =	stream.indirect.gather [hbm4b:s3+s23], $0x10, s8, s23, $0xb8;
	[tilespmem:$0x11000] =	vst v63  }
0x69: {  	_ =	swait.ge [sflag:s26], $0x3400  }
0x6a: {  	[sflag:s26] =	ssyncset.done $0x0  }
0x6b: {  	[sflag:s26] =	ssyncadd.s32 $0xFFFFCC00  }
0x6c: {  	[hbm4b:s13+s2] =	stream.linear.scatter [tilespmem:s31], [sflag:$0x6], $0x3400, $0x38;
	[tilespmem:$0x11000] =	vst v63  }
0x6d: {  	_ =	swait.ge [sflag:s30], $0x3400  }
0x6e: {  	[sflag:s30] =	ssyncset.done $0x0  }
0x6f: {  	s7 =	simm.s32 $0x6080;
	[sflag:s30] =	ssyncadd.s32 $0xFFFFCC00  }
0x70: {  	[tilespmem:s28], [sflag:$0x2] =	stream.indirect.gather [hbm4b:s3+s23], $0x10, s7, s23, $0xb8;
	[tilespmem:$0x11000] =	vst v63  }
0x71: {  	_ =	swait.ge [sflag:s29], $0x3400  }
0x72: {  	[sflag:s29] =	ssyncset.done $0x0  }
0x73: {  	[sflag:s29] =	ssyncadd.s32 $0xFFFFCC00  }
0x74: {  	[hbm4b:s14+s2] =	stream.linear.scatter [tilespmem:s25], [sflag:$0x4], $0x3400, $0x38;
	[tilespmem:$0x11000] =	vst v63  }
0x75: {  	_ =	swait.ge [sflag:s24], $0x3400  }
0x76: {  	[sflag:s24] =	ssyncset.done $0x0  }
0x77: {  	s8 =	simm.s32 $0x63C0;
	[sflag:s24] =	ssyncadd.s32 $0xFFFFCC00  }
0x78: {  	[tilespmem:s31], [sflag:$0x3] =	stream.indirect.gather [hbm4b:s3+s23], $0x10, s8, s23, $0xb8;
	[tilespmem:$0x11000] =	vst v63  }
0x79: {  	_ =	swait.ge [sflag:s0], $0x3400  }
0x7a: {  	[sflag:s0] =	ssyncset.done $0x0  }
0x7b: {  	[sflag:s0] =	ssyncadd.s32 $0xFFFFCC00  }
0x7c: {  	[hbm4b:s15+s2] =	stream.linear.scatter [tilespmem:s28], [sflag:$0x5], $0x3400, $0x38;
	[tilespmem:$0x11000] =	vst v63  }
0x7d: {  	_ =	swait.ge [sflag:s1], $0x3400  }
0x7e: {  	[sflag:s1] =	ssyncset.done $0x0  }
0x7f: {  	s7 =	simm.s32 $0x6700;
	[sflag:s1] =	ssyncadd.s32 $0xFFFFCC00  }
0x80: {  	[tilespmem:s25], [sflag:$0x1] =	stream.indirect.gather [hbm4b:s3+s23], $0x10, s7, s23, $0xb8;
	[tilespmem:$0x11000] =	vst v63  }
0x81: {  	_ =	swait.ge [sflag:s26], $0x3400  }
0x82: {  	[sflag:s26] =	ssyncset.done $0x0  }
0x83: {  	[sflag:s26] =	ssyncadd.s32 $0xFFFFCC00  }
0x84: {  	[hbm4b:s16+s2] =	stream.linear.scatter [tilespmem:s31], [sflag:$0x6], $0x3400, $0x38;
	[tilespmem:$0x11000] =	vst v63  }
0x85: {  	_ =	swait.ge [sflag:s30], $0x3400  }
0x86: {  	[sflag:s30] =	ssyncset.done $0x0  }
0x87: {  	s8 =	simm.s32 $0x6A40;
	[sflag:s30] =	ssyncadd.s32 $0xFFFFCC00  }
0x88: {  	[tilespmem:s28], [sflag:$0x2] =	stream.indirect.gather [hbm4b:s3+s23], $0x10, s8, s23, $0xb8;
	[tilespmem:$0x11000] =	vst v63  }
0x89: {  	_ =	swait.ge [sflag:s29], $0x3400  }
0x8a: {  	[sflag:s29] =	ssyncset.done $0x0  }
0x8b: {  	[sflag:s29] =	ssyncadd.s32 $0xFFFFCC00  }
0x8c: {  	[hbm4b:s17+s2] =	stream.linear.scatter [tilespmem:s25], [sflag:$0x4], $0x3400, $0x38;
	[tilespmem:$0x11000] =	vst v63  }
0x8d: {  	_ =	swait.ge [sflag:s24], $0x3400  }
0x8e: {  	[sflag:s24] =	ssyncset.done $0x0  }
0x8f: {  	s7 =	simm.s32 $0x6D80;
	[sflag:s24] =	ssyncadd.s32 $0xFFFFCC00  }
0x90: {  	[tilespmem:s31], [sflag:$0x3] =	stream.indirect.gather [hbm4b:s3+s23], $0x10, s7, s23, $0xb8;
	[tilespmem:$0x11000] =	vst v63  }
0x91: {  	_ =	swait.ge [sflag:s0], $0x3400  }
0x92: {  	[sflag:s0] =	ssyncset.done $0x0  }
0x93: {  	[sflag:s0] =	ssyncadd.s32 $0xFFFFCC00  }
0x94: {  	[hbm4b:s18+s2] =	stream.linear.scatter [tilespmem:s28], [sflag:$0x5], $0x3400, $0x38;
	[tilespmem:$0x11000] =	vst v63  }
0x95: {  	_ =	swait.ge [sflag:s1], $0x3400  }
0x96: {  	[sflag:s1] =	ssyncset.done $0x0  }
0x97: {  	s8 =	simm.s32 $0x70C0;
	[sflag:s1] =	ssyncadd.s32 $0xFFFFCC00  }
0x98: {  	[tilespmem:s25], [sflag:$0x1] =	stream.indirect.gather [hbm4b:s3+s23], $0x10, s8, s23, $0xb8;
	[tilespmem:$0x11000] =	vst v63  }
0x99: {  	_ =	swait.ge [sflag:s26], $0x3400  }
0x9a: {  	[sflag:s26] =	ssyncset.done $0x0  }
0x9b: {  	[sflag:s26] =	ssyncadd.s32 $0xFFFFCC00  }
0x9c: {  	[hbm4b:s19+s2] =	stream.linear.scatter [tilespmem:s31], [sflag:$0x6], $0x3400, $0x38;
	[tilespmem:$0x11000] =	vst v63  }
0x9d: {  	_ =	swait.ge [sflag:s29], $0x3400  }
0x9e: {  	[sflag:s29] =	ssyncset.done $0x0  }
0x9f: {  	[sflag:s29] =	ssyncadd.s32 $0xFFFFCC00  }
0xa0: {  	[hbm4b:s20+s2] =	stream.linear.scatter [tilespmem:s25], [sflag:$0x4], $0x3400, $0x38;
	[tilespmem:$0x11000] =	vst v63  }
0xa1: {  	_ =	swait.ge [sflag:s30], $0x3400  }
0xa2: {  	[sflag:s30] =	ssyncset.done $0x0  }
0xa3: {  	s5 =	sadd.s32 $0x1, s5;
	[sflag:s30] =	ssyncadd.s32 $0xFFFFCC00  }
0xa4: {  	p0 =	sne.s32 s5, s21;
	_ =	swait.ge [sflag:s24], $0x3400  }
.Ltmp1:
0xa5: {  	[sflag:s24] =	ssyncset.done $0x0;
	(pc) =	sbr.rel @p0 .LBB2_1-.Ltmp1, $4  }
0xa6: {  	[sflag:s24] =	ssyncadd.s32 $0xFFFFCC00  }
0xa7: {  	_ =	swait.ge [sflag:s1], $0x3400  }
0xa8: {  	[sflag:s1] =	ssyncset.done $0x0  }
0xa9: {  	[sflag:s1] =	ssyncadd.s32 $0xFFFFCC00  }
0xaa: {  	_ =	sfence.sel $0x180000  }
0xab: {  	[bflag:$0x0] =	sbarrier.arrive $0xFFFF  }
0xac: {  	_ =	strace $0x9000004D  }
0xad: {  	s0 =	stileid.u32;
	[bflag:$0x2] =	sbarrier.arrive $0xFFFF  }
0xae: {  	p0 =	sne.s32 s0, $0x0;
	s0 =	rddreg [dreg:$0x2]  }
0xaf: {  	s0 =	sadd.s32 @!p0 $0x100000, s0  }
0xb0: {  	[sflag:s0] =	ssyncadd.tile.s32 @!p0 $0x1;
	_ =	shalt  }
.Lfunc_end2:
_tile_overlayer_lowered:
.L_overlay_start_2:
0xb1: {  	(tag) =	ssettag $0x2  }
0xb2: {  	s0 =	rddreg [dreg:$0x0];
	s2 =	stileid.u32  }
0xb3: {  	s1 =	rddreg [dreg:$0x1];
	p0 =	sne.s32 s2, $0x0  }
0xb4: {  	s3 =	rddreg [dreg:$0x2];
	[bflag:$0x3] =	sbarrier.arrive $0xFFFF;
	s2 =	simm.s32 @!p0 $0x1C07  }
0xb5: {  	[timem:s3], [sflag:s2] =	dma.local @!p0 [hbm:s0], s1  }
0xb6: {  	s0 =	simm.s32 @!p0 $0x7  }
0xb7: {  	_ =	swait.ge @!p0 [sflag:s0], s1  }
0xb8: {  	s1 =	ssub.s32 @!p0 $0x0, s1;
	[sflag:s0] =	ssyncset.done @!p0 $0x0  }
0xb9: {  	[sflag:s0] =	ssyncadd.s32 @!p0 s1  }
0xba: {  	[bflag:$0x3] =	sbarrier.arrive $0xFFFF  }
0xbb: {  	_ =	shalt  }

// kernel: sparse-core-data-format-call.1.cloned.1.call-start
scs
called_computation.1_lowered:
.L_overlay_start_0:
0x0: {  	s1 =	sld [smem:$0x3FD9]  }
0x1: {  	s2 =	sld [smem:$0x3FFE];
	_ =	sdelay $0x1  }
0x2: {  	s3 =	srdreg.scid  }
0x3: {  	s0 =	sand.u32 $0x1, s3  }
0x4: {  	s17 =	sshll.u32 s0, $0xA;
	s1 =	sadd.s32 s2, s1  }
0x5: {  	s1 =	sadd.s32 s1, s17  }
0x6: {  	[smem:$0x3FC6] =	sst s1  }
0x7: {  	_ = 	snop  }
0x8: {  	(tm) =	ssettm $0x1  }
0x9: {  	s18 =	sld [smem:$0x3FFB];
	_ =	sdelay $0x3  }
0xa: {  	_ =	strace s18  }
0xb: {  	s1 =	sld [smem:$0x3FFC];
	_ =	sdelay $0x3  }
0xc: {  	_ =	strace s1  }
0xd: {  	s1 =	sld [smem:$0x3FFD];
	_ =	sdelay $0x3  }
0xe: {  	_ =	strace s1  }
0xf: {  	_ =	strace $0x8FFFFFFF  }
0x10: {  	s19 =	sld [smem:$0x3FDB];
	_ =	sdelay $0x1  }
0x11: {  	s20 =	simm.s32 $_scs_section_size  }
0x12: {  	s4 =	simm.s32 $_size__tile_overlayer_lowered;
	s5 =	simm.s32 $_tile_overlayer_lowered  }
0x13: {  	s23 =	simm.s32 $0x1BFF;
	s22 =	sshll.u32 s5, $0x1;
	s1 =	sadd.s32 s20, s19  }
0x14: {  	s6 =	simm.s32 $0x0;
	s21 =	sshll.u32 s4, $0x1;
	s4 =	sadd.s32 s22, s1  }
0x15: {  	[timem:s6], [sflag:s23] =	dma.local [hbm:s4], s21  }
0x16: {  	_ =	swait.ge [sflag:s23], s21  }
0x17: {  	s2 =	ssub.s32 $0x0, s21;
	[sflag:s23] =	ssyncset.done $0x0  }
0x18: {  	[sflag:s23] =	ssyncadd.s32 s2;
	_ =	sdelay $0x1  }
0x19: {  	s24 =	simm.s32 $0x1B8B  }
0x1a: {  	_ =	swait.ge [sflag:s24], $0x1  }
0x1b: {  	[sflag:s24] =	ssyncset.done $0x0  }
0x1c: {  	s26 =	simm.s32 $0x1B8E;
	s25 =	sld [smem:$0x3FFE];
	[sflag:s24] =	ssyncadd.s32 $0xFFFFFFFF  }
0x1d: {  	s27 =	simm.s32 $execute0_lowered;
	[smem:$0x3FD2] =	sst s26  }
0x1e: {  	s4 =	sshll.u32 s27, $0x1;
	_ =	strace $0x80000049;
	[dreg:$0x1] =	wrdreg $0xFFFFFFFF  }
0x1f: {  	s28 =	simm.s32 $_size_execute0_lowered;
	s1 =	sadd.s32 s1, s4;
	[dreg:$0x0] =	wrdreg $0x0  }
0x20: {  	s4 =	sshll.u32 s28, $0x1;
	[dreg:$0x2] =	wrdreg s1  }
0x21: {  	[dreg:$0x3] =	wrdreg s4  }
0x22: {  	[dreg:$0x4] =	wrdreg $0xC0  }
0x23: {  	_ =	task [dreg:s6], $0x5FFFF  }
0x24: {  	[dreg:$0x1] =	wrdreg $0xFFFFFFFF  }
0x25: {  	[dreg:$0x0] =	wrdreg $0x60  }
0x26: {  	[dreg:$0x2] =	wrdreg s25  }
0x27: {  	[dreg:$0x3] =	wrdreg $0x9  }
0x28: {  	_ =	task.clear_ibuf [dreg:s6], $0x4FFFF;
	_ =	strace $0x90000049  }
0x29: {  	s29 =	simm.s32 $0x9;
	_ =	strace $0x8000004B  }
0x2a: {  	_ =	swait.ge [sflag:s29], $0x1  }
0x2b: {  	[sflag:s29] =	ssyncadd.s32 $0xFFFFFFFF  }
0x2c: {  	_ =	strace $0x9000004B  }
0x2d: {  	_ =	sfence  }
0x2e: {  	s30 =	sld [smem:$0x0];
	_ =	sdelay $0x2  }
0x2f: {  	s31 =	sshll.u32 s3, $0xD;
	s3 =	sshrl.u32 s3, $0x2  }
0x30: {  	s2 =	sand.u32 $0x4000, s31;
	s1 =	sadd.s32 s3, s30  }
0x31: {  	s0 =	sor.u32 s2, s0;
	s1 =	sshll.u32 s1, $0x11  }
0x32: {  	s0 =	sor.u32 s1, s0  }
0x33: {  	s0 =	sadd.s32 $0x8F2B, s0  }
0x34: {  	[sflag:s0] =	ssyncadd.remote.s32 $0x1  }
0x35: {  	_ =	sfence.sel $0xFFFF  }
0x36: {  	[dreg:$0x0] =	wrdreg $0xFFFFFFFF;
	(pc) =	sbr.abs _section_cstart, $3  }
0x37: {  	[dreg:$0x1] =	wrdreg $0xFFFFFFFF  }
0x38: {  	_ =	task.clear_ibuf [dreg:s6], $0x2FFFF;
	_ =	strace $0x9FFFFFFF  }
0x39: {  	(tm) =	ssettm $0x7FFFFFFF  }
tec
execute0_lowered:
.L_overlay_start_1:
0x0: {  	(tag) =	ssettag $0x1  }
0x1: {  	s0 =	srdreg.scid  }
0x2: {  	s5 =	rddreg [dreg:$0x0];
	s1 =	stileid.u32;
	s4 =	simm.s32 $0x1  }
0x3: {  	s6 =	simm.s32 $0x2;
	s8 =	simm.s32 $0x0;
	s2 =	sshll.u32 s0, $0x4  }
0x4: {  	s9 =	simm.s32 $0x0;
	s13 =	simm.s32 $0x0;
	s2 =	sand.u32 $0x10, s2  }
.Ltmp0:
0x5: {  	s10 =	simm.s32 $0x0;
	s3 =	sor.u32 s1, s2;
	(pc) =	sbr.rel .LBB1_1-.Ltmp0, $4  }
0x6: {  	s0 =	rddreg [dreg:$0x1];
	_ =	strace $0x8000004A;
	s3 =	sshll.u32 s3, $0x4  }
0x7: {  	s12 =	simm.s32 $0x0;
	[sflag:s4] =	ssyncpa.u1 $0x0;
	s7 =	ssub.s32 $0x9EB0, s3  }
0x8: {  	s2 =	sadd.s32 $0x4F6C00, s5;
	[sflag:s6] =	ssyncpa.u1 $0x0;
	s6 =	sshrl.u32 s7, $0x9  }
0x9: {  	s5 =	sadd.s32 $0x1200, s5;
	s11 =	smov.u32 s3;
	s7 =	sadd.s32 $0x2, s6  }
.LBB1_7:
0xa: {  	s15 =	sshll.u32 s12, $0xF  }
0xb: {  	s15 =	sand.u32 $0x8000, s15  }
0xc: {  	s16 =	sshll.u32 s10, $0x7;
	s15 =	sshrl.u32 s15, $0x1  }
0xd: {  	s16 =	sadd.s32 s5, s16;
	s15 =	sor.u32 $0x8000, s15  }
0xe: {  	[hbm4b:s16+s8] =	stream.linear.scatter [tilespmem:s15], [sflag:$0x2], s14, $0x38;
	[tilespmem:$0x10000] =	vst v63  }
.LBB1_8:
0xf: {  	p0 =	slt.u32 s12, $0x2  }
0x10: {  	p1 =	sgt.s32 @!p0 s13, $0x9EA1  }
0x11: {  	s14 =	smov.u32 s13;
	s15 =	sshra.s32 @!p0 s13, $0x1F;
	p1 =	por !p1, p0  }
0x12: {  	s13 =	sand.u32 @!p0 s15, s13;
	s14 =	simm.s32 @p1 $0x9EA1  }
0x13: {  	s13 =	ssub.s32 @!p0 s14, s13  }
0x14: {  	s13 =	sadd.s32 @!p0 $0xFFFF615F, s13  }
0x15: {  	s14 =	sshll.u32 @!p0 s13, $0xC  }
0x16: {  	p1 =	sgt.s32 @!p0 s13, $0xF;
	s13 =	ssub.s32 @!p0 $0x10000, s14  }
0x17: {  	s15 =	sadd.s32 $0x200, s11;
	p1 =	por !p1, p0;
	s13 =	sshrl.u32 @!p0 s13, $0x2  }
0x18: {  	s13 =	simm.s32 @!p1 $0x0;
	p1 =	sgt.s32 s15, $0x9EB0  }
0x19: {  	s15 =	smov.u32 @p1 s3;
	p1 =	sne.s32 s12, s7  }
.Ltmp1:
0x1a: {  	_ = 	snop;
	(pc) =	sbr.rel @!p1 .LBB1_9-.Ltmp1, $4  }
0x1b: {  	s14 =	simm.s32 @!p0 $0x2  }
0x1c: {  	s9 =	sadd.s32 $0x8000, s9;
	_ =	swait.ge @!p0 [sflag:s14], s13;
	s16 =	ssub.s32 @!p0 $0x0, s13  }
0x1d: {  	s13 =	smov.u32 s10;
	s12 =	sadd.s32 $0x1, s12;
	[sflag:s14] =	ssyncset.done @!p0 $0x0  }
0x1e: {  	s10 =	smov.u32 s11;
	s11 =	smov.u32 s15;
	[sflag:s14] =	ssyncadd.s32 @!p0 s16  }
.LBB1_1:
0x1f: {  	p0 =	sgt.u32 s12, s6  }
0x20: {  	p1 =	sgt.s32 @!p0 s11, $0x9EA1  }
0x21: {  	s14 =	smov.u32 s11;
	s15 =	sshra.s32 @!p0 s11, $0x1F;
	p1 =	por !p1, p0  }
0x22: {  	s15 =	sand.u32 @!p0 s15, s11;
	s14 =	simm.s32 @p1 $0x9EA1  }
0x23: {  	s14 =	ssub.s32 @!p0 s14, s15  }
0x24: {  	s14 =	sadd.s32 @!p0 $0xFFFF615F, s14  }
0x25: {  	s16 =	sshll.u32 @!p0 s11, $0x7;
	s17 =	simm.s32 @!p0 $0x0;
	s15 =	sshll.u32 @!p0 s14, $0xC  }
0x26: {  	p1 =	sgt.s32 @!p0 s14, $0xF;
	s14 =	ssub.s32 @!p0 $0x10000, s15;
	s15 =	sxor.u32 @!p0 $0xFFFFFFFF, s12  }
0x27: {  	p1 =	por !p1, p0;
	s14 =	sshrl.u32 @!p0 s14, $0x2;
	s15 =	sshll.u32 @!p0 s15, $0xE  }
0x28: {  	s16 =	sadd.s32 @!p0 s2, s16;
	s14 =	simm.s32 @!p1 $0x0;
	s15 =	sand.u32 @!p0 $0x4000, s15  }
0x29: {  	[tilespmem:s15], [sflag:$0x1] =	stream.linear.gather @!p0 [hbm4b:s16+s17], s14, $0x38;
	[tilespmem:$0x10000] =	vst v63  }
0x2a: {  	p0 =	seq.s32 s12, $0x0  }
0x2b: {  	p1 =	sge.u32 @!p0 s12, s7  }
0x2c: {  	p0 =	por p0, p1  }
.Ltmp2:
0x2d: {  	_ = 	snop;
	(pc) =	sbr.rel @p0 .LBB1_8-.Ltmp2, $1  }
0x2e: {  	_ =	sdelay $0x3  }
0x2f: {  	p0 =	sgt.s32 s10, $0x9EA1;
	s14 =	smov.u32 s10;
	s15 =	sshra.s32 s10, $0x1F  }
0x30: {  	s14 =	simm.s32 @!p0 $0x9EA1;
	s15 =	sand.u32 s15, s10  }
0x31: {  	s14 =	ssub.s32 s14, s15  }
0x32: {  	s16 =	sadd.s32 $0x10, s10;
	s14 =	sadd.s32 $0xFFFF615F, s14  }
0x33: {  	p1 =	slt.s32 s16, $0x9EB1;
	s30 =	sshll.u32 s14, $0xC  }
0x34: {  	s16 =	simm.s32 @!p1 $0x9EB1;
	s15 =	ssub.s32 $0x10000, s30  }
0x35: {  	p0 =	sgt.s32 s14, $0xF;
	s14 =	sshrl.u32 s15, $0x2;
	s15 =	ssub.s32 s16, s10  }
0x36: {  	s14 =	simm.s32 @p0 $0x0;
	p0 =	slt.s32 s15, $0x1  }
.Ltmp3:
0x37: {  	_ = 	snop;
	(pc) =	sbr.rel @p0 .LBB1_7-.Ltmp3, $4  }
0x38: {  	_ = 	snop  }
0x39: {  	_ =	swait.ge [sflag:s4], s14  }
0x3a: {  	s31 =	ssub.s32 $0x0, s14;
	[sflag:s4] =	ssyncset.done $0x0  }
0x3b: {  	[sflag:s4] =	ssyncadd.s32 s31  }
0x3c: {  	s16 =	sshrl.u32 s9, $0x1  }
0x3d: {  	s17 =	sand.u32 $0x4000, s16  }
0x3e: {  	s18 =	simm.s32 $0x0;
	s16 =	sor.u32 $0x200, s17;
	s17 =	sor.u32 $0x8080, s17  }
.LBB1_4:
0x3f: {  	v0 =	vld [tilespmem:s16+$0xFFFFFE70]  }
0x40: {  	v1 =	vld [tilespmem:s16+$0x70]  }
0x41: {  	v2 =	vld [tilespmem:s16+$0x0]  }
0x42: {  	v3 =	vld [tilespmem:s16+$0xFFFFFE10]  }
0x43: {  	v4 =	vld [tilespmem:s16+$0x10]  }
0x44: {  	v5 =	vld [tilespmem:s16+$0xFFFFFE20]  }
0x45: {  	v7 =	vld [tilespmem:s16+$0x20]  }
0x46: {  	v11 =	vld [tilespmem:s16+$0x30];
	v6 =	vunpack.i.l.s16.s32 v0;
	v8 =	vunpack.i.u.s16.s32 v0;
	v9 =	vunpack.i.u.s16.s32 v1  }
0x47: {  	v10 =	vunpack.i.l.s16.s32 v1;
	v0 =	vunpack.i.u.s16.s32 v2;
	v1 =	vunpack.i.l.s16.s32 v2;
	v2 =	vld [tilespmem:s16+$0xFFFFFE30]  }
0x48: {  	v8 =	vpack.i.b32.b16 v9, v8;
	v9 =	vunpack.i.u.s16.s32 v3;
	v3 =	vunpack.i.l.s16.s32 v3  }
0x49: {  	v12 =	vld [tilespmem:s16+$0xFFFFFE40];
	v6 =	vpack.i.b32.b16 v10, v6;
	[tilespmem:s17+$0x70] =	vst v8;
	v8 =	vunpack.i.u.s16.s32 v4;
	v4 =	vunpack.i.l.s16.s32 v4  }
0x4a: {  	v13 =	vld [tilespmem:s16+$0x40];
	v10 =	vunpack.i.u.s16.s32 v5;
	v5 =	vunpack.i.l.s16.s32 v5;
	[tilespmem:s17+$0xFFFFFFF0] =	vst v6;
	v3 =	vpack.i.b32.b16 v4, v3  }
0x4b: {  	v6 =	vunpack.i.l.s16.s32 v7;
	v4 =	vld [tilespmem:s16+$0xFFFFFE50];
	[tilespmem:s17+$0xFFFFFF90] =	vst v3;
	v3 =	vpack.i.b32.b16 v8, v9;
	v8 =	vunpack.i.u.s16.s32 v7  }
0x4c: {  	v7 =	vunpack.i.l.s16.s32 v11;
	[tilespmem:s17+$0x10] =	vst v3;
	v3 =	vpack.i.b32.b16 v6, v5;
	v9 =	vunpack.i.u.s16.s32 v2;
	v6 =	vld [tilespmem:s16+$0x50]  }
0x4d: {  	v5 =	vunpack.i.l.s16.s32 v2;
	v2 =	vld [tilespmem:s16+$0xFFFFFE60];
	[tilespmem:s17+$0xFFFFFFA0] =	vst v3;
	v3 =	vpack.i.b32.b16 v8, v10;
	v10 =	vunpack.i.u.s16.s32 v11  }
0x4e: {  	s21 =	simm.s32 $0x0;
	v11 =	vpack.i.b32.b16 v7, v5;
	v7 =	vunpack.i.u.s16.s32 v12;
	v8 =	vunpack.i.l.s16.s32 v12;
	[tilespmem:s17+$0x20] =	vst v3;
	v3 =	vld [tilespmem:s16+$0x60]  }
0x4f: {  	s22 =	sadd.s32 $0x80, s16;
	s20 =	smov.u32 s17;
	s19 =	smov.u32 s17;
	v5 =	vld [tilespmem:s16+$0xFFFFFE00];
	[tilespmem:s17+$0xFFFFFFB0] =	vst v11;
	v10 =	vpack.i.b32.b16 v10, v9;
	v9 =	vunpack.i.u.s16.s32 v13;
	v11 =	vunpack.i.l.s16.s32 v13  }
.LBB1_5:
0x50: {  	v12 =	vld [tilespmem:s22+$0xFFFFFE70];
	[tilespmem:s20+$0x30] =	vst v10;
	v8 =	vpack.i.b32.b16 v11, v8;
	v10 =	vunpack.i.u.s16.s32 v4;
	v4 =	vunpack.i.l.s16.s32 v4  }
0x51: {  	s21 =	sadd.s32 $0x2, s21;
	v7 =	vpack.i.b32.b16 v9, v7;
	v11 =	vld [tilespmem:s22+$0x70];
	[tilespmem:s20+$0xFFFFFFC0] =	vst v8;
	v8 =	vunpack.i.u.s16.s32 v6;
	v6 =	vunpack.i.l.s16.s32 v6  }
0x52: {  	p0 =	slt.u32 s21, $0x6;
	v9 =	vld [tilespmem:s22+$0x0];
	[tilespmem:s20+$0x40] =	vst v7;
	v4 =	vpack.i.b32.b16 v6, v4;
	v6 =	vunpack.i.u.s16.s32 v2;
	v2 =	vunpack.i.l.s16.s32 v2  }
0x53: {  	v7 =	vld [tilespmem:s22+$0xFFFFFE10];
	[tilespmem:s20+$0xFFFFFFD0] =	vst v4;
	v4 =	vpack.i.b32.b16 v8, v10;
	v8 =	vunpack.i.u.s16.s32 v3;
	v3 =	vunpack.i.l.s16.s32 v3  }
0x54: {  	v10 =	vld [tilespmem:s22+$0x10];
	v13 =	vunpack.i.u.s16.s32 v5;
	v5 =	vunpack.i.l.s16.s32 v5;
	[tilespmem:s20+$0x50] =	vst v4;
	v2 =	vpack.i.b32.b16 v3, v2  }
0x55: {  	v3 =	vld [tilespmem:s22+$0xFFFFFE20];
	v4 =	vunpack.i.l.s16.s32 v12;
	v1 =	vpack.i.b32.b16 v1, v5;
	v5 =	vpack.i.b32.b16 v0, v13;
	[tilespmem:s20+$0xFFFFFFE0] =	vst v2  }
0x56: {  	v12 =	vunpack.i.u.s16.s32 v12;
	v2 =	vld [tilespmem:s22+$0x20];
	v13 =	vunpack.i.u.s16.s32 v11;
	v11 =	vunpack.i.l.s16.s32 v11;
	[tilespmem:s20+$0xFFFFFF80] =	vst v1  }
0x57: {  	s20 =	sadd.s32 $0x100, s20;
	v0 =	vunpack.i.u.s16.s32 v9;
	v1 =	vunpack.i.l.s16.s32 v9;
	v9 =	vld [tilespmem:s22+$0xFFFFFE30];
	v12 =	vpack.i.b32.b16 v13, v12;
	[tilespmem:s19+$0x0] =	vst v5  }
0x58: {  	v6 =	vpack.i.b32.b16 v8, v6;
	v5 =	vunpack.i.u.s16.s32 v7;
	v7 =	vunpack.i.l.s16.s32 v7;
	v13 =	vld [tilespmem:s22+$0x30];
	[tilespmem:s20+$0x70] =	vst v12  }
0x59: {  	v4 =	vpack.i.b32.b16 v11, v4;
	v8 =	vunpack.i.u.s16.s32 v10;
	v10 =	vunpack.i.l.s16.s32 v10;
	v12 =	vld [tilespmem:s22+$0xFFFFFE40];
	[tilespmem:s19+$0x60] =	vst v6;
	s19 =	smov.u32 s20  }
0x5a: {  	v6 =	vpack.i.b32.b16 v10, v7;
	v7 =	vunpack.i.u.s16.s32 v3;
	v3 =	vunpack.i.l.s16.s32 v3;
	v11 =	vld [tilespmem:s22+$0x40];
	[tilespmem:s20+$0xFFFFFFF0] =	vst v4  }
.Ltmp4:
0x5b: {  	v5 =	vpack.i.b32.b16 v8, v5;
	[tilespmem:s20+$0xFFFFFF90] =	vst v6;
	v8 =	vunpack.i.u.s16.s32 v2;
	v2 =	vunpack.i.l.s16.s32 v2;
	v4 =	vld [tilespmem:s22+$0xFFFFFE50];
	(pc) =	sbr.rel @p0 .LBB1_5-.Ltmp4, $4  }
0x5c: {  	[tilespmem:s20+$0x10] =	vst v5;
	v2 =	vpack.i.b32.b16 v2, v3;
	v10 =	vunpack.i.u.s16.s32 v9;
	v3 =	vunpack.i.l.s16.s32 v9;
	v6 =	vld [tilespmem:s22+$0x50]  }
0x5d: {  	v5 =	vpack.i.b32.b16 v8, v7;
	[tilespmem:s20+$0xFFFFFFA0] =	vst v2;
	v9 =	vunpack.i.u.s16.s32 v13;
	v7 =	vunpack.i.l.s16.s32 v13;
	v2 =	vld [tilespmem:s22+$0xFFFFFE60]  }
0x5e: {  	[tilespmem:s20+$0x20] =	vst v5;
	v13 =	vpack.i.b32.b16 v7, v3;
	v7 =	vunpack.i.u.s16.s32 v12;
	v8 =	vunpack.i.l.s16.s32 v12;
	v3 =	vld [tilespmem:s22+$0x60]  }
0x5f: {  	v10 =	vpack.i.b32.b16 v9, v10;
	v5 =	vld [tilespmem:s22+$0xFFFFFE00];
	[tilespmem:s20+$0xFFFFFFB0] =	vst v13;
	v9 =	vunpack.i.u.s16.s32 v11;
	v11 =	vunpack.i.l.s16.s32 v11;
	s22 =	sadd.s32 $0x80, s22  }
0x60: {  	[tilespmem:s20+$0x30] =	vst v10;
	v8 =	vpack.i.b32.b16 v11, v8  }
0x61: {  	v51 =	vunpack.i.l.s16.s32 v4;
	v7 =	vpack.i.b32.b16 v9, v7;
	[tilespmem:s20+$0xFFFFFFC0] =	vst v8;
	v52 =	vunpack.i.l.s16.s32 v6  }
0x62: {  	v53 =	vunpack.i.u.s16.s32 v4;
	s18 =	sadd.s32 $0x1, s18;
	v54 =	vunpack.i.u.s16.s32 v6;
	[tilespmem:s20+$0x40] =	vst v7;
	v55 =	vpack.i.b32.b16 v52, v51  }
0x63: {  	p0 =	sne.s32 s18, s15;
	v56 =	vunpack.i.l.s16.s32 v2;
	v4 =	vpack.i.b32.b16 v54, v53;
	[tilespmem:s20+$0xFFFFFFD0] =	vst v55;
	v57 =	vunpack.i.l.s16.s32 v3  }
.Ltmp5:
0x64: {  	[tilespmem:s20+$0x50] =	vst v4;
	v58 =	vunpack.i.l.s16.s32 v5;
	v59 =	vpack.i.b32.b16 v57, v56;
	(pc) =	sbr.rel @p0 .LBB1_4-.Ltmp5, $4  }
.Ltmp6:
0x65: {  	v61 =	vunpack.i.u.s16.s32 v2;
	v62 =	vunpack.i.u.s16.s32 v3;
	v1 =	vpack.i.b32.b16 v1, v58;
	[tilespmem:s20+$0xFFFFFFE0] =	vst v59;
	(pc) =	sbr.rel @!p0 .LBB1_7-.Ltmp6, $4  }
0x66: {  	v60 =	vunpack.i.u.s16.s32 v5;
	v63 =	vpack.i.b32.b16 v62, v61;
	[tilespmem:s20+$0xFFFFFF80] =	vst v1  }
0x67: {  	v0 =	vpack.i.b32.b16 v0, v60;
	[tilespmem:s19+$0x60] =	vst v63  }
0x68: {  	s16 =	sadd.s32 $0x400, s16;
	s17 =	sadd.s32 $0x400, s17;
	[tilespmem:s19+$0x0] =	vst v0  }
0x69: {  	_ = 	snop  }
.LBB1_9:
0x6a: {  	_ =	sfence.sel $0x180000  }
0x6b: {  	s2 =	simm.s32 $0x1;
	[bflag:$0x0] =	sbarrier.arrive $0xFFFF  }
0x6c: {  	s31 =	simm.s32 $0x2;
	[sflag:s2] =	ssyncpa.u1 $0x1  }
0x6d: {  	[sflag:s31] =	ssyncpa.u1 $0x1  }
0x6e: {  	p0 =	sne.s32 s1, $0x0;
	_ =	strace $0x9000004A  }
0x6f: {  	s0 =	sadd.s32 @!p0 $0x100000, s0;
	[bflag:$0x2] =	sbarrier.arrive $0xFFFF  }
0x70: {  	[sflag:s0] =	ssyncadd.tile.s32 @!p0 $0x1;
	_ =	shalt  }
.Lfunc_end1:
_tile_overlayer_lowered:
.L_overlay_start_2:
0x71: {  	(tag) =	ssettag $0x2  }
0x72: {  	s0 =	rddreg [dreg:$0x0];
	s2 =	stileid.u32  }
0x73: {  	s1 =	rddreg [dreg:$0x1];
	p0 =	sne.s32 s2, $0x0  }
0x74: {  	s3 =	rddreg [dreg:$0x2];
	[bflag:$0x3] =	sbarrier.arrive $0xFFFF;
	s2 =	simm.s32 @!p0 $0x1C01  }
0x75: {  	[timem:s3], [sflag:s2] =	dma.local @!p0 [hbm:s0], s1  }
0x76: {  	s0 =	simm.s32 @!p0 $0x1  }
0x77: {  	_ =	swait.ge @!p0 [sflag:s0], s1  }
0x78: {  	s1 =	ssub.s32 @!p0 $0x0, s1;
	[sflag:s0] =	ssyncset.done @!p0 $0x0  }
0x79: {  	[sflag:s0] =	ssyncadd.s32 @!p0 s1  }
0x7a: {  	[bflag:$0x3] =	sbarrier.arrive $0xFFFF  }
0x7b: {  	_ =	shalt  }

// kernel: sparse-core-data-format-call.2.cloned.1.call-start
scs
called_computation.2_lowered:
.L_overlay_start_0:
0x0: {  	s1 =	sld [smem:$0x3FD9]  }
0x1: {  	s2 =	sld [smem:$0x3FFE];
	_ =	sdelay $0x1  }
0x2: {  	s3 =	srdreg.scid  }
0x3: {  	s0 =	sand.u32 $0x1, s3  }
0x4: {  	s17 =	sshll.u32 s0, $0xA;
	s1 =	sadd.s32 s2, s1  }
0x5: {  	s1 =	sadd.s32 s1, s17  }
0x6: {  	[smem:$0x3FC6] =	sst s1  }
0x7: {  	_ = 	snop  }
0x8: {  	(tm) =	ssettm $0x1  }
0x9: {  	s18 =	sld [smem:$0x3FFB];
	_ =	sdelay $0x3  }
0xa: {  	_ =	strace s18  }
0xb: {  	s1 =	sld [smem:$0x3FFC];
	_ =	sdelay $0x3  }
0xc: {  	_ =	strace s1  }
0xd: {  	s1 =	sld [smem:$0x3FFD];
	_ =	sdelay $0x3  }
0xe: {  	_ =	strace s1  }
0xf: {  	_ =	strace $0x8FFFFFFF  }
0x10: {  	s19 =	sld [smem:$0x3FDB];
	_ =	sdelay $0x1  }
0x11: {  	s20 =	simm.s32 $_scs_section_size  }
0x12: {  	s4 =	simm.s32 $_size__tile_overlayer_lowered;
	s5 =	simm.s32 $_tile_overlayer_lowered  }
0x13: {  	s23 =	simm.s32 $0x1BFF;
	s22 =	sshll.u32 s5, $0x1;
	s1 =	sadd.s32 s20, s19  }
0x14: {  	s6 =	simm.s32 $0x0;
	s21 =	sshll.u32 s4, $0x1;
	s4 =	sadd.s32 s22, s1  }
0x15: {  	[timem:s6], [sflag:s23] =	dma.local [hbm:s4], s21  }
0x16: {  	_ =	swait.ge [sflag:s23], s21  }
0x17: {  	s2 =	ssub.s32 $0x0, s21;
	[sflag:s23] =	ssyncset.done $0x0  }
0x18: {  	[sflag:s23] =	ssyncadd.s32 s2;
	_ =	sdelay $0x1  }
0x19: {  	s24 =	simm.s32 $0x1B8B  }
0x1a: {  	_ =	swait.ge [sflag:s24], $0x1  }
0x1b: {  	[sflag:s24] =	ssyncset.done $0x0  }
0x1c: {  	s26 =	simm.s32 $0x1B8E;
	s25 =	sld [smem:$0x3FFE];
	[sflag:s24] =	ssyncadd.s32 $0xFFFFFFFF  }
0x1d: {  	s27 =	simm.s32 $execute0_lowered;
	[smem:$0x3FD2] =	sst s26  }
0x1e: {  	s4 =	sshll.u32 s27, $0x1;
	_ =	strace $0x80000046;
	[dreg:$0x1] =	wrdreg $0xFFFFFFFF  }
0x1f: {  	s28 =	simm.s32 $_size_execute0_lowered;
	s1 =	sadd.s32 s1, s4;
	[dreg:$0x0] =	wrdreg $0x0  }
0x20: {  	s4 =	sshll.u32 s28, $0x1;
	[dreg:$0x2] =	wrdreg s1  }
0x21: {  	[dreg:$0x3] =	wrdreg s4  }
0x22: {  	[dreg:$0x4] =	wrdreg $0xC0  }
0x23: {  	_ =	task [dreg:s6], $0x5FFFF  }
0x24: {  	[dreg:$0x1] =	wrdreg $0xFFFFFFFF  }
0x25: {  	[dreg:$0x0] =	wrdreg $0x60  }
0x26: {  	[dreg:$0x2] =	wrdreg s25  }
0x27: {  	[dreg:$0x3] =	wrdreg $0x9  }
0x28: {  	_ =	task.clear_ibuf [dreg:s6], $0x4FFFF;
	_ =	strace $0x90000046  }
0x29: {  	s29 =	simm.s32 $0x9;
	_ =	strace $0x80000048  }
0x2a: {  	_ =	swait.ge [sflag:s29], $0x1  }
0x2b: {  	[sflag:s29] =	ssyncadd.s32 $0xFFFFFFFF  }
0x2c: {  	_ =	strace $0x90000048  }
0x2d: {  	_ =	sfence  }
0x2e: {  	s30 =	sld [smem:$0x0];
	_ =	sdelay $0x2  }
0x2f: {  	s31 =	sshll.u32 s3, $0xD;
	s3 =	sshrl.u32 s3, $0x2  }
0x30: {  	s2 =	sand.u32 $0x4000, s31;
	s1 =	sadd.s32 s3, s30  }
0x31: {  	s0 =	sor.u32 s2, s0;
	s1 =	sshll.u32 s1, $0x11  }
0x32: {  	s0 =	sor.u32 s1, s0  }
0x33: {  	s0 =	sadd.s32 $0x8F2B, s0  }
0x34: {  	[sflag:s0] =	ssyncadd.remote.s32 $0x1  }
0x35: {  	_ =	sfence.sel $0xFFFF  }
0x36: {  	[dreg:$0x0] =	wrdreg $0xFFFFFFFF;
	(pc) =	sbr.abs _section_cstart, $3  }
0x37: {  	[dreg:$0x1] =	wrdreg $0xFFFFFFFF  }
0x38: {  	_ =	task.clear_ibuf [dreg:s6], $0x2FFFF;
	_ =	strace $0x9FFFFFFF  }
0x39: {  	(tm) =	ssettm $0x7FFFFFFF  }
tec
execute0_lowered:
.L_overlay_start_1:
0x0: {  	(tag) =	ssettag $0x1  }
0x1: {  	s0 =	srdreg.scid  }
0x2: {  	s5 =	rddreg [dreg:$0x0];
	s1 =	stileid.u32;
	s4 =	simm.s32 $0x1  }
0x3: {  	s6 =	simm.s32 $0x2;
	s15 =	simm.s32 $0x0;
	p0 =	por $0x0, $0x0  }
0x4: {  	s8 =	simm.s32 $0x80;
	s14 =	simm.s32 $0x0;
	s2 =	sshll.u32 s0, $0x4  }
0x5: {  	s9 =	simm.s32 $0x0;
	s10 =	simm.s32 $0x0;
	s2 =	sand.u32 $0x10, s2  }
.Ltmp0:
0x6: {  	s12 =	simm.s32 $0x0;
	s3 =	sor.u32 s1, s2;
	(pc) =	sbr.rel .LBB1_1-.Ltmp0, $4  }
0x7: {  	s0 =	rddreg [dreg:$0x1];
	_ =	strace $0x80000047;
	s3 =	sshll.u32 s3, $0x7  }
0x8: {  	s13 =	simm.s32 $0x0;
	[sflag:s4] =	ssyncpa.u1 $0x0;
	s7 =	ssub.s32 $0x27AC00, s3  }
0x9: {  	s2 =	sadd.s32 $0x1200, s5;
	[sflag:s6] =	ssyncpa.u1 $0x0;
	s6 =	sshrl.u32 s7, $0xC  }
0xa: {  	s5 =	sadd.s32 $0x4F6C00, s5;
	s11 =	smov.u32 s3;
	s7 =	sadd.s32 $0x2, s6  }
.LBB1_5:
0xb: {  	p1 =	slt.u32 s13, $0x2  }
0xc: {  	s17 =	smov.u32 s15;
	p2 =	sgt.s32 @!p1 s15, $0x27ABC0;
	s16 =	sshra.s32 @!p1 s15, $0x1F  }
0xd: {  	p3 =	sgt.s32 @!p1 s14, $0x60;
	s18 =	sshra.s32 @!p1 s14, $0x1F;
	p2 =	por !p2, p1  }
0xe: {  	s15 =	sand.u32 @!p1 s16, s15;
	p3 =	por !p3, p1;
	s16 =	smov.u32 s14  }
0xf: {  	s14 =	sand.u32 @!p1 s18, s14;
	s17 =	simm.s32 @p2 $0x27ABC0;
	s16 =	simm.s32 @p3 $0x60  }
0x10: {  	s15 =	ssub.s32 @!p1 s17, s15;
	s14 =	ssub.s32 @!p1 s16, s14  }
0x11: {  	s18 =	smov.u32 s12;
	s16 =	sadd.s32 @!p1 $0xFFD85440, s15;
	s17 =	sadd.s32 @!p1 $0xFFFFFFA0, s14  }
0x12: {  	s15 =	ssub.s32 @!p1 $0x27AC40, s15;
	p2 =	sgt.s32 @!p1 s16, $0x7F;
	p3 =	sgt.s32 @!p1 s17, $0x1F  }
0x13: {  	s14 =	ssub.s32 @!p1 $0x80, s14;
	p2 =	por !p2, p1;
	p3 =	por !p3, p1  }
0x14: {  	s16 =	sadd.s32 $0x1000, s11;
	s15 =	simm.s32 @!p2 $0x0;
	s14 =	simm.s32 @!p3 $0x0  }
0x15: {  	p2 =	sgt.s32 s16, $0x27AC3F;
	s14 =	smul.u32 @!p1 s14, s15;
	s15 =	sadd.s32 $0x20, s12  }
0x16: {  	s18 =	smov.u32 @p2 s15  }
0x17: {  	s16 =	smov.u32 @p2 s3;
	p2 =	sgt.s32 s18, $0x1F  }
0x18: {  	p0 =	por !p0, !p0;
	s18 =	simm.s32 @p2 $0x0;
	p2 =	sne.s32 s13, s7  }
.Ltmp1:
0x19: {  	s17 =	simm.s32 @!p1 $0x2;
	s14 =	sshrl.u32 @!p1 s14, $0x1;
	(pc) =	sbr.rel @!p2 .LBB1_6-.Ltmp1, $4  }
0x1a: {  	s15 =	smov.u32 s9;
	s9 =	smov.u32 s11;
	s14 =	sand.u32 @!p1 $0x3FFFFFFF, s14  }
0x1b: {  	s11 =	smov.u32 s16;
	s13 =	sadd.s32 $0x1, s13;
	_ =	swait.ge @!p1 [sflag:s17], s14  }
0x1c: {  	s19 =	ssub.s32 @!p1 $0x0, s14;
	s14 =	smov.u32 s10;
	[sflag:s17] =	ssyncset.done @!p1 $0x0  }
0x1d: {  	s10 =	smov.u32 s12;
	s12 =	smov.u32 s18;
	[sflag:s17] =	ssyncadd.s32 @!p1 s19  }
.LBB1_1:
0x1e: {  	p1 =	sgt.u32 s13, s6  }
0x1f: {  	s16 =	sshrl.u32 @!p1 s12, $0x3  }
0x20: {  	s17 =	sshll.u32 @!p1 s11, $0x3;
	s16 =	smul.u32 @!p1 $0x13D6400, s16  }
0x21: {  	s18 =	sshll.u32 @!p1 s12, $0x7;
	s17 =	sand.u32 @!p1 $0xFFFFFC00, s17  }
0x22: {  	s16 =	sadd.s32 @!p1 s16, s17;
	s17 =	sand.u32 @!p1 $0x300, s18;
	s18 =	sshll.u32 @!p1 s11, $0x1  }
0x23: {  	s16 =	sor.u32 @!p1 s17, s16;
	s17 =	sand.u32 @!p1 $0xFE, s18  }
0x24: {  	s18 =	sand.u32 @!p1 $0x1, s12;
	s16 =	sor.u32 @!p1 s17, s16  }
0x25: {  	s17 =	sor.u32 @!p1 s18, s16  }
0x26: {  	s18 =	smulhi.u32 @!p1 $0xCE7BD5B5, s17;
	_ =	sdelay $0x1  }
0x27: {  	s16 =	smulhi.u32 @!p1 $0xCE7BD5B5, s16;
	s18 =	sshrl.u32 @!p1 s18, $0x15  }
0x28: {  	s18 =	smul.u32 @!p1 $0x27AC80, s18  }
0x29: {  	s16 =	sshrl.u32 @!p1 s16, $0x15  }
0x2a: {  	s16 =	sand.u32 @!p1 $0x1F, s16;
	s17 =	ssub.s32 @!p1 s17, s18  }
0x2b: {  	s16 =	smul.u32 @!p1 $0x27AC8, s16;
	s18 =	sshrl.u32 @!p1 s17, $0x4  }
0x2c: {  	s19 =	sxor.u32 @!p1 $0xFFFFFFFF, s13;
	s17 =	sshll.u32 @!p1 s17, $0x11;
	s18 =	sadd.s32 @!p1 s2, s18  }
0x2d: {  	s17 =	sand.u32 @!p1 $0x1C0000, s17;
	s16 =	sadd.s32 @!p1 s16, s18;
	s18 =	sshll.u32 @!p1 s19, $0xB  }
0x2e: {  	s17 =	sor.u32 @!p1 $0x200, s17;
	s19 =	simm.s32 @!p1 $0x9EB200;
	s18 =	sand.u32 @!p1 $0x800, s18  }
0x2f: {  	[tilespmem:s18], [sflag:$0x1] =	stream.strided.gather @!p1 [hbm4b:s16+s17], $0x800, s19, s17, $0x38;
	[tilespmem:$0x2080] =	vst v63  }
0x30: {  	p1 =	seq.s32 s13, $0x0  }
0x31: {  	p2 =	sge.u32 @!p1 s13, s7  }
0x32: {  	p1 =	por p1, p2  }
.Ltmp2:
0x33: {  	_ = 	snop;
	(pc) =	sbr.rel @p1 .LBB1_5-.Ltmp2, $1  }
0x34: {  	_ =	sdelay $0x3  }
0x35: {  	s16 =	simm.s32 $0x1  }
0x36: {  	_ =	swait.ge [sflag:s4], $0x800;
	s16 =	simm.s32 @!p0 $0x0  }
0x37: {  	[sflag:s4] =	ssyncset.done $0x0;
	s16 =	sshll.u32 s16, $0xB  }
0x38: {  	[sflag:s4] =	ssyncadd.s32 $0xFFFFF800;
	s16 =	sor.u32 $0x40, s16  }
0x39: {  	v0 =	vld [tilespmem:s16+$0x20]  }
0x3a: {  	v1 =	vld [tilespmem:s16+$0x30]  }
0x3b: {  	v2 =	vld [tilespmem:s16+$0xFFFFFFD0]  }
0x3c: {  	v5 =	vld [tilespmem:s16+$0x0]  }
0x3d: {  	v6 =	vld [tilespmem:s16+$0x10]  }
0x3e: {  	s17 =	sand.u32 $0x1, s13;
	v3 =	vld [tilespmem:s16+$0xFFFFFFE0]  }
0x3f: {  	s17 =	smul.u32 $0x2100, s17;
	v4 =	vld [tilespmem:s16+$0xFFFFFFF0]  }
0x40: {  	s18 =	simm.s32 $0x0;
	v1 =	vperm.xlane.i2c.b16 v1  }
0x41: {  	s19 =	sand.u32 $0x1C, s18;
	s17 =	sshrl.u32 s17, $0x2;
	v8 =	vld [tilespmem:s16+$0xFFFFFFC0];
	s20 =	sadd.s32 $0x80, s16;
	v7 =	vperm.xlane.i2c.b16 v0;
	v0 =	vperm.xlane.i2c.b16 v2  }
0x42: {  	s30 =	sand.u32 $0x20, s18;
	s31 =	sshrl.u32 s19, $0x1;
	s16 =	sor.u32 $0x1000, s17;
	v11 =	vld [tilespmem:s20+$0x30];
	v10 =	vperm.xlane.i2c.b16 v5;
	v13 =	vperm.xlane.i2c.b16 v6  }
0x43: {  	s17 =	sshrl.u32 s30, $0x1;
	s18 =	sadd.s32 s31, s16;
	v2 =	vld [tilespmem:s20+$0x20];
	v3 =	vperm.xlane.i2c.b16 v3;
	v9 =	vcombine.low v7, v1  }
0x44: {  	v12 =	vld [tilespmem:s20+$0xFFFFFFD0];
	s17 =	sadd.s32 s17, s18;
	v4 =	vperm.xlane.i2c.b16 v4;
	v14 =	vcombine.low v10, v13  }
0x45: {  	v1 =	vcombine.high v7, v1;
	v7 =	vld [tilespmem:s20+$0xFFFFFFE0];
	[tilespmem:s17+$0x630 ss:$0x21] =	vst.msk $0xffff, v9  }
0x46: {  	v5 =	vld [tilespmem:s20+$0xFFFFFFF0];
	v6 =	vperm.xlane.i2c.b16 v8;
	v9 =	vcombine.low v3, v4;
	[tilespmem:s17+$0x420 ss:$0x21] =	vst.msk $0xffff, v14  }
0x47: {  	s18 =	simm.s32 $0x4;
	v8 =	vperm.xlane.i2c.b16 v11;
	[tilespmem:s17+$0x631 ss:$0x21] =	vst.msk $0xffff, v1;
	v1 =	vcombine.high v3, v4;
	v4 =	vld [tilespmem:s20+$0x0]  }
0x48: {  	s19 =	simm.s32 $0x2;
	s22 =	sand.u32 $0x1C, s18;
	v10 =	vcombine.high v10, v13;
	v3 =	vld [tilespmem:s20+$0x10];
	[tilespmem:s17+$0x210 ss:$0x21] =	vst.msk $0xffff, v9;
	v9 =	vperm.xlane.i2c.b16 v2  }
0x49: {  	s21 =	sand.u32 $0x20, s18;
	s22 =	sshrl.u32 s22, $0x1;
	v11 =	vcombine.low v6, v0;
	v2 =	vld [tilespmem:s20+$0xFFFFFFC0];
	s20 =	sadd.s32 $0x80, s20;
	[tilespmem:s17+$0x211 ss:$0x21] =	vst.msk $0xffff, v1;
	v1 =	vperm.xlane.i2c.b16 v12  }
.LBB1_3:
0x4a: {  	v12 =	vld [tilespmem:s20+$0x20];
	s22 =	sadd.s32 s22, s16;
	s21 =	sshrl.u32 s21, $0x1;
	v13 =	vperm.xlane.i2c.b16 v7;
	v7 =	vcombine.low v9, v8;
	[tilespmem:s17+$0x421 ss:$0x21] =	vst.msk $0xffff, v10  }
0x4b: {  	s19 =	sadd.s32 $0x2, s19;
	v14 =	vld [tilespmem:s20+$0x30];
	s21 =	sadd.s32 s21, s22;
	v10 =	vperm.xlane.i2c.b16 v5;
	v5 =	vcombine.high v9, v8;
	[tilespmem:s17+$0x0 ss:$0x21] =	vst.msk $0xffff, v11  }
0x4c: {  	p1 =	slt.u32 s19, $0x1E;
	v11 =	vld [tilespmem:s20+$0xFFFFFFD0];
	v8 =	vperm.xlane.i2c.b16 v4;
	[tilespmem:s21+$0x630 ss:$0x21] =	vst.msk $0xffff, v7;
	v4 =	vcombine.high v6, v0;
	v0 =	vmov v1  }
.Ltmp3:
0x4d: {  	v7 =	vld [tilespmem:s20+$0xFFFFFFE0];
	v1 =	vcombine.low v13, v10;
	v3 =	vperm.xlane.i2c.b16 v3;
	[tilespmem:s21+$0x631 ss:$0x21] =	vst.msk $0xffff, v5;
	(pc) =	sbr.rel @p1 .LBB1_3-.Ltmp3, $4  }
0x4e: {  	v5 =	vld [tilespmem:s20+$0xFFFFFFF0];
	v6 =	vperm.xlane.i2c.b16 v2;
	v2 =	vcombine.high v13, v10;
	[tilespmem:s17+$0x1 ss:$0x21] =	vst.msk $0xffff, v4;
	s17 =	smov.u32 s21  }
0x4f: {  	s18 =	sadd.s32 $0x4, s18;
	v4 =	vld [tilespmem:s20+$0x0];
	[tilespmem:s17+$0x210 ss:$0x21] =	vst.msk $0xffff, v1;
	v13 =	vcombine.low v8, v3;
	v10 =	vcombine.high v8, v3  }
0x50: {  	s22 =	sand.u32 $0x1C, s18;
	v9 =	vperm.xlane.i2c.b16 v12;
	v3 =	vld [tilespmem:s20+$0x10];
	v8 =	vperm.xlane.i2c.b16 v14;
	[tilespmem:s17+$0x211 ss:$0x21] =	vst.msk $0xffff, v2  }
0x51: {  	s22 =	sshrl.u32 s22, $0x1;
	s21 =	sand.u32 $0x20, s18;
	v2 =	vld [tilespmem:s20+$0xFFFFFFC0];
	v1 =	vperm.xlane.i2c.b16 v11;
	s20 =	sadd.s32 $0x80, s20;
	v11 =	vcombine.low v6, v0;
	[tilespmem:s17+$0x420 ss:$0x21] =	vst.msk $0xffff, v13  }
0x52: {  	s18 =	sshll.u32 s9, $0x7  }
0x53: {  	s19 =	sshll.u32 s10, $0x3;
	s31 =	sadd.s32 s22, s16;
	s22 =	sshll.u32 s10, $0x1  }
0x54: {  	p1 =	sgt.s32 s9, $0x27ABC0;
	s23 =	sshra.s32 s9, $0x1F;
	s24 =	sshra.s32 s10, $0x1F  }
0x55: {  	s21 =	sshrl.u32 s21, $0x1;
	s20 =	sand.u32 $0xFFFFFC00, s18;
	s19 =	sand.u32 $0xFFFFFC00, s19  }
0x56: {  	s18 =	sand.u32 $0x300, s18;
	s23 =	sand.u32 s23, s9;
	s19 =	sadd.s32 s19, s20  }
0x57: {  	s18 =	sor.u32 s18, s19;
	s19 =	sand.u32 $0x80, s22;
	s22 =	smov.u32 s9  }
0x58: {  	s20 =	sadd.s32 s21, s31;
	s18 =	sor.u32 s19, s18;
	s22 =	simm.s32 @!p1 $0x27ABC0  }
0x59: {  	v7 =	vperm.xlane.i2c.b16 v7;
	[tilespmem:s17+$0x421 ss:$0x21] =	vst.msk $0xffff, v10;
	v0 =	vcombine.high v6, v0;
	p1 =	sgt.s32 s10, $0x60;
	s19 =	ssub.s32 s22, s23;
	s22 =	smov.u32 s10  }
0x5a: {  	v58 =	vcombine.low v9, v8;
	v5 =	vperm.xlane.i2c.b16 v5;
	[tilespmem:s17+$0x0 ss:$0x21] =	vst.msk $0xffff, v11;
	s18 =	sshrl.u32 s18, $0x7;
	s23 =	sand.u32 s24, s10;
	s22 =	simm.s32 @!p1 $0x60  }
0x5b: {  	v59 =	vcombine.high v9, v8;
	v4 =	vperm.xlane.i2c.b16 v4;
	[tilespmem:s17+$0x1 ss:$0x21] =	vst.msk $0xffff, v0;
	s25 =	smulhi.u32 $0xCE7D23, s18;
	s26 =	sadd.s32 $0xFFD85440, s19;
	s22 =	ssub.s32 s22, s23  }
0x5c: {  	[tilespmem:s20+$0x630 ss:$0x21] =	vst.msk $0xffff, v58;
	v60 =	vcombine.low v7, v5;
	v3 =	vperm.xlane.i2c.b16 v3;
	s17 =	ssub.s32 $0x27AC40, s19;
	p1 =	sgt.s32 s26, $0x7F;
	s27 =	sadd.s32 $0xFFFFFFA0, s22  }
0x5d: {  	v5 =	vcombine.high v7, v5;
	[tilespmem:s20+$0x631 ss:$0x21] =	vst.msk $0xffff, v59;
	s28 =	sshrl.u32 s25, $0xD;
	s21 =	ssub.s32 $0x80, s22;
	p2 =	sgt.s32 s27, $0x1F  }
0x5e: {  	v2 =	vperm.xlane.i2c.b16 v2;
	[tilespmem:s20+$0x210 ss:$0x21] =	vst.msk $0xffff, v60;
	v61 =	vcombine.low v4, v3;
	s17 =	simm.s32 @p1 $0x0;
	s19 =	smul.u32 $0x27AC40, s28;
	s21 =	simm.s32 @p2 $0x0  }
0x5f: {  	v3 =	vcombine.high v4, v3;
	[tilespmem:s20+$0x211 ss:$0x21] =	vst.msk $0xffff, v5;
	s17 =	smul.u32 s21, s17  }
.Ltmp4:
0x60: {  	s29 =	sshrl.u32 s10, $0x3;
	s30 =	sand.u32 $0x7, s10;
	v62 =	vcombine.low v2, v1;
	[tilespmem:s20+$0x420 ss:$0x21] =	vst.msk $0xffff, v61;
	(pc) =	sbr.rel .LBB1_5-.Ltmp4, $4  }
0x61: {  	v63 =	vcombine.high v2, v1;
	[tilespmem:s20+$0x421 ss:$0x21] =	vst.msk $0xffff, v3;
	s18 =	ssub.s32 s18, s19;
	s19 =	sand.u32 $0x7, s29;
	s21 =	sshll.u32 s30, $0x12  }
0x62: {  	[tilespmem:s20+$0x0 ss:$0x21] =	vst.msk $0xffff, v62;
	s18 =	sshll.u32 s18, $0x3;
	s19 =	sadd.s32 s5, s19;
	s17 =	sshrl.u32 s17, $0x1  }
0x63: {  	[tilespmem:s20+$0x1 ss:$0x21] =	vst.msk $0xffff, v63;
	s31 =	sor.u32 $0x20, s21;
	s18 =	sadd.s32 s18, s19;
	s17 =	sand.u32 $0x3FFFFFFF, s17  }
0x64: {  	[hbm4b:s18+s31] =	stream.strided.scatter [tilespmem:s16], [sflag:$0x2], s17, s8, s31, $0x10;
	[tilespmem:$0x2080] =	vst v63  }
.LBB1_6:
0x65: {  	_ =	sfence.sel $0x180000  }
0x66: {  	s2 =	simm.s32 $0x1;
	[bflag:$0x0] =	sbarrier.arrive $0xFFFF  }
0x67: {  	s31 =	simm.s32 $0x2;
	[sflag:s2] =	ssyncpa.u1 $0x1  }
0x68: {  	[sflag:s31] =	ssyncpa.u1 $0x1  }
0x69: {  	p0 =	sne.s32 s1, $0x0;
	_ =	strace $0x90000047  }
0x6a: {  	s0 =	sadd.s32 @!p0 $0x100000, s0;
	[bflag:$0x2] =	sbarrier.arrive $0xFFFF  }
0x6b: {  	[sflag:s0] =	ssyncadd.tile.s32 @!p0 $0x1;
	_ =	shalt  }
.Lfunc_end1:
_tile_overlayer_lowered:
.L_overlay_start_2:
0x6c: {  	(tag) =	ssettag $0x2  }
0x6d: {  	s0 =	rddreg [dreg:$0x0];
	s2 =	stileid.u32  }
0x6e: {  	s1 =	rddreg [dreg:$0x1];
	p0 =	sne.s32 s2, $0x0  }
0x6f: {  	s3 =	rddreg [dreg:$0x2];
	[bflag:$0x3] =	sbarrier.arrive $0xFFFF;
	s2 =	simm.s32 @!p0 $0x1C01  }
0x70: {  	[timem:s3], [sflag:s2] =	dma.local @!p0 [hbm:s0], s1  }
0x71: {  	s0 =	simm.s32 @!p0 $0x1  }
0x72: {  	_ =	swait.ge @!p0 [sflag:s0], s1  }
0x73: {  	s1 =	ssub.s32 @!p0 $0x0, s1;
	[sflag:s0] =	ssyncset.done @!p0 $0x0  }
0x74: {  	[sflag:s0] =	ssyncadd.s32 @!p0 s1  }
0x75: {  	[bflag:$0x3] =	sbarrier.arrive $0xFFFF  }
0x76: {  	_ =	shalt  }

// kernel: sparse-core-data-format-call.cloned.1.call-start
scs
called_computation_lowered:
.L_overlay_start_0:
0x0: {  	s2 =	sld [smem:$0x3FD9]  }
0x1: {  	s3 =	sld [smem:$0x3FFE];
	_ =	sdelay $0x1  }
0x2: {  	s1 =	srdreg.scid  }
0x3: {  	s0 =	sand.u32 $0x1, s1  }
0x4: {  	s18 =	sshll.u32 s0, $0xA;
	s2 =	sadd.s32 s3, s2  }
0x5: {  	s2 =	sadd.s32 s2, s18  }
0x6: {  	[smem:$0x3FC6] =	sst s2  }
0x7: {  	_ = 	snop  }
0x8: {  	s2 =	sld [smem:$0x3FD0];
	(tm) =	ssettm $0x1  }
0x9: {  	s19 =	sld [smem:$0x3FFB];
	_ =	sdelay $0x3  }
0xa: {  	_ =	strace s19  }
0xb: {  	s3 =	sld [smem:$0x3FFC];
	_ =	sdelay $0x3  }
0xc: {  	_ =	strace s3  }
0xd: {  	s3 =	sld [smem:$0x3FFD];
	_ =	sdelay $0x3  }
0xe: {  	_ =	strace s3  }
0xf: {  	_ =	strace $0x8FFFFFFF  }
0x10: {  	s20 =	sld [smem:$0x3FDB];
	_ =	sdelay $0x1  }
0x11: {  	s4 =	simm.s32 $_scs_section_size  }
0x12: {  	s5 =	simm.s32 $_size__tile_overlayer_lowered;
	s6 =	simm.s32 $_tile_overlayer_lowered  }
0x13: {  	s23 =	simm.s32 $0x1BFF;
	s22 =	sshll.u32 s6, $0x1;
	s3 =	sadd.s32 s4, s20  }
0x14: {  	s7 =	simm.s32 $0x0;
	s21 =	sshll.u32 s5, $0x1;
	s5 =	sadd.s32 s22, s3  }
0x15: {  	[timem:s7], [sflag:s23] =	dma.local [hbm:s5], s21  }
0x16: {  	_ =	swait.ge [sflag:s23], s21  }
0x17: {  	s4 =	ssub.s32 $0x0, s21;
	[sflag:s23] =	ssyncset.done $0x0  }
0x18: {  	[sflag:s23] =	ssyncadd.s32 s4;
	_ =	sdelay $0x1  }
0x19: {  	s24 =	simm.s32 $0x1B8B  }
0x1a: {  	_ =	swait.ge [sflag:s24], $0x1  }
0x1b: {  	[sflag:s24] =	ssyncset.done $0x0  }
0x1c: {  	s26 =	simm.s32 $0x1B8E;
	s25 =	sld [smem:$0x3FFE];
	[sflag:s24] =	ssyncadd.s32 $0xFFFFFFFF  }
0x1d: {  	s27 =	simm.s32 $execute0_lowered;
	[smem:$0x3FD2] =	sst s26  }
0x1e: {  	s5 =	sshll.u32 s27, $0x1;
	_ =	strace $0x8000004F;
	[dreg:$0x1] =	wrdreg $0xFFFFFFFF  }
0x1f: {  	s28 =	simm.s32 $_size_execute0_lowered;
	s3 =	sadd.s32 s3, s5;
	[dreg:$0x0] =	wrdreg $0x0  }
0x20: {  	s5 =	sshll.u32 s28, $0x1;
	[dreg:$0x2] =	wrdreg s3  }
0x21: {  	[dreg:$0x3] =	wrdreg s5  }
0x22: {  	[dreg:$0x4] =	wrdreg $0xC0  }
0x23: {  	_ =	task [dreg:s7], $0x5FFFF  }
0x24: {  	[dreg:$0x1] =	wrdreg $0xFFFFFFFF  }
0x25: {  	[dreg:$0x0] =	wrdreg $0x60  }
0x26: {  	[dreg:$0x2] =	wrdreg s25  }
0x27: {  	[dreg:$0x3] =	wrdreg s2  }
0x28: {  	[dreg:$0x4] =	wrdreg $0x9  }
0x29: {  	_ =	task.clear_ibuf [dreg:s7], $0x5FFFF;
	_ =	strace $0x9000004F  }
0x2a: {  	s29 =	simm.s32 $0x9;
	_ =	strace $0x80000051  }
0x2b: {  	_ =	swait.ge [sflag:s29], $0x1  }
0x2c: {  	[sflag:s29] =	ssyncadd.s32 $0xFFFFFFFF  }
0x2d: {  	_ =	strace $0x90000051  }
0x2e: {  	_ =	sfence  }
0x2f: {  	s30 =	sld [smem:$0x0];
	_ =	sdelay $0x2  }
0x30: {  	s31 =	sshll.u32 s1, $0xD;
	s1 =	sshrl.u32 s1, $0x2  }
0x31: {  	s3 =	sand.u32 $0x4000, s31;
	s1 =	sadd.s32 s1, s30  }
0x32: {  	s0 =	sor.u32 s3, s0;
	s1 =	sshll.u32 s1, $0x11  }
0x33: {  	s0 =	sor.u32 s1, s0  }
0x34: {  	s0 =	sadd.s32 $0x8F2B, s0  }
0x35: {  	[sflag:s0] =	ssyncadd.remote.s32 $0x1  }
0x36: {  	_ =	sfence.sel $0xFFFF  }
0x37: {  	[dreg:$0x0] =	wrdreg $0xFFFFFFFF;
	(pc) =	sbr.abs _section_cstart, $3  }
0x38: {  	[dreg:$0x1] =	wrdreg $0xFFFFFFFF  }
0x39: {  	_ =	task.clear_ibuf [dreg:s7], $0x2FFFF;
	_ =	strace $0x9FFFFFFF  }
0x3a: {  	(tm) =	ssettm $0x7FFFFFFF  }
0x3b: {  	_ =	shalt  }
tec
execute0_lowered:
.L_overlay_start_1:
0x0: {  	(tag) =	ssettag $0x1  }
0x1: {  	s0 =	srdreg.scid  }
0x2: {  	s1 =	sshll.u32 s0, $0x4  }
0x3: {  	s0 =	stileid.u32;
	s1 =	sand.u32 $0x10, s1  }
0x4: {  	s1 =	sor.u32 s0, s1  }
0x5: {  	s6 =	rddreg [dreg:$0x0];
	s4 =	simm.s32 $0x1;
	s2 =	sshll.u32 s1, $0x7  }
0x6: {  	s7 =	simm.s32 $0x2;
	s12 =	simm.s32 $0x0;
	s1 =	ssub.s32 $0x4000, s2  }
0x7: {  	s8 =	simm.s32 $0x20000;
	s13 =	simm.s32 $0x0;
	s3 =	sand.u32 $0xF80, s1  }
0x8: {  	s9 =	simm.s32 $0x0;
	s5 =	sshrl.u32 s1, $0xC;
	p0 =	sne.s32 s3, $0x0  }
.Ltmp0:
0x9: {  	s1 =	rddreg [dreg:$0x2];
	s4 =	simm.s32 @!p0 $0x0;
	(pc) =	sbr.rel .LBB1_1-.Ltmp0, $4  }
0xa: {  	s11 =	simm.s32 $0x0;
	s3 =	rddreg [dreg:$0x1];
	s5 =	sadd.s32 s4, s5  }
0xb: {  	_ =	strace $0x80000050;
	s4 =	simm.s32 $0x1;
	s5 =	smul.u32 $0x1A, s5  }
0xc: {  	s6 =	sadd.s32 $0x341200, s6;
	s10 =	smov.u32 s2;
	[sflag:s4] =	ssyncpa.u1 $0x0  }
0xd: {  	p0 =	por $0x0, $0x0;
	[sflag:s7] =	ssyncpa.u1 $0x0;
	s7 =	sor.u32 $0x1, s5  }
.LBB1_4:
0xe: {  	s16 =	sshll.u32 s13, $0x3;
	s17 =	sand.u32 $0x78, s13  }
0xf: {  	s30 =	sand.u32 $0xF800, s13;
	s12 =	sshll.u32 s12, $0x10;
	s16 =	sand.u32 $0x3C00, s16  }
0x10: {  	s31 =	sand.u32 $0x7, s13;
	s16 =	sor.u32 s17, s16;
	s17 =	sadd.s32 s3, s30  }
0x11: {  	s13 =	sshll.u32 s31, $0x12;
	s16 =	sshrl.u32 s16, $0x3;
	s12 =	sadd.s32 s12, s17  }
0x12: {  	[tilespmem:s15+$0x0 ss:$0x81] =	vst.msk $0xffff, v0;
	s13 =	sor.u32 $0x400, s13;
	s12 =	sadd.s32 s16, s12  }
0x13: {  	[hbm4b:s12+s13] =	stream.strided.scatter [tilespmem:s14], [sflag:$0x2], $0x1000, s8, s13, $0x20;
	[tilespmem:$0x4040] =	vst v63  }
.LBB1_5:
0x14: {  	s14 =	sadd.s32 $0x1, s9  }
0x15: {  	s12 =	sadd.s32 $0x1000, s10;
	s16 =	smov.u32 s10;
	p2 =	sgt.s32 s14, $0x19  }
0x16: {  	s16 =	smov.u32 @p2 s12  }
0x17: {  	s14 =	simm.s32 @p2 $0x0;
	p2 =	sgt.s32 s16, $0x3FFF  }
0x18: {  	s16 =	smov.u32 @p2 s2;
	p2 =	sne.s32 s11, s7  }
.Ltmp1:
0x19: {  	p1 =	slt.u32 s11, $0x2;
	(pc) =	sbr.rel @!p2 .LBB1_6-.Ltmp1, $4  }
0x1a: {  	s15 =	simm.s32 @!p1 $0x2  }
0x1b: {  	s13 =	smov.u32 s10;
	p0 =	por !p0, !p0;
	_ =	swait.ge @!p1 [sflag:s15], $0x1000  }
0x1c: {  	s12 =	smov.u32 s9;
	[sflag:s15] =	ssyncset.done @!p1 $0x0;
	s9 =	smov.u32 s14  }
0x1d: {  	s11 =	sadd.s32 $0x1, s11;
	[sflag:s15] =	ssyncadd.s32 @!p1 $0xFFFFF000;
	s10 =	smov.u32 s16  }
.LBB1_1:
0x1e: {  	p1 =	sge.u32 s11, s5  }
0x1f: {  	s31 =	sadd.s32 $0xFFFFFFFF, s11;
	s14 =	sxor.u32 @!p1 $0xFFFFFFFF, s11  }
0x20: {  	s15 =	sshll.u32 @!p1 s10, $0x9;
	s16 =	sshll.u32 @!p1 s9, $0x4;
	s17 =	simm.s32 @!p1 $0x1000  }
0x21: {  	s14 =	sshll.u32 @!p1 s14, $0xC;
	s16 =	sand.u32 @!p1 $0x1F0, s16;
	s15 =	sadd.s32 @!p1 s6, s15  }
0x22: {  	s14 =	sand.u32 @!p1 $0x1000, s14;
	s15 =	sadd.s32 @!p1 s16, s15;
	s16 =	simm.s32 @!p1 $0x20  }
0x23: {  	[tilespmem:s14], [sflag:$0x1] =	stream.strided.gather @!p1 [hbm4b:s15+s16], $0x1000, s17, s16, $0x38;
	[tilespmem:$0x4040] =	vst v63  }
0x24: {  	p1 =	sge.u32 s31, s5  }
.Ltmp2:
0x25: {  	_ = 	snop;
	(pc) =	sbr.rel @p1 .LBB1_5-.Ltmp2, $1  }
0x26: {  	_ =	sdelay $0x3  }
0x27: {  	s14 =	simm.s32 $0x1  }
0x28: {  	_ =	swait.ge [sflag:s4], $0x1000;
	s14 =	simm.s32 @!p0 $0x0  }
0x29: {  	[sflag:s4] =	ssyncset.done $0x0;
	s15 =	sshll.u32 s14, $0xC  }
0x2a: {  	[sflag:s4] =	ssyncadd.s32 $0xFFFFF000;
	s18 =	sor.u32 $0x10, s15  }
0x2b: {  	s14 =	smul.u32 $0x4080, s14;
	v1 =	vld [tilespmem:s18+$0x0]  }
0x2c: {  	s30 =	sand.u32 $0x1, s11;
	v0 =	vld [tilespmem:s18+$0xFFFFFFF0]  }
0x2d: {  	s15 =	smul.u32 $0x4080, s30;
	s14 =	sshrl.u32 s14, $0x2  }
0x2e: {  	s16 =	sor.u32 $0x2000, s14  }
0x2f: {  	s31 =	sshrl.u32 s15, $0x2;
	s15 =	sadd.s32 $0x0, s16  }
0x30: {  	s17 =	simm.s32 $0x4;
	s18 =	sadd.s32 $0x20, s18;
	s14 =	sor.u32 $0x2000, s31;
	[tilespmem:s15+$0x810 ss:$0x81] =	vst.msk $0xffff, v1  }
.LBB1_3:
0x31: {  	v1 =	vld [tilespmem:s18+$0x0];
	p1 =	sne.s32 s17, $0x1FC;
	[tilespmem:s15+$0x0 ss:$0x81] =	vst.msk $0xffff, v0;
	s15 =	smov.u32 s17;
	s17 =	sadd.s32 $0x4, s17  }
.Ltmp3:
0x32: {  	v0 =	vld [tilespmem:s18+$0xFFFFFFF0];
	(pc) =	sbr.rel @p1 .LBB1_3-.Ltmp3, $4  }
0x33: {  	_ = 	snop  }
0x34: {  	s15 =	sshra.s32 s15, $0x2  }
0x35: {  	s15 =	sadd.s32 s15, s16  }
0x36: {  	s18 =	sadd.s32 $0x20, s18;
	[tilespmem:s15+$0x810 ss:$0x81] =	vst.msk $0xffff, v1  }
.Ltmp4:
0x37: {  	_ = 	snop;
	(pc) =	sbr.rel .LBB1_4-.Ltmp4, $1  }
0x38: {  	_ =	sdelay $0x3  }
.LBB1_6:
0x39: {  	_ =	sfence.sel $0x180000  }
0x3a: {  	s2 =	simm.s32 $0x1;
	[bflag:$0x0] =	sbarrier.arrive $0xFFFF  }
0x3b: {  	s31 =	simm.s32 $0x2;
	[sflag:s2] =	ssyncpa.u1 $0x1  }
0x3c: {  	[sflag:s31] =	ssyncpa.u1 $0x1  }
0x3d: {  	p0 =	sne.s32 s0, $0x0;
	_ =	strace $0x90000050  }
0x3e: {  	s0 =	sadd.s32 @!p0 $0x100000, s1;
	[bflag:$0x2] =	sbarrier.arrive $0xFFFF  }
0x3f: {  	[sflag:s0] =	ssyncadd.tile.s32 @!p0 $0x1;
	_ =	shalt  }
.Lfunc_end1:
_tile_overlayer_lowered:
.L_overlay_start_2:
0x40: {  	(tag) =	ssettag $0x2  }
0x41: {  	s0 =	rddreg [dreg:$0x0];
	s2 =	stileid.u32  }
0x42: {  	s1 =	rddreg [dreg:$0x1];
	p0 =	sne.s32 s2, $0x0  }
0x43: {  	s3 =	rddreg [dreg:$0x2];
	[bflag:$0x3] =	sbarrier.arrive $0xFFFF;
	s2 =	simm.s32 @!p0 $0x1C01  }
0x44: {  	[timem:s3], [sflag:s2] =	dma.local @!p0 [hbm:s0], s1  }
0x45: {  	s0 =	simm.s32 @!p0 $0x1  }
0x46: {  	_ =	swait.ge @!p0 [sflag:s0], s1  }
0x47: {  	s1 =	ssub.s32 @!p0 $0x0, s1;
	[sflag:s0] =	ssyncset.done @!p0 $0x0  }
0x48: {  	[sflag:s0] =	ssyncadd.s32 @!p0 s1  }
0x49: {  	[bflag:$0x3] =	sbarrier.arrive $0xFFFF  }
0x4a: {  	_ =	shalt  }

</sc_bundles>
